<compile_context>
chip_gen: v7x
topology: tpu7x:2x2x1
jax: 0.10.2.dev20260603
libtpu: 0.0.44.dev20260713+nightly
codegen_flags: <defaults>
</compile_context>

<pallas_src>
import functools
import math

import jax
import jax.numpy as jnp
from jax import lax
from jax.experimental import pallas as pl
from jax.experimental.pallas import tpu as pltpu
from jax.experimental.pallas import tpu_sc as plsc

B, S, DIM, HEADS = 1, 2048, 1024, 16
HEAD = DIM // HEADS
TEN, TOPK, EDIM, SDIM = 8, 2, 512, 1024
EPS, THETA, RSF = 1e-5, 10000.0, 1.0

SB = 256
QB = 512
NEG = -1e30

f32 = jnp.float32
bf16 = jnp.bfloat16


KC = 256
HALF = HEAD // 2


def _k0_body(x_ref, w_ref, xn_ref, ta_ref, tb_ref):
    i = pl.program_id(0)
    x = x_ref[...]
    xn = x * jax.lax.rsqrt(jnp.mean(x * x, axis=-1, keepdims=True) + EPS)
    xn_ref[...] = (xn * w_ref[...]).astype(bf16)
    pos = jax.lax.broadcasted_iota(jnp.int32, (SB, KC), 0).astype(f32) + i * SB
    colv = jax.lax.broadcasted_iota(jnp.int32, (SB, KC), 1)
    k = (colv % HALF).astype(f32)
    inv = jnp.exp(k * (2.0 / HEAD) * math.log(1.0 / THETA))
    fr = pos * inv
    ta_ref[...] = jnp.cos(fr)
    sgn = jnp.where((colv // HALF) % 2 == 0, 1.0, -1.0)
    tb_ref[...] = jnp.sin(fr) * sgn


def _k0(x, attn_norm_w):
    return pl.pallas_call(
        _k0_body,
        grid=(S // SB,),
        in_specs=[
            pl.BlockSpec((SB, DIM), lambda i: (i, 0)),
            pl.BlockSpec((1, DIM), lambda i: (0, 0)),
        ],
        out_specs=[
            pl.BlockSpec((SB, DIM), lambda i: (i, 0)),
            pl.BlockSpec((SB, KC), lambda i: (i, 0)),
            pl.BlockSpec((SB, KC), lambda i: (i, 0)),
        ],
        out_shape=[
            jax.ShapeDtypeStruct((S, DIM), bf16),
            jax.ShapeDtypeStruct((S, KC), f32),
            jax.ShapeDtypeStruct((S, KC), f32),
        ],
    )(x, attn_norm_w)


NH_BLK = KC // HEAD


def _k1_prep(r, ta, tb, scale):
    col = jax.lax.broadcasted_iota(jnp.int32, (KC, KC), 0)
    row = jax.lax.broadcasted_iota(jnp.int32, (KC, KC), 1)
    gmat = (col // HEAD == row // HEAD).astype(f32)
    pmat = (row == (col // HEAD) * HEAD + (col % HEAD + HALF) % HEAD).astype(f32)
    z = r * r
    ss = jax.lax.dot_general(z, gmat, (((1,), (0,)), ((), ())),
                             preferred_element_type=f32)
    yn = r / jnp.maximum(jnp.sqrt(ss), EPS)
    sw = jax.lax.dot_general(yn, pmat, (((1,), (0,)), ((), ())),
                             preferred_element_type=f32)
    return ((yn * ta + sw * tb) * scale).astype(bf16)


def _k1_body(xn_ref, w_ref, ta_ref, tb_ref, out_ref):
    c = pl.program_id(1)
    r = jnp.dot(xn_ref[...], w_ref[...].astype(bf16),
                preferred_element_type=f32)
    nq = DIM // KC
    scale = 1.0 / math.sqrt(float(HEAD))

    @pl.when(c < nq)
    def _():
        out_ref[...] = _k1_prep(r, ta_ref[...], tb_ref[...], scale)

    @pl.when((c >= nq) & (c < 2 * nq))
    def _():
        out_ref[...] = _k1_prep(r, ta_ref[...], tb_ref[...], 1.0)

    @pl.when(c >= 2 * nq)
    def _():
        out_ref[...] = r.astype(bf16)


def _k1(xn, qkv_w, ta, tb):
    NC = 3 * DIM // KC
    return pl.pallas_call(
        _k1_body,
        grid=(S // QB, NC),
        in_specs=[
            pl.BlockSpec((QB, DIM), lambda s, c: (s, 0)),
            pl.BlockSpec((DIM, KC), lambda s, c: (0, c)),
            pl.BlockSpec((QB, KC), lambda s, c: (s, 0)),
            pl.BlockSpec((QB, KC), lambda s, c: (s, 0)),
        ],
        out_specs=pl.BlockSpec((QB, KC), lambda s, c: (s, c)),
        out_shape=jax.ShapeDtypeStruct((S, 3 * DIM), bf16),
    )(xn, qkv_w, ta, tb)


def _attn_one_head(q, k_ref, v_ref, sl, qi):

    def chunk(kj, masked):
        kc = k_ref[pl.ds(kj * QB, QB), sl]
        vc = v_ref[pl.ds(kj * QB, QB), sl]
        l = jax.lax.dot_general(q, kc, (((1,), (1,)), ((), ())),
                                preferred_element_type=f32).astype(bf16)
        one = jnp.array(1.0, bf16)
        p = one + l * (one + l * (jnp.array(0.5, bf16)
                                  + l * jnp.array(1.0 / 6.0, bf16)))
        if masked:
            row = jax.lax.broadcasted_iota(jnp.int32, (QB, QB), 0)
            col = jax.lax.broadcasted_iota(jnp.int32, (QB, QB), 1)
            p = jnp.where(col <= row, p, jnp.array(0.0, bf16))
        o = jnp.dot(p, vc, preferred_element_type=f32)
        return o, jnp.sum(p, axis=-1, keepdims=True).astype(f32)

    def body(kj, carry):
        o_acc, s_acc = carry
        o, s = chunk(kj, masked=False)
        return o_acc + o, s_acc + s

    o_acc, s_acc = jax.lax.fori_loop(
        0, qi, body,
        (jnp.zeros((QB, HEAD), f32), jnp.zeros((QB, 1), f32)))
    o, s = chunk(qi, masked=True)
    return (o_acc + o) / (s_acc + s)


def _k2_body(q_ref, k_ref, v_ref, out_ref):
    qi = pl.program_id(1)
    outs = []
    for i in range(2):
        sl = slice(i * HEAD, (i + 1) * HEAD)
        outs.append(_attn_one_head(q_ref[:, sl], k_ref, v_ref, sl, qi))
    out_ref[...] = jnp.concatenate(outs, axis=-1).astype(bf16)


def _k2(qkv):
    HP = HEADS // 2
    return pl.pallas_call(
        _k2_body,
        grid=(HP, S // QB),
        in_specs=[
            pl.BlockSpec((QB, 2 * HEAD), lambda h, qi: (qi, h)),
            pl.BlockSpec((S, 2 * HEAD), lambda h, qi: (0, HP + h)),
            pl.BlockSpec((S, 2 * HEAD), lambda h, qi: (0, 2 * HP + h)),
        ],
        out_specs=pl.BlockSpec((QB, 2 * HEAD), lambda h, qi: (qi, h)),
        out_shape=jax.ShapeDtypeStruct((S, DIM), bf16),
    )(qkv, qkv, qkv)


def _k3_body(attn_ref, ow_ref, x_ref, fw_ref, keys_ref, idx_ref, val_ref,
             resid_ref, xffn_ref, xffn32_ref, scores_ref):
    att = jnp.dot(attn_ref[...], ow_ref[...], preferred_element_type=f32)
    resid = att + x_ref[...]
    resid_ref[...] = resid
    xn = resid * jax.lax.rsqrt(jnp.mean(resid * resid, axis=-1, keepdims=True) + EPS)
    xn = xn * fw_ref[...]
    xffn_ref[...] = xn.astype(bf16)
    xffn32_ref[...] = xn
    tv = jnp.dot(xn, keys_ref[...], preferred_element_type=f32)
    idx = idx_ref[...]
    tvsel = jnp.zeros_like(tv)
    for e in range(TEN):
        tvsel = tvsel + tv[:, e:e + 1] * (idx == e).astype(f32)
    scores_ref[...] = jax.nn.sigmoid(val_ref[...] + tvsel) * RSF


def _k3(attn, o_wb, x_input, ffn_norm_w, keys_pad, idx_pad, val_pad):
    return pl.pallas_call(
        _k3_body,
        grid=(S // SB,),
        in_specs=[
            pl.BlockSpec((SB, DIM), lambda i: (i, 0)),
            pl.BlockSpec((DIM, DIM), lambda i: (0, 0)),
            pl.BlockSpec((SB, DIM), lambda i: (i, 0)),
            pl.BlockSpec((1, DIM), lambda i: (0, 0)),
            pl.BlockSpec((DIM, 128), lambda i: (0, 0)),
            pl.BlockSpec((SB, 128), lambda i: (i, 0)),
            pl.BlockSpec((SB, 128), lambda i: (i, 0)),
        ],
        out_specs=[
            pl.BlockSpec((SB, DIM), lambda i: (i, 0)),
            pl.BlockSpec((SB, DIM), lambda i: (i, 0)),
            pl.BlockSpec((SB, DIM), lambda i: (i, 0)),
            pl.BlockSpec((SB, 128), lambda i: (i, 0)),
        ],
        out_shape=[
            jax.ShapeDtypeStruct((S, DIM), f32),
            jax.ShapeDtypeStruct((S, DIM), bf16),
            jax.ShapeDtypeStruct((S, DIM), f32),
            jax.ShapeDtypeStruct((S, 128), f32),
        ],
    )(attn, o_wb, x_input, ffn_norm_w, keys_pad, idx_pad, val_pad)


def _k4_body(x_ref, w0_ref, w1_ref, w2_ref, idx_ref, sc_ref, y_ref):
    e = pl.program_id(0)
    x = x_ref[...]
    g = jnp.dot(x, w0_ref[0].astype(bf16), preferred_element_type=f32)
    u = jnp.dot(x, w1_ref[0].astype(bf16), preferred_element_type=f32)
    h = (jax.nn.silu(g) * u).astype(bf16)
    o = jax.lax.dot_general(h, w2_ref[0].astype(bf16), (((1,), (1,)), ((), ())),
                            preferred_element_type=f32)
    w = jnp.sum(sc_ref[...] * (idx_ref[...] == e).astype(f32), axis=-1,
                keepdims=True)
    contrib = o * w

    @pl.when(e == 0)
    def _():
        y_ref[...] = contrib

    @pl.when(e > 0)
    def _():
        y_ref[...] = y_ref[...] + contrib


def _k4(xffn, w0, w1, w2, idx_pad, scores):
    return pl.pallas_call(
        _k4_body,
        grid=(TEN,),
        in_specs=[
            pl.BlockSpec((S, DIM), lambda e: (0, 0)),
            pl.BlockSpec((1, DIM, EDIM), lambda e: (e, 0, 0)),
            pl.BlockSpec((1, DIM, EDIM), lambda e: (e, 0, 0)),
            pl.BlockSpec((1, DIM, EDIM), lambda e: (e, 0, 0)),
            pl.BlockSpec((S, 128), lambda e: (0, 0)),
            pl.BlockSpec((S, 128), lambda e: (0, 0)),
        ],
        out_specs=pl.BlockSpec((S, DIM), lambda e: (0, 0)),
        out_shape=jax.ShapeDtypeStruct((S, DIM), f32),
    )(xffn, w0, w1, w2, idx_pad, scores)


T_ROW = 256
NT = (2 * S + TEN * T_ROW) // T_ROW
NP = NT * T_ROW
NW = 32
I32 = jnp.int32


def _k3b_body(i0_ref, i1_ref, pos0_ref, pos1_ref, teid_ref):
    i0, i1 = i0_ref[...], i1_ref[...]
    a = jax.lax.broadcasted_iota(I32, (128, 128), 0)
    b = jax.lax.broadcasted_iota(I32, (128, 128), 1)
    mlane = (a < b).astype(f32)
    ra = jax.lax.broadcasted_iota(I32, (16, 16), 0)
    rb = jax.lax.broadcasted_iota(I32, (16, 16), 1)
    mrow = (rb < ra).astype(f32)
    pos0 = jnp.zeros((16, 128), f32)
    pos1 = jnp.zeros((16, 128), f32)
    off = jnp.array(0.0, f32)
    offs = []
    for e in range(TEN):
        o0 = (i0 == e).astype(f32)
        o1 = (i1 == e).astype(f32)
        p0 = jax.lax.dot_general(o0, mlane, (((1,), (0,)), ((), ())),
                                 preferred_element_type=f32)
        p1 = jax.lax.dot_general(o1, mlane, (((1,), (0,)), ((), ())),
                                 preferred_element_type=f32)
        rt0 = jnp.sum(o0, axis=1, keepdims=True)
        rt1 = jnp.sum(o1, axis=1, keepdims=True)
        pre0 = jax.lax.dot_general(mrow, rt0, (((1,), (0,)), ((), ())),
                                   preferred_element_type=f32)
        pre1 = jax.lax.dot_general(mrow, rt1, (((1,), (0,)), ((), ())),
                                   preferred_element_type=f32)
        c0 = jnp.sum(rt0)
        cnt = c0 + jnp.sum(rt1)
        pos0 = pos0 + o0 * (p0 + pre0 + off)
        pos1 = pos1 + o1 * (p1 + pre1 + c0 + off)
        offs.append(off)
        off = off + jnp.ceil(cnt / T_ROW) * T_ROW
    pos0_ref[...] = pos0.astype(I32)
    pos1_ref[...] = pos1.astype(I32)
    m = jax.lax.broadcasted_iota(I32, (1, 128), 1).astype(f32) * T_ROW
    te = sum(((m >= o).astype(I32)) for o in offs) - 1
    teid_ref[...] = te


def _k3b(i0, i1):
    return pl.pallas_call(
        _k3b_body,
        grid=(1,),
        in_specs=[
            pl.BlockSpec((16, 128), lambda i: (0, 0)),
            pl.BlockSpec((16, 128), lambda i: (0, 0)),
        ],
        out_specs=[
            pl.BlockSpec((16, 128), lambda i: (0, 0)),
            pl.BlockSpec((16, 128), lambda i: (0, 0)),
            pl.BlockSpec((1, 128), lambda i: (0, 0)),
        ],
        out_shape=[
            jax.ShapeDtypeStruct((16, 128), I32),
            jax.ShapeDtypeStruct((16, 128), I32),
            jax.ShapeDtypeStruct((1, 128), I32),
        ],
    )(i0, i1)


@functools.lru_cache(maxsize=None)
def _sc_kernels():
    mesh = plsc.VectorSubcoreMesh(core_axis_name="c", subcore_axis_name="s")

    @functools.partial(
        pl.kernel,
        out_type=jax.ShapeDtypeStruct((NP, DIM), f32),
        mesh=mesh,
        scratch_types=[
            pltpu.VMEM((_TPW,), I32),
            pltpu.VMEM((_TPW,), I32),
            pltpu.VMEM((_TPW, DIM), f32),
            pltpu.SemaphoreType.DMA,
        ],
    )
    def _sc_dispatch(p0_hbm, p1_hbm, x_hbm, out_hbm, i0_v, i1_v, val_v, sem):
        wid = lax.axis_index("s") * 2 + lax.axis_index("c")
        base = wid * _TPW
        pltpu.sync_copy(p0_hbm.at[wid], i0_v)
        pltpu.sync_copy(p1_hbm.at[wid], i1_v)
        pltpu.sync_copy(x_hbm.at[pl.ds(base, _TPW)], val_v)
        cp0 = pltpu.async_copy(val_v, out_hbm.at[i0_v], sem)
        cp1 = pltpu.async_copy(val_v, out_hbm.at[i1_v], sem)
        cp0.wait()
        cp1.wait()

    @functools.partial(
        pl.kernel,
        out_type=[
            jax.ShapeDtypeStruct((S, DIM), f32),
            jax.ShapeDtypeStruct((S, DIM), f32),
        ],
        mesh=mesh,
        scratch_types=[
            pltpu.VMEM((_TPW,), I32),
            pltpu.VMEM((_TPW,), I32),
            pltpu.VMEM((_TPW // 2, DIM), f32),
            pltpu.VMEM((_TPW // 2, DIM), f32),
            pltpu.SemaphoreType.DMA,
        ],
    )
    def _sc_combine(p0_hbm, p1_hbm, o_hbm, y0_hbm, y1_hbm, i0_v, i1_v,
                    r0_v, r1_v, sem):
        wid = lax.axis_index("s") * 2 + lax.axis_index("c")
        base = wid * _TPW
        half = _TPW // 2
        pltpu.sync_copy(p0_hbm.at[wid], i0_v)
        pltpu.sync_copy(p1_hbm.at[wid], i1_v)
        for h in range(2):
            cp0 = pltpu.async_copy(o_hbm.at[i0_v.at[pl.ds(h * half, half)]],
                                   r0_v, sem)
            cp1 = pltpu.async_copy(o_hbm.at[i1_v.at[pl.ds(h * half, half)]],
                                   r1_v, sem)
            cp0.wait()
            cp1.wait()
            pltpu.sync_copy(r0_v, y0_hbm.at[pl.ds(base + h * half, half)])
            pltpu.sync_copy(r1_v, y1_hbm.at[pl.ds(base + h * half, half)])

    return _sc_dispatch, _sc_combine


_TPW = S // NW


def _gemm_body(teid_ref, xs_ref, w0_ref, w1_ref, w2_ref, o_ref):
    xs = xs_ref[...].astype(bf16)
    g = jnp.dot(xs, w0_ref[0].astype(bf16), preferred_element_type=f32)
    u = jnp.dot(xs, w1_ref[0].astype(bf16), preferred_element_type=f32)
    h = (jax.nn.silu(g) * u).astype(bf16)
    o = jax.lax.dot_general(h, w2_ref[0].astype(bf16), (((1,), (1,)), ((), ())),
                            preferred_element_type=f32)
    o_ref[...] = o


def _gemm(teid, xs, w0, w1, w2):
    grid_spec = pltpu.PrefetchScalarGridSpec(
        num_scalar_prefetch=1,
        grid=(NT,),
        in_specs=[
            pl.BlockSpec((T_ROW, DIM), lambda m, t: (m, 0)),
            pl.BlockSpec((1, DIM, EDIM), lambda m, t: (t[m], 0, 0)),
            pl.BlockSpec((1, DIM, EDIM), lambda m, t: (t[m], 0, 0)),
            pl.BlockSpec((1, DIM, EDIM), lambda m, t: (t[m], 0, 0)),
        ],
        out_specs=pl.BlockSpec((T_ROW, DIM), lambda m, t: (m, 0)),
    )
    return pl.pallas_call(
        _gemm_body,
        grid_spec=grid_spec,
        out_shape=jax.ShapeDtypeStruct((NP, DIM), f32),
    )(teid, xs, w0, w1, w2)


def _k5a_body(x_ref, up_ref, down_ref, out_ref):
    xu = jnp.dot(x_ref[...], up_ref[...], preferred_element_type=f32)
    x1, x2 = xu[:, :SDIM], xu[:, SDIM:]
    h = (jax.nn.silu(x1) * x2).astype(bf16)
    out_ref[...] = jnp.dot(h, down_ref[...], preferred_element_type=f32)


def _k5a(xffn, up_wb, down_wb):
    return pl.pallas_call(
        _k5a_body,
        grid=(S // SB,),
        in_specs=[
            pl.BlockSpec((SB, DIM), lambda i: (i, 0)),
            pl.BlockSpec((DIM, 2 * SDIM), lambda i: (0, 0)),
            pl.BlockSpec((SDIM, DIM), lambda i: (0, 0)),
        ],
        out_specs=pl.BlockSpec((SB, DIM), lambda i: (i, 0)),
        out_shape=jax.ShapeDtypeStruct((S, DIM), f32),
    )(xffn, up_wb, down_wb)


def _k5b_body(ys_ref, y0_ref, y1_ref, sc_ref, resid_ref, out_ref):
    s0 = sc_ref[:, 0:1]
    s1 = sc_ref[:, 1:2]
    y_moe = y0_ref[...] * s0 + y1_ref[...] * s1
    out_ref[...] = ys_ref[...] + y_moe + resid_ref[...]


def _k5b(ys, y0, y1, scores, resid):
    return pl.pallas_call(
        _k5b_body,
        grid=(S // SB,),
        in_specs=[
            pl.BlockSpec((SB, DIM), lambda i: (i, 0)),
            pl.BlockSpec((SB, DIM), lambda i: (i, 0)),
            pl.BlockSpec((SB, DIM), lambda i: (i, 0)),
            pl.BlockSpec((SB, 128), lambda i: (i, 0)),
            pl.BlockSpec((SB, DIM), lambda i: (i, 0)),
        ],
        out_specs=pl.BlockSpec((SB, DIM), lambda i: (i, 0)),
        out_shape=jax.ShapeDtypeStruct((S, DIM), f32),
    )(ys, y0, y1, scores, resid)


def kernel(x_input, indices, values, attn_norm_w, qkv_w, o_w, ffn_norm_w,
           keys_w, experts_w, up_w, down_w):
    x = x_input.reshape(S, DIM)
    o_wb = o_w.astype(bf16)
    up_wb = up_w.astype(bf16)
    down_wb = down_w.astype(bf16)
    keys_pad = jnp.pad(keys_w, ((0, 0), (0, 128 - TEN)))
    idx_pad = jnp.pad(indices.astype(jnp.int32), ((0, 0), (0, 128 - TOPK)),
                      constant_values=TEN)
    val_pad = jnp.pad(values, ((0, 0), (0, 128 - TOPK)), constant_values=NEG)

    xn, ta, tb = _k0(x, attn_norm_w.reshape(1, DIM))
    qkv = _k1(xn, qkv_w, ta, tb)
    attn = _k2(qkv)
    resid, xffn, xffn32, scores = _k3(attn, o_wb, x, ffn_norm_w.reshape(1, DIM),
                                      keys_pad, idx_pad, val_pad)
    i0 = indices[:, 0].astype(I32).reshape(16, 128)
    i1 = indices[:, 1].astype(I32).reshape(16, 128)
    pos0m, pos1m, teid_pad = _k3b(i0, i1)
    pos0 = pos0m.reshape(NW, _TPW)
    pos1 = pos1m.reshape(NW, _TPW)
    teid = teid_pad.reshape(128)[:NT]
    sc_dispatch, sc_combine = _sc_kernels()
    y_shared = _k5a(xffn, up_wb, down_wb)
    xs = sc_dispatch(pos0, pos1, xffn32)
    o_s = _gemm(teid, xs, experts_w[0], experts_w[1], experts_w[2])
    y0, y1 = sc_combine(pos0, pos1, o_s)
    out = _k5b(y_shared, y0, y1, scores, resid)
    return out.reshape(B, S, DIM)

# --- scband reference (transcript-rebuilt; emitter-appended) ---
"""Pipeline reference for scband-mo-elayer-63556926046565 (READ-ONLY COPY).

The authoritative reference and input builder live on the scoring server;
editing this copy changes nothing except your own understanding.
"""

import jax, jax.numpy as jnp
import numpy as np

B, S, DIM, HEADS = 1, 2048, 1024, 16
HEAD = DIM // HEADS
TEN, TOPK, EDIM, SDIM = 8, 2, 512, 1024
EPS, THETA, RSF = 1e-5, 10000.0, 1.0


def _rmsnorm(x, w):
    return x * jax.lax.rsqrt(jnp.mean(x * x, axis=-1, keepdims=True) + EPS) * w


def _rotary(x):
    a = x.shape[-1]
    s = x.shape[2]
    inv_freq = (1.0 / THETA) ** (jnp.arange(0, a, 2, dtype=jnp.float32) / a)
    freqs = jnp.outer(jnp.arange(s, dtype=jnp.float32), inv_freq)[None, None, :, :]
    cos, sin = jnp.cos(freqs), jnp.sin(freqs)
    x1, x2 = jnp.split(x, 2, axis=-1)
    return jnp.concatenate([x1 * cos + x2 * sin, -x1 * sin + x2 * cos], axis=-1)


def _l2norm(x):
    n = jnp.sqrt(jnp.sum(x * x, axis=-1, keepdims=True))
    return x / jnp.maximum(n, EPS)


def _attention(xq, xk, xv):
    def split_heads(t):
        return t.reshape(B, S, HEADS, HEAD).transpose(0, 2, 1, 3)
    q, k, v = split_heads(xq), split_heads(xk), split_heads(xv)
    q, k = _l2norm(q), _l2norm(k)
    q, k = _rotary(q), _rotary(k)
    logits = jnp.einsum('bhqa,bhka->bhqk', q, k) / jnp.sqrt(float(HEAD))
    mask = jnp.tril(jnp.ones((S, S), dtype=bool))
    logits = jnp.where(mask[None, None], logits, -jnp.inf)
    attn = jax.nn.softmax(logits, axis=-1)
    out = jnp.einsum('bhqk,bhka->bhqa', attn, v)
    return out.transpose(0, 2, 1, 3).reshape(B, S, DIM)


def setup_inputs(seed: int = 0):
    key = jax.random.key(seed)
    ks = jax.random.split(key, 12)
    return {
        'x_input': jax.random.normal(ks[0], (B, S, DIM), jnp.float32),
        'indices': jax.random.randint(ks[1], (B * S, TOPK), 0, TEN),
        'values': jax.random.normal(ks[2], (B * S, TOPK), jnp.float32),
        'attn_norm_w': jnp.ones((DIM,), jnp.float32),
        'qkv_w': jax.random.normal(ks[3], (DIM, 3 * DIM), jnp.float32) * 0.02,
        'o_w': jax.random.normal(ks[4], (DIM, DIM), jnp.float32) * 0.02,
        'ffn_norm_w': jnp.ones((DIM,), jnp.float32),
        'keys_w': jax.random.normal(ks[5], (DIM, TEN), jnp.float32) * 0.02,
        'experts_w': jax.random.normal(ks[6], (3, TEN, DIM, EDIM), jnp.float32) * 0.02,
        'up_w': jax.random.normal(ks[7], (DIM, 2 * SDIM), jnp.float32) * 0.02,
        'down_w': jax.random.normal(ks[8], (SDIM, DIM), jnp.float32) * 0.02,
    }


def reference(x_input, indices, values, attn_norm_w, qkv_w, o_w, ffn_norm_w, keys_w, experts_w, up_w, down_w):
    # attn block
    x = _rmsnorm(x_input, attn_norm_w)
    qkv = x @ qkv_w
    xq, xk, xv = jnp.split(qkv, 3, axis=-1)
    x_attn = _attention(xq, xk, xv)
    x_attn_o = x_attn @ o_w
    x_ffn_input = x_attn_o + x_input
    # moe routing
    x_ffn = _rmsnorm(x_ffn_input, ffn_norm_w)
    token_values = (x_ffn @ keys_w).reshape(B * S, TEN)
    tv = jnp.take_along_axis(token_values, indices, axis=-1)
    vals = values + tv
    scores = jax.nn.sigmoid(vals) * RSF
    # grouped gemm: compute experts densely, gather routed outputs (same math as per-pair grouped GEMM)
    x_flat = x_ffn.reshape(B * S, DIM)
    g = jnp.einsum('td,edf->tef', x_flat, experts_w[0])
    u = jnp.einsum('td,edf->tef', x_flat, experts_w[1])
    h = jax.nn.silu(g) * u
    o = jnp.einsum('tef,edf->ted', h, experts_w[2])
    gathered = jnp.take_along_axis(o, indices[:, :, None], axis=1)
    y = jnp.sum(gathered * scores[:, :, None], axis=1).reshape(B, S, DIM)
    # shared expert
    xu = x_ffn @ up_w
    x1, x2 = jnp.split(xu, 2, axis=-1)
    y_shared = (jax.nn.silu(x1) * x2) @ down_w
    y = y + y_shared
    return y + x_ffn_input

if __name__ == "__main__":
    import jax
    _d = setup_inputs()
    print(jax.jit(kernel)(*tuple(_d.values())))

</pallas_src>

<mosaic_0001>
#map = affine_map<(d0, d1) -> (0, 0)>
module attributes {stable_mosaic.version = 14 : i64} {
  func.func @_sc_dispatch(%arg0: i32, %arg1: i32, %arg2: memref<32x64xi32, #tpu.memory_space<hbm>>, %arg3: memref<32x64xi32, #tpu.memory_space<hbm>>, %arg4: memref<2048x1024xf32, #tpu.memory_space<hbm>>, %arg5: memref<6144x1024xf32, #tpu.memory_space<hbm>>, %arg6: memref<64xi32, #tpu.memory_space<vmem>>, %arg7: memref<64xi32, #tpu.memory_space<vmem>>, %arg8: memref<64x1024xf32, #tpu.memory_space<vmem>>, %arg9: memref<!tpu.dma_semaphore, #tpu.memory_space<semaphore_mem>>) attributes {dimension_semantics = [#tpu.dimension_semantics<core_parallel>, #tpu.dimension_semantics<subcore_parallel>], iteration_bounds = array<i64: 2, 16>, scalar_prefetch = 0 : i64, scratch_operands = 4 : i64, tpu.core_type = #tpu.core_type<sc_vector_subcore>, window_params = [{transform_indices = #map}, {transform_indices = #map}, {transform_indices = #map}, {transform_indices = #map}]} {
    %mul3A = arith.constant 2 : i32
    %mul3A_0 = arith.muli %arg1, %mul3A : i32
    %add3A = arith.addi %mul3A_0, %arg0 : i32
    %mul3A_1 = arith.constant 64 : i32
    %mul3A_2 = arith.muli %add3A, %mul3A_1 : i32
    "tpu.region"() ({
      %run_scoped3A = tpu.sem_alloc : memref<!tpu.dma_semaphore, #tpu.memory_space<semaphore_mem>>
      %dma_start3A_13 = arith.constant 0 : i32
      %dma_start3A_14 = tpu.memref_slice %arg2[%add3A, %dma_start3A_13] : memref<32x64xi32, #tpu.memory_space<hbm>> -> memref<1x64xi32, #tpu.memory_space<hbm>>
      %dma_start3A_15 = tpu.memref_squeeze %dma_start3A_14 : memref<1x64xi32, #tpu.memory_space<hbm>> -> memref<64xi32, #tpu.memory_space<hbm>>
      %dma_start3A_16 = arith.constant 0 : i32
      %dma_start3A_17 = tpu.memref_slice %arg2[%add3A, %dma_start3A_16] : memref<32x64xi32, #tpu.memory_space<hbm>> -> memref<1x64xi32, #tpu.memory_space<hbm>>
      %dma_start3A_18 = tpu.memref_squeeze %dma_start3A_17 : memref<1x64xi32, #tpu.memory_space<hbm>> -> memref<64xi32, #tpu.memory_space<hbm>>
      tpu.enqueue_dma source(%dma_start3A_18 : memref<64xi32, #tpu.memory_space<hbm>>) target(%arg6 : memref<64xi32, #tpu.memory_space<vmem>>) target_semaphore(%run_scoped3A : memref<!tpu.dma_semaphore, #tpu.memory_space<semaphore_mem>>)
      %dma_wait3A_19 = arith.constant 0 : i32
      %dma_wait3A_20 = tpu.memref_slice %arg2[%add3A, %dma_wait3A_19] : memref<32x64xi32, #tpu.memory_space<hbm>> -> memref<1x64xi32, #tpu.memory_space<hbm>>
      %dma_wait3A_21 = tpu.memref_squeeze %dma_wait3A_20 : memref<1x64xi32, #tpu.memory_space<hbm>> -> memref<64xi32, #tpu.memory_space<hbm>>
      %dma_wait3A_22 = arith.constant 0 : i32
      %dma_wait3A_23 = tpu.memref_slice %arg2[%add3A, %dma_wait3A_22] : memref<32x64xi32, #tpu.memory_space<hbm>> -> memref<1x64xi32, #tpu.memory_space<hbm>>
      %dma_wait3A_24 = tpu.memref_squeeze %dma_wait3A_23 : memref<1x64xi32, #tpu.memory_space<hbm>> -> memref<64xi32, #tpu.memory_space<hbm>>
      tpu.wait_dma2 semaphore(%run_scoped3A : memref<!tpu.dma_semaphore, #tpu.memory_space<semaphore_mem>>) src(%dma_wait3A_24 : memref<64xi32, #tpu.memory_space<hbm>>) dst(%arg6 : memref<64xi32, #tpu.memory_space<vmem>>)
      tpu.yield
    }) : () -> ()
    "tpu.region"() ({
      %run_scoped3A = tpu.sem_alloc : memref<!tpu.dma_semaphore, #tpu.memory_space<semaphore_mem>>
      %dma_start3A_13 = arith.constant 0 : i32
      %dma_start3A_14 = tpu.memref_slice %arg3[%add3A, %dma_start3A_13] : memref<32x64xi32, #tpu.memory_space<hbm>> -> memref<1x64xi32, #tpu.memory_space<hbm>>
      %dma_start3A_15 = tpu.memref_squeeze %dma_start3A_14 : memref<1x64xi32, #tpu.memory_space<hbm>> -> memref<64xi32, #tpu.memory_space<hbm>>
      %dma_start3A_16 = arith.constant 0 : i32
      %dma_start3A_17 = tpu.memref_slice %arg3[%add3A, %dma_start3A_16] : memref<32x64xi32, #tpu.memory_space<hbm>> -> memref<1x64xi32, #tpu.memory_space<hbm>>
      %dma_start3A_18 = tpu.memref_squeeze %dma_start3A_17 : memref<1x64xi32, #tpu.memory_space<hbm>> -> memref<64xi32, #tpu.memory_space<hbm>>
      tpu.enqueue_dma source(%dma_start3A_18 : memref<64xi32, #tpu.memory_space<hbm>>) target(%arg7 : memref<64xi32, #tpu.memory_space<vmem>>) target_semaphore(%run_scoped3A : memref<!tpu.dma_semaphore, #tpu.memory_space<semaphore_mem>>)
      %dma_wait3A_19 = arith.constant 0 : i32
      %dma_wait3A_20 = tpu.memref_slice %arg3[%add3A, %dma_wait3A_19] : memref<32x64xi32, #tpu.memory_space<hbm>> -> memref<1x64xi32, #tpu.memory_space<hbm>>
      %dma_wait3A_21 = tpu.memref_squeeze %dma_wait3A_20 : memref<1x64xi32, #tpu.memory_space<hbm>> -> memref<64xi32, #tpu.memory_space<hbm>>
      %dma_wait3A_22 = arith.constant 0 : i32
      %dma_wait3A_23 = tpu.memref_slice %arg3[%add3A, %dma_wait3A_22] : memref<32x64xi32, #tpu.memory_space<hbm>> -> memref<1x64xi32, #tpu.memory_space<hbm>>
      %dma_wait3A_24 = tpu.memref_squeeze %dma_wait3A_23 : memref<1x64xi32, #tpu.memory_space<hbm>> -> memref<64xi32, #tpu.memory_space<hbm>>
      tpu.wait_dma2 semaphore(%run_scoped3A : memref<!tpu.dma_semaphore, #tpu.memory_space<semaphore_mem>>) src(%dma_wait3A_24 : memref<64xi32, #tpu.memory_space<hbm>>) dst(%arg7 : memref<64xi32, #tpu.memory_space<vmem>>)
      tpu.yield
    }) : () -> ()
    "tpu.region"() ({
      %run_scoped3A = tpu.sem_alloc : memref<!tpu.dma_semaphore, #tpu.memory_space<semaphore_mem>>
      %dma_start3A_13 = arith.constant 0 : i32
      %dma_start3A_14 = tpu.memref_slice %arg4[%mul3A_2, %dma_start3A_13] : memref<2048x1024xf32, #tpu.memory_space<hbm>> -> memref<64x1024xf32, #tpu.memory_space<hbm>>
      %dma_start3A_15 = arith.constant 0 : i32
      %dma_start3A_16 = tpu.memref_slice %arg4[%mul3A_2, %dma_start3A_15] : memref<2048x1024xf32, #tpu.memory_space<hbm>> -> memref<64x1024xf32, #tpu.memory_space<hbm>>
      tpu.enqueue_dma source(%dma_start3A_16 : memref<64x1024xf32, #tpu.memory_space<hbm>>) target(%arg8 : memref<64x1024xf32, #tpu.memory_space<vmem>>) target_semaphore(%run_scoped3A : memref<!tpu.dma_semaphore, #tpu.memory_space<semaphore_mem>>)
      %dma_wait3A_17 = arith.constant 0 : i32
      %dma_wait3A_18 = tpu.memref_slice %arg4[%mul3A_2, %dma_wait3A_17] : memref<2048x1024xf32, #tpu.memory_space<hbm>> -> memref<64x1024xf32, #tpu.memory_space<hbm>>
      %dma_wait3A_19 = arith.constant 0 : i32
      %dma_wait3A_20 = tpu.memref_slice %arg4[%mul3A_2, %dma_wait3A_19] : memref<2048x1024xf32, #tpu.memory_space<hbm>> -> memref<64x1024xf32, #tpu.memory_space<hbm>>
      tpu.wait_dma2 semaphore(%run_scoped3A : memref<!tpu.dma_semaphore, #tpu.memory_space<semaphore_mem>>) src(%dma_wait3A_20 : memref<64x1024xf32, #tpu.memory_space<hbm>>) dst(%arg8 : memref<64x1024xf32, #tpu.memory_space<vmem>>)
      tpu.yield
    }) : () -> ()
    %dma_start3A = arith.constant 0 : i32
    %dma_start3A_3 = arith.constant 0 : i32
    %dma_start3A_4 = tpu.memref_slice %arg5[%dma_start3A, %dma_start3A_3] : memref<6144x1024xf32, #tpu.memory_space<hbm>> -> memref<6144x1024xf32, #tpu.memory_space<hbm>>
    tpu.enqueue_indirect_dma source(%arg8 : memref<64x1024xf32, #tpu.memory_space<vmem>>) target(%dma_start3A_4 : memref<6144x1024xf32, #tpu.memory_space<hbm>>) offsets(%arg6 : memref<64xi32, #tpu.memory_space<vmem>>) semaphore(%arg9 : memref<!tpu.dma_semaphore, #tpu.memory_space<semaphore_mem>>)
    %dma_start3A_5 = arith.constant 0 : i32
    %dma_start3A_6 = arith.constant 0 : i32
    %dma_start3A_7 = tpu.memref_slice %arg5[%dma_start3A_5, %dma_start3A_6] : memref<6144x1024xf32, #tpu.memory_space<hbm>> -> memref<6144x1024xf32, #tpu.memory_space<hbm>>
    tpu.enqueue_indirect_dma source(%arg8 : memref<64x1024xf32, #tpu.memory_space<vmem>>) target(%dma_start3A_7 : memref<6144x1024xf32, #tpu.memory_space<hbm>>) offsets(%arg7 : memref<64xi32, #tpu.memory_space<vmem>>) semaphore(%arg9 : memref<!tpu.dma_semaphore, #tpu.memory_space<semaphore_mem>>)
    %dma_wait3A = arith.constant 0 : i32
    %dma_wait3A_8 = arith.constant 0 : i32
    %dma_wait3A_9 = tpu.memref_slice %arg5[%dma_wait3A, %dma_wait3A_8] : memref<6144x1024xf32, #tpu.memory_space<hbm>> -> memref<6144x1024xf32, #tpu.memory_space<hbm>>
    tpu.wait_indirect_dma semaphore(%arg9 : memref<!tpu.dma_semaphore, #tpu.memory_space<semaphore_mem>>) src(%arg8 : memref<64x1024xf32, #tpu.memory_space<vmem>>) dst(%dma_wait3A_9 : memref<6144x1024xf32, #tpu.memory_space<hbm>>)
    %dma_wait3A_10 = arith.constant 0 : i32
    %dma_wait3A_11 = arith.constant 0 : i32
    %dma_wait3A_12 = tpu.memref_slice %arg5[%dma_wait3A_10, %dma_wait3A_11] : memref<6144x1024xf32, #tpu.memory_space<hbm>> -> memref<6144x1024xf32, #tpu.memory_space<hbm>>
    tpu.wait_indirect_dma semaphore(%arg9 : memref<!tpu.dma_semaphore, #tpu.memory_space<semaphore_mem>>) src(%arg8 : memref<64x1024xf32, #tpu.memory_space<vmem>>) dst(%dma_wait3A_12 : memref<6144x1024xf32, #tpu.memory_space<hbm>>)
    return
  }
}

#map = affine_map<(d0, d1) -> (0, 0)>
module attributes {stable_mosaic.version = 14 : i64} {
  func.func @_sc_combine(%arg0: i32, %arg1: i32, %arg2: memref<32x64xi32, #tpu.memory_space<hbm>>, %arg3: memref<32x64xi32, #tpu.memory_space<hbm>>, %arg4: memref<6144x1024xf32, #tpu.memory_space<hbm>>, %arg5: memref<2048x1024xf32, #tpu.memory_space<hbm>>, %arg6: memref<2048x1024xf32, #tpu.memory_space<hbm>>, %arg7: memref<64xi32, #tpu.memory_space<vmem>>, %arg8: memref<64xi32, #tpu.memory_space<vmem>>, %arg9: memref<32x1024xf32, #tpu.memory_space<vmem>>, %arg10: memref<32x1024xf32, #tpu.memory_space<vmem>>, %arg11: memref<!tpu.dma_semaphore, #tpu.memory_space<semaphore_mem>>) attributes {dimension_semantics = [#tpu.dimension_semantics<core_parallel>, #tpu.dimension_semantics<subcore_parallel>], iteration_bounds = array<i64: 2, 16>, scalar_prefetch = 0 : i64, scratch_operands = 5 : i64, tpu.core_type = #tpu.core_type<sc_vector_subcore>, window_params = [{transform_indices = #map}, {transform_indices = #map}, {transform_indices = #map}, {transform_indices = #map}, {transform_indices = #map}]} {
    %mul3A = arith.constant 2 : i32
    %mul3A_0 = arith.muli %arg1, %mul3A : i32
    %add3A = arith.addi %mul3A_0, %arg0 : i32
    %mul3A_1 = arith.constant 64 : i32
    %mul3A_2 = arith.muli %add3A, %mul3A_1 : i32
    "tpu.region"() ({
      %run_scoped3A = tpu.sem_alloc : memref<!tpu.dma_semaphore, #tpu.memory_space<semaphore_mem>>
      %dma_start3A_49 = arith.constant 0 : i32
      %dma_start3A_50 = tpu.memref_slice %arg2[%add3A, %dma_start3A_49] : memref<32x64xi32, #tpu.memory_space<hbm>> -> memref<1x64xi32, #tpu.memory_space<hbm>>
      %dma_start3A_51 = tpu.memref_squeeze %dma_start3A_50 : memref<1x64xi32, #tpu.memory_space<hbm>> -> memref<64xi32, #tpu.memory_space<hbm>>
      %dma_start3A_52 = arith.constant 0 : i32
      %dma_start3A_53 = tpu.memref_slice %arg2[%add3A, %dma_start3A_52] : memref<32x64xi32, #tpu.memory_space<hbm>> -> memref<1x64xi32, #tpu.memory_space<hbm>>
      %dma_start3A_54 = tpu.memref_squeeze %dma_start3A_53 : memref<1x64xi32, #tpu.memory_space<hbm>> -> memref<64xi32, #tpu.memory_space<hbm>>
      tpu.enqueue_dma source(%dma_start3A_54 : memref<64xi32, #tpu.memory_space<hbm>>) target(%arg7 : memref<64xi32, #tpu.memory_space<vmem>>) target_semaphore(%run_scoped3A : memref<!tpu.dma_semaphore, #tpu.memory_space<semaphore_mem>>)
      %dma_wait3A_55 = arith.constant 0 : i32
      %dma_wait3A_56 = tpu.memref_slice %arg2[%add3A, %dma_wait3A_55] : memref<32x64xi32, #tpu.memory_space<hbm>> -> memref<1x64xi32, #tpu.memory_space<hbm>>
      %dma_wait3A_57 = tpu.memref_squeeze %dma_wait3A_56 : memref<1x64xi32, #tpu.memory_space<hbm>> -> memref<64xi32, #tpu.memory_space<hbm>>
      %dma_wait3A_58 = arith.constant 0 : i32
      %dma_wait3A_59 = tpu.memref_slice %arg2[%add3A, %dma_wait3A_58] : memref<32x64xi32, #tpu.memory_space<hbm>> -> memref<1x64xi32, #tpu.memory_space<hbm>>
      %dma_wait3A_60 = tpu.memref_squeeze %dma_wait3A_59 : memref<1x64xi32, #tpu.memory_space<hbm>> -> memref<64xi32, #tpu.memory_space<hbm>>
      tpu.wait_dma2 semaphore(%run_scoped3A : memref<!tpu.dma_semaphore, #tpu.memory_space<semaphore_mem>>) src(%dma_wait3A_60 : memref<64xi32, #tpu.memory_space<hbm>>) dst(%arg7 : memref<64xi32, #tpu.memory_space<vmem>>)
      tpu.yield
    }) : () -> ()
    "tpu.region"() ({
      %run_scoped3A = tpu.sem_alloc : memref<!tpu.dma_semaphore, #tpu.memory_space<semaphore_mem>>
      %dma_start3A_49 = arith.constant 0 : i32
      %dma_start3A_50 = tpu.memref_slice %arg3[%add3A, %dma_start3A_49] : memref<32x64xi32, #tpu.memory_space<hbm>> -> memref<1x64xi32, #tpu.memory_space<hbm>>
      %dma_start3A_51 = tpu.memref_squeeze %dma_start3A_50 : memref<1x64xi32, #tpu.memory_space<hbm>> -> memref<64xi32, #tpu.memory_space<hbm>>
      %dma_start3A_52 = arith.constant 0 : i32
      %dma_start3A_53 = tpu.memref_slice %arg3[%add3A, %dma_start3A_52] : memref<32x64xi32, #tpu.memory_space<hbm>> -> memref<1x64xi32, #tpu.memory_space<hbm>>
      %dma_start3A_54 = tpu.memref_squeeze %dma_start3A_53 : memref<1x64xi32, #tpu.memory_space<hbm>> -> memref<64xi32, #tpu.memory_space<hbm>>
      tpu.enqueue_dma source(%dma_start3A_54 : memref<64xi32, #tpu.memory_space<hbm>>) target(%arg8 : memref<64xi32, #tpu.memory_space<vmem>>) target_semaphore(%run_scoped3A : memref<!tpu.dma_semaphore, #tpu.memory_space<semaphore_mem>>)
      %dma_wait3A_55 = arith.constant 0 : i32
      %dma_wait3A_56 = tpu.memref_slice %arg3[%add3A, %dma_wait3A_55] : memref<32x64xi32, #tpu.memory_space<hbm>> -> memref<1x64xi32, #tpu.memory_space<hbm>>
      %dma_wait3A_57 = tpu.memref_squeeze %dma_wait3A_56 : memref<1x64xi32, #tpu.memory_space<hbm>> -> memref<64xi32, #tpu.memory_space<hbm>>
      %dma_wait3A_58 = arith.constant 0 : i32
      %dma_wait3A_59 = tpu.memref_slice %arg3[%add3A, %dma_wait3A_58] : memref<32x64xi32, #tpu.memory_space<hbm>> -> memref<1x64xi32, #tpu.memory_space<hbm>>
      %dma_wait3A_60 = tpu.memref_squeeze %dma_wait3A_59 : memref<1x64xi32, #tpu.memory_space<hbm>> -> memref<64xi32, #tpu.memory_space<hbm>>
      tpu.wait_dma2 semaphore(%run_scoped3A : memref<!tpu.dma_semaphore, #tpu.memory_space<semaphore_mem>>) src(%dma_wait3A_60 : memref<64xi32, #tpu.memory_space<hbm>>) dst(%arg8 : memref<64xi32, #tpu.memory_space<vmem>>)
      tpu.yield
    }) : () -> ()
    %dma_start3A = arith.constant 0 : i32
    %dma_start3A_3 = tpu.memref_slice %arg7[%dma_start3A] : memref<64xi32, #tpu.memory_space<vmem>> -> memref<32xi32, #tpu.memory_space<vmem>>
    %dma_start3A_4 = arith.constant 0 : i32
    %dma_start3A_5 = arith.constant 0 : i32
    %dma_start3A_6 = tpu.memref_slice %arg4[%dma_start3A_4, %dma_start3A_5] : memref<6144x1024xf32, #tpu.memory_space<hbm>> -> memref<6144x1024xf32, #tpu.memory_space<hbm>>
    tpu.enqueue_indirect_dma source(%dma_start3A_6 : memref<6144x1024xf32, #tpu.memory_space<hbm>>) target(%arg9 : memref<32x1024xf32, #tpu.memory_space<vmem>>) offsets(%dma_start3A_3 : memref<32xi32, #tpu.memory_space<vmem>>) semaphore(%arg11 : memref<!tpu.dma_semaphore, #tpu.memory_space<semaphore_mem>>)
    %dma_start3A_7 = arith.constant 0 : i32
    %dma_start3A_8 = tpu.memref_slice %arg8[%dma_start3A_7] : memref<64xi32, #tpu.memory_space<vmem>> -> memref<32xi32, #tpu.memory_space<vmem>>
    %dma_start3A_9 = arith.constant 0 : i32
    %dma_start3A_10 = arith.constant 0 : i32
    %dma_start3A_11 = tpu.memref_slice %arg4[%dma_start3A_9, %dma_start3A_10] : memref<6144x1024xf32, #tpu.memory_space<hbm>> -> memref<6144x1024xf32, #tpu.memory_space<hbm>>
    tpu.enqueue_indirect_dma source(%dma_start3A_11 : memref<6144x1024xf32, #tpu.memory_space<hbm>>) target(%arg10 : memref<32x1024xf32, #tpu.memory_space<vmem>>) offsets(%dma_start3A_8 : memref<32xi32, #tpu.memory_space<vmem>>) semaphore(%arg11 : memref<!tpu.dma_semaphore, #tpu.memory_space<semaphore_mem>>)
    %dma_wait3A = arith.constant 0 : i32
    %dma_wait3A_12 = tpu.memref_slice %arg7[%dma_wait3A] : memref<64xi32, #tpu.memory_space<vmem>> -> memref<32xi32, #tpu.memory_space<vmem>>
    %dma_wait3A_13 = arith.constant 0 : i32
    %dma_wait3A_14 = arith.constant 0 : i32
    %dma_wait3A_15 = tpu.memref_slice %arg4[%dma_wait3A_13, %dma_wait3A_14] : memref<6144x1024xf32, #tpu.memory_space<hbm>> -> memref<6144x1024xf32, #tpu.memory_space<hbm>>
    tpu.wait_indirect_dma semaphore(%arg11 : memref<!tpu.dma_semaphore, #tpu.memory_space<semaphore_mem>>) src(%dma_wait3A_15 : memref<6144x1024xf32, #tpu.memory_space<hbm>>) dst(%arg9 : memref<32x1024xf32, #tpu.memory_space<vmem>>)
    %dma_wait3A_16 = arith.constant 0 : i32
    %dma_wait3A_17 = tpu.memref_slice %arg8[%dma_wait3A_16] : memref<64xi32, #tpu.memory_space<vmem>> -> memref<32xi32, #tpu.memory_space<vmem>>
    %dma_wait3A_18 = arith.constant 0 : i32
    %dma_wait3A_19 = arith.constant 0 : i32
    %dma_wait3A_20 = tpu.memref_slice %arg4[%dma_wait3A_18, %dma_wait3A_19] : memref<6144x1024xf32, #tpu.memory_space<hbm>> -> memref<6144x1024xf32, #tpu.memory_space<hbm>>
    tpu.wait_indirect_dma semaphore(%arg11 : memref<!tpu.dma_semaphore, #tpu.memory_space<semaphore_mem>>) src(%dma_wait3A_20 : memref<6144x1024xf32, #tpu.memory_space<hbm>>) dst(%arg10 : memref<32x1024xf32, #tpu.memory_space<vmem>>)
    %add3A_21 = arith.constant 0 : i32
    %add3A_22 = arith.addi %mul3A_2, %add3A_21 : i32
    "tpu.region"() ({
      %run_scoped3A = tpu.sem_alloc : memref<!tpu.dma_semaphore, #tpu.memory_space<semaphore_mem>>
      %dma_start3A_49 = arith.constant 0 : i32
      %dma_start3A_50 = tpu.memref_slice %arg5[%add3A_22, %dma_start3A_49] : memref<2048x1024xf32, #tpu.memory_space<hbm>> -> memref<32x1024xf32, #tpu.memory_space<hbm>>
      %dma_start3A_51 = arith.constant 0 : i32
      %dma_start3A_52 = tpu.memref_slice %arg5[%add3A_22, %dma_start3A_51] : memref<2048x1024xf32, #tpu.memory_space<hbm>> -> memref<32x1024xf32, #tpu.memory_space<hbm>>
      tpu.enqueue_dma source(%arg9 : memref<32x1024xf32, #tpu.memory_space<vmem>>) target(%dma_start3A_52 : memref<32x1024xf32, #tpu.memory_space<hbm>>) target_semaphore(%run_scoped3A : memref<!tpu.dma_semaphore, #tpu.memory_space<semaphore_mem>>)
      %dma_wait3A_53 = arith.constant 0 : i32
      %dma_wait3A_54 = tpu.memref_slice %arg5[%add3A_22, %dma_wait3A_53] : memref<2048x1024xf32, #tpu.memory_space<hbm>> -> memref<32x1024xf32, #tpu.memory_space<hbm>>
      %dma_wait3A_55 = arith.constant 0 : i32
      %dma_wait3A_56 = tpu.memref_slice %arg5[%add3A_22, %dma_wait3A_55] : memref<2048x1024xf32, #tpu.memory_space<hbm>> -> memref<32x1024xf32, #tpu.memory_space<hbm>>
      tpu.wait_dma2 semaphore(%run_scoped3A : memref<!tpu.dma_semaphore, #tpu.memory_space<semaphore_mem>>) src(%arg9 : memref<32x1024xf32, #tpu.memory_space<vmem>>) dst(%dma_wait3A_56 : memref<32x1024xf32, #tpu.memory_space<hbm>>)
      tpu.yield
    }) : () -> ()
    %add3A_23 = arith.constant 0 : i32
    %add3A_24 = arith.addi %mul3A_2, %add3A_23 : i32
    "tpu.region"() ({
      %run_scoped3A = tpu.sem_alloc : memref<!tpu.dma_semaphore, #tpu.memory_space<semaphore_mem>>
      %dma_start3A_49 = arith.constant 0 : i32
      %dma_start3A_50 = tpu.memref_slice %arg6[%add3A_24, %dma_start3A_49] : memref<2048x1024xf32, #tpu.memory_space<hbm>> -> memref<32x1024xf32, #tpu.memory_space<hbm>>
      %dma_start3A_51 = arith.constant 0 : i32
      %dma_start3A_52 = tpu.memref_slice %arg6[%add3A_24, %dma_start3A_51] : memref<2048x1024xf32, #tpu.memory_space<hbm>> -> memref<32x1024xf32, #tpu.memory_space<hbm>>
      tpu.enqueue_dma source(%arg10 : memref<32x1024xf32, #tpu.memory_space<vmem>>) target(%dma_start3A_52 : memref<32x1024xf32, #tpu.memory_space<hbm>>) target_semaphore(%run_scoped3A : memref<!tpu.dma_semaphore, #tpu.memory_space<semaphore_mem>>)
      %dma_wait3A_53 = arith.constant 0 : i32
      %dma_wait3A_54 = tpu.memref_slice %arg6[%add3A_24, %dma_wait3A_53] : memref<2048x1024xf32, #tpu.memory_space<hbm>> -> memref<32x1024xf32, #tpu.memory_space<hbm>>
      %dma_wait3A_55 = arith.constant 0 : i32
      %dma_wait3A_56 = tpu.memref_slice %arg6[%add3A_24, %dma_wait3A_55] : memref<2048x1024xf32, #tpu.memory_space<hbm>> -> memref<32x1024xf32, #tpu.memory_space<hbm>>
      tpu.wait_dma2 semaphore(%run_scoped3A : memref<!tpu.dma_semaphore, #tpu.memory_space<semaphore_mem>>) src(%arg10 : memref<32x1024xf32, #tpu.memory_space<vmem>>) dst(%dma_wait3A_56 : memref<32x1024xf32, #tpu.memory_space<hbm>>)
      tpu.yield
    }) : () -> ()
    %dma_start3A_25 = arith.constant 32 : i32
    %dma_start3A_26 = tpu.memref_slice %arg7[%dma_start3A_25] : memref<64xi32, #tpu.memory_space<vmem>> -> memref<32xi32, #tpu.memory_space<vmem>>
    %dma_start3A_27 = arith.constant 0 : i32
    %dma_start3A_28 = arith.constant 0 : i32
    %dma_start3A_29 = tpu.memref_slice %arg4[%dma_start3A_27, %dma_start3A_28] : memref<6144x1024xf32, #tpu.memory_space<hbm>> -> memref<6144x1024xf32, #tpu.memory_space<hbm>>
    tpu.enqueue_indirect_dma source(%dma_start3A_29 : memref<6144x1024xf32, #tpu.memory_space<hbm>>) target(%arg9 : memref<32x1024xf32, #tpu.memory_space<vmem>>) offsets(%dma_start3A_26 : memref<32xi32, #tpu.memory_space<vmem>>) semaphore(%arg11 : memref<!tpu.dma_semaphore, #tpu.memory_space<semaphore_mem>>)
    %dma_start3A_30 = arith.constant 32 : i32
    %dma_start3A_31 = tpu.memref_slice %arg8[%dma_start3A_30] : memref<64xi32, #tpu.memory_space<vmem>> -> memref<32xi32, #tpu.memory_space<vmem>>
    %dma_start3A_32 = arith.constant 0 : i32
    %dma_start3A_33 = arith.constant 0 : i32
    %dma_start3A_34 = tpu.memref_slice %arg4[%dma_start3A_32, %dma_start3A_33] : memref<6144x1024xf32, #tpu.memory_space<hbm>> -> memref<6144x1024xf32, #tpu.memory_space<hbm>>
    tpu.enqueue_indirect_dma source(%dma_start3A_34 : memref<6144x1024xf32, #tpu.memory_space<hbm>>) target(%arg10 : memref<32x1024xf32, #tpu.memory_space<vmem>>) offsets(%dma_start3A_31 : memref<32xi32, #tpu.memory_space<vmem>>) semaphore(%arg11 : memref<!tpu.dma_semaphore, #tpu.memory_space<semaphore_mem>>)
    %dma_wait3A_35 = arith.constant 32 : i32
    %dma_wait3A_36 = tpu.memref_slice %arg7[%dma_wait3A_35] : memref<64xi32, #tpu.memory_space<vmem>> -> memref<32xi32, #tpu.memory_space<vmem>>
    %dma_wait3A_37 = arith.constant 0 : i32
    %dma_wait3A_38 = arith.constant 0 : i32
    %dma_wait3A_39 = tpu.memref_slice %arg4[%dma_wait3A_37, %dma_wait3A_38] : memref<6144x1024xf32, #tpu.memory_space<hbm>> -> memref<6144x1024xf32, #tpu.memory_space<hbm>>
    tpu.wait_indirect_dma semaphore(%arg11 : memref<!tpu.dma_semaphore, #tpu.memory_space<semaphore_mem>>) src(%dma_wait3A_39 : memref<6144x1024xf32, #tpu.memory_space<hbm>>) dst(%arg9 : memref<32x1024xf32, #tpu.memory_space<vmem>>)
    %dma_wait3A_40 = arith.constant 32 : i32
    %dma_wait3A_41 = tpu.memref_slice %arg8[%dma_wait3A_40] : memref<64xi32, #tpu.memory_space<vmem>> -> memref<32xi32, #tpu.memory_space<vmem>>
    %dma_wait3A_42 = arith.constant 0 : i32
    %dma_wait3A_43 = arith.constant 0 : i32
    %dma_wait3A_44 = tpu.memref_slice %arg4[%dma_wait3A_42, %dma_wait3A_43] : memref<6144x1024xf32, #tpu.memory_space<hbm>> -> memref<6144x1024xf32, #tpu.memory_space<hbm>>
    tpu.wait_indirect_dma semaphore(%arg11 : memref<!tpu.dma_semaphore, #tpu.memory_space<semaphore_mem>>) src(%dma_wait3A_44 : memref<6144x1024xf32, #tpu.memory_space<hbm>>) dst(%arg10 : memref<32x1024xf32, #tpu.memory_space<vmem>>)
    %add3A_45 = arith.constant 32 : i32
    %add3A_46 = arith.addi %mul3A_2, %add3A_45 : i32
    "tpu.region"() ({
      %run_scoped3A = tpu.sem_alloc : memref<!tpu.dma_semaphore, #tpu.memory_space<semaphore_mem>>
      %dma_start3A_49 = arith.constant 0 : i32
      %dma_start3A_50 = tpu.memref_slice %arg5[%add3A_46, %dma_start3A_49] : memref<2048x1024xf32, #tpu.memory_space<hbm>> -> memref<32x1024xf32, #tpu.memory_space<hbm>>
      %dma_start3A_51 = arith.constant 0 : i32
      %dma_start3A_52 = tpu.memref_slice %arg5[%add3A_46, %dma_start3A_51] : memref<2048x1024xf32, #tpu.memory_space<hbm>> -> memref<32x1024xf32, #tpu.memory_space<hbm>>
      tpu.enqueue_dma source(%arg9 : memref<32x1024xf32, #tpu.memory_space<vmem>>) target(%dma_start3A_52 : memref<32x1024xf32, #tpu.memory_space<hbm>>) target_semaphore(%run_scoped3A : memref<!tpu.dma_semaphore, #tpu.memory_space<semaphore_mem>>)
      %dma_wait3A_53 = arith.constant 0 : i32
      %dma_wait3A_54 = tpu.memref_slice %arg5[%add3A_46, %dma_wait3A_53] : memref<2048x1024xf32, #tpu.memory_space<hbm>> -> memref<32x1024xf32, #tpu.memory_space<hbm>>
      %dma_wait3A_55 = arith.constant 0 : i32
      %dma_wait3A_56 = tpu.memref_slice %arg5[%add3A_46, %dma_wait3A_55] : memref<2048x1024xf32, #tpu.memory_space<hbm>> -> memref<32x1024xf32, #tpu.memory_space<hbm>>
      tpu.wait_dma2 semaphore(%run_scoped3A : memref<!tpu.dma_semaphore, #tpu.memory_space<semaphore_mem>>) src(%arg9 : memref<32x1024xf32, #tpu.memory_space<vmem>>) dst(%dma_wait3A_56 : memref<32x1024xf32, #tpu.memory_space<hbm>>)
      tpu.yield
    }) : () -> ()
    %add3A_47 = arith.constant 32 : i32
    %add3A_48 = arith.addi %mul3A_2, %add3A_47 : i32
    "tpu.region"() ({
      %run_scoped3A = tpu.sem_alloc : memref<!tpu.dma_semaphore, #tpu.memory_space<semaphore_mem>>
      %dma_start3A_49 = arith.constant 0 : i32
      %dma_start3A_50 = tpu.memref_slice %arg6[%add3A_48, %dma_start3A_49] : memref<2048x1024xf32, #tpu.memory_space<hbm>> -> memref<32x1024xf32, #tpu.memory_space<hbm>>
      %dma_start3A_51 = arith.constant 0 : i32
      %dma_start3A_52 = tpu.memref_slice %arg6[%add3A_48, %dma_start3A_51] : memref<2048x1024xf32, #tpu.memory_space<hbm>> -> memref<32x1024xf32, #tpu.memory_space<hbm>>
      tpu.enqueue_dma source(%arg10 : memref<32x1024xf32, #tpu.memory_space<vmem>>) target(%dma_start3A_52 : memref<32x1024xf32, #tpu.memory_space<hbm>>) target_semaphore(%run_scoped3A : memref<!tpu.dma_semaphore, #tpu.memory_space<semaphore_mem>>)
      %dma_wait3A_53 = arith.constant 0 : i32
      %dma_wait3A_54 = tpu.memref_slice %arg6[%add3A_48, %dma_wait3A_53] : memref<2048x1024xf32, #tpu.memory_space<hbm>> -> memref<32x1024xf32, #tpu.memory_space<hbm>>
      %dma_wait3A_55 = arith.constant 0 : i32
      %dma_wait3A_56 = tpu.memref_slice %arg6[%add3A_48, %dma_wait3A_55] : memref<2048x1024xf32, #tpu.memory_space<hbm>> -> memref<32x1024xf32, #tpu.memory_space<hbm>>
      tpu.wait_dma2 semaphore(%run_scoped3A : memref<!tpu.dma_semaphore, #tpu.memory_space<semaphore_mem>>) src(%arg10 : memref<32x1024xf32, #tpu.memory_space<vmem>>) dst(%dma_wait3A_56 : memref<32x1024xf32, #tpu.memory_space<hbm>>)
      tpu.yield
    }) : () -> ()
    return
  }
}

module attributes {stable_mosaic.version = 14 : i64} {
  func.func @_k0_body(%arg0: i32, %arg1: memref<256x1024xf32, #tpu.memory_space<vmem>>, %arg2: memref<1x1024xf32, #tpu.memory_space<vmem>>, %arg3: memref<256x1024xbf16, #tpu.memory_space<vmem>>, %arg4: memref<256x256xf32, #tpu.memory_space<vmem>>, %arg5: memref<256x256xf32, #tpu.memory_space<vmem>>) attributes {dimension_semantics = [#tpu.dimension_semantics<arbitrary>], iteration_bounds = array<i64: 8>, scalar_prefetch = 0 : i64, scratch_operands = 0 : i64, tpu.core_type = #tpu.core_type<tc>, window_params = [{transform_indices = @transform_0, window_bounds = array<i64: 256, 1024>}, {pipeline_mode = #tpu.pipeline_mode<synchronous>, transform_indices = @transform_1, window_bounds = array<i64: 1, 1024>}, {transform_indices = @transform_2, window_bounds = array<i64: 256, 1024>}, {transform_indices = @transform_3, window_bounds = array<i64: 256, 256>}, {transform_indices = @transform_4, window_bounds = array<i64: 256, 256>}]} {
    %get3A = arith.constant 0 : index
    %get3A_0 = arith.constant 0 : index
    %get3A_1 = vector.load %arg1[%get3A, %get3A_0] : memref<256x1024xf32, #tpu.memory_space<vmem>>, vector<256x1024xf32>
    %mul3A = arith.mulf %get3A_1, %get3A_1 : vector<256x1024xf32>
    %reduce_sum3A = arith.constant dense<0.000000e+00> : vector<256xf32>
    %reduce_sum3A_2 = vector.multi_reduction <add>, %mul3A, %reduce_sum3A [1] : vector<256x1024xf32> to vector<256xf32>
    %broadcast_in_dim3A = vector.shape_cast %reduce_sum3A_2 : vector<256xf32> to vector<256x1xf32>
    %div3A = arith.constant 1.024000e+03 : f32
    %div3A_3 = vector.broadcast %div3A : f32 to vector<256x1xf32>
    %div3A_4 = arith.divf %broadcast_in_dim3A, %div3A_3 : vector<256x1xf32>
    %add3A = arith.constant 9.99999974E-6 : f32
    %add3A_5 = vector.broadcast %add3A : f32 to vector<256x1xf32>
    %add3A_6 = arith.addf %div3A_4, %add3A_5 : vector<256x1xf32>
    %rsqrt3A = math.rsqrt %add3A_6 : vector<256x1xf32>
    %mul3A_7 = vector.broadcast %rsqrt3A : vector<256x1xf32> to vector<256x1024xf32>
    %mul3A_8 = arith.mulf %get3A_1, %mul3A_7 : vector<256x1024xf32>
    %get3A_9 = arith.constant 0 : index
    %get3A_10 = arith.constant 0 : index
    %get3A_11 = vector.load %arg2[%get3A_9, %get3A_10] : memref<1x1024xf32, #tpu.memory_space<vmem>>, vector<1x1024xf32>
    %mul3A_12 = vector.broadcast %get3A_11 : vector<1x1024xf32> to vector<256x1024xf32>
    %mul3A_13 = arith.mulf %mul3A_8, %mul3A_12 : vector<256x1024xf32>
    %convert_element_type3A = arith.truncf %mul3A_13 : vector<256x1024xf32> to vector<256x1024xbf16>
    %swap3A = arith.constant 0 : index
    %swap3A_14 = arith.constant 0 : index
    %swap3A_15 = vector.load %arg3[%swap3A, %swap3A_14] : memref<256x1024xbf16, #tpu.memory_space<vmem>>, vector<256x1024xbf16>
    tpu.vector_store %arg3[%swap3A, %swap3A_14], %convert_element_type3A {strides = array<i32>} : memref<256x1024xbf16, #tpu.memory_space<vmem>>, vector<256x1024xbf16>,
    %iota3A = tpu.iota {dimensions = array<i32: 0>} : vector<256x256xi32>
    %convert_element_type3A_16 = arith.sitofp %iota3A : vector<256x256xi32> to vector<256x256xf32>
    %mul3A_17 = arith.constant 256 : i32
    %mul3A_18 = arith.muli %arg0, %mul3A_17 : i32
    %convert_element_type3A_19 = arith.sitofp %mul3A_18 : i32 to f32
    %add3A_20 = vector.broadcast %convert_element_type3A_19 : f32 to vector<256x256xf32>
    %add3A_21 = arith.addf %convert_element_type3A_16, %add3A_20 : vector<256x256xf32>
    %iota3A_22 = tpu.iota {dimensions = array<i32: 1>} : vector<256x256xi32>
    %jit3A = arith.constant 32 : i32
    %eq3A = arith.constant 0 : i32
    %eq3A_23 = arith.cmpi eq, %jit3A, %eq3A : i32
    %jit3A_24 = arith.constant 1 : i32
    %select_n3A = arith.select %eq3A_23, %jit3A_24, %jit3A : i32
    %rem3A = vector.broadcast %select_n3A : i32 to vector<256x256xi32>
    %rem3A_25 = arith.remsi %iota3A_22, %rem3A : vector<256x256xi32>
    %ne3A = arith.constant 0 : i32
    %ne3A_26 = vector.broadcast %ne3A : i32 to vector<256x256xi32>
    %ne3A_27 = arith.cmpi ne, %rem3A_25, %ne3A_26 : vector<256x256xi32>
    %lt3A = arith.constant 0 : i32
    %lt3A_28 = vector.broadcast %lt3A : i32 to vector<256x256xi32>
    %lt3A_29 = arith.cmpi slt, %rem3A_25, %lt3A_28 : vector<256x256xi32>
    %lt3A_30 = arith.constant 0 : i32
    %lt3A_31 = arith.cmpi slt, %select_n3A, %lt3A_30 : i32
    %ne3A_32 = vector.broadcast %lt3A_31 : i1 to vector<256x256xi1>
    %ne3A_33 = vector.broadcast %ne3A_32 : vector<256x256xi1> to vector<256x256xi1>
    %ne3A_34 = arith.xori %lt3A_29, %ne3A_33 : vector<256x256xi1>
    %and3A = arith.andi %ne3A_34, %ne3A_27 : vector<256x256xi1>
    %add3A_35 = vector.broadcast %select_n3A : i32 to vector<256x256xi32>
    %add3A_36 = arith.addi %rem3A_25, %add3A_35 : vector<256x256xi32>
    %select_n3A_37 = arith.select %and3A, %add3A_36, %rem3A_25 : vector<256x256xi1>, vector<256x256xi32>
    %convert_element_type3A_38 = arith.sitofp %select_n3A_37 : vector<256x256xi32> to vector<256x256xf32>
    %mul3A_39 = arith.constant 3.125000e-02 : f32
    %mul3A_40 = vector.broadcast %mul3A_39 : f32 to vector<256x256xf32>
    %mul3A_41 = arith.mulf %convert_element_type3A_38, %mul3A_40 : vector<256x256xf32>
    %mul3A_42 = arith.constant -9.21034049 : f32
    %mul3A_43 = vector.broadcast %mul3A_42 : f32 to vector<256x256xf32>
    %mul3A_44 = arith.mulf %mul3A_41, %mul3A_43 : vector<256x256xf32>
    %exp3A = math.exp %mul3A_44 : vector<256x256xf32>
    %mul3A_45 = arith.mulf %add3A_21, %exp3A : vector<256x256xf32>
    %cos3A = math.cos %mul3A_45 : vector<256x256xf32>
    %swap3A_46 = arith.constant 0 : index
    %swap3A_47 = arith.constant 0 : index
    %swap3A_48 = vector.load %arg4[%swap3A_46, %swap3A_47] : memref<256x256xf32, #tpu.memory_space<vmem>>, vector<256x256xf32>
    tpu.vector_store %arg4[%swap3A_46, %swap3A_47], %cos3A {strides = array<i32>} : memref<256x256xf32, #tpu.memory_space<vmem>>, vector<256x256xf32>,
    %jit3A_49 = arith.constant 32 : i32
    %div3A_50 = vector.broadcast %jit3A_49 : i32 to vector<256x256xi32>
    %div3A_51 = arith.divsi %iota3A_22, %div3A_50 : vector<256x256xi32>
    %sign3A = arith.constant 0 : i32
    %sign3A_52 = vector.broadcast %sign3A : i32 to vector<256x256xi32>
    %sign3A_53 = arith.cmpi sgt, %iota3A_22, %sign3A_52 : vector<256x256xi32>
    %sign3A_54 = arith.extui %sign3A_53 : vector<256x256xi1> to vector<256x256xi32>
    %sign3A_55 = arith.constant 0 : i32
    %sign3A_56 = vector.broadcast %sign3A_55 : i32 to vector<256x256xi32>
    %sign3A_57 = arith.cmpi slt, %iota3A_22, %sign3A_56 : vector<256x256xi32>
    %sign3A_58 = arith.extui %sign3A_57 : vector<256x256xi1> to vector<256x256xi32>
    %sign3A_59 = arith.subi %sign3A_54, %sign3A_58 : vector<256x256xi32>
    %sign3A_60 = arith.constant 0 : i32
    %sign3A_61 = arith.cmpi sgt, %jit3A_49, %sign3A_60 : i32
    %sign3A_62 = arith.extui %sign3A_61 : i1 to i32
    %sign3A_63 = arith.constant 0 : i32
    %sign3A_64 = arith.cmpi slt, %jit3A_49, %sign3A_63 : i32
    %sign3A_65 = arith.extui %sign3A_64 : i1 to i32
    %sign3A_66 = arith.subi %sign3A_62, %sign3A_65 : i32
    %ne3A_67 = vector.broadcast %sign3A_66 : i32 to vector<256x256xi32>
    %ne3A_68 = arith.cmpi ne, %sign3A_59, %ne3A_67 : vector<256x256xi32>
    %rem3A_69 = vector.broadcast %jit3A_49 : i32 to vector<256x256xi32>
    %rem3A_70 = arith.remsi %iota3A_22, %rem3A_69 : vector<256x256xi32>
    %ne3A_71 = arith.constant 0 : i32
    %ne3A_72 = vector.broadcast %ne3A_71 : i32 to vector<256x256xi32>
    %ne3A_73 = arith.cmpi ne, %rem3A_70, %ne3A_72 : vector<256x256xi32>
    %and3A_74 = arith.andi %ne3A_68, %ne3A_73 : vector<256x256xi1>
    %sub3A = arith.constant 1 : i32
    %sub3A_75 = vector.broadcast %sub3A : i32 to vector<256x256xi32>
    %sub3A_76 = arith.subi %div3A_51, %sub3A_75 : vector<256x256xi32>
    %select_n3A_77 = arith.select %and3A_74, %sub3A_76, %div3A_51 : vector<256x256xi1>, vector<256x256xi32>
    %jit3A_78 = arith.constant 2 : i32
    %eq3A_79 = arith.constant 0 : i32
    %eq3A_80 = arith.cmpi eq, %jit3A_78, %eq3A_79 : i32
    %jit3A_81 = arith.constant 1 : i32
    %select_n3A_82 = arith.select %eq3A_80, %jit3A_81, %jit3A_78 : i32
    %rem3A_83 = vector.broadcast %select_n3A_82 : i32 to vector<256x256xi32>
    %rem3A_84 = arith.remsi %select_n3A_77, %rem3A_83 : vector<256x256xi32>
    %ne3A_85 = arith.constant 0 : i32
    %ne3A_86 = vector.broadcast %ne3A_85 : i32 to vector<256x256xi32>
    %ne3A_87 = arith.cmpi ne, %rem3A_84, %ne3A_86 : vector<256x256xi32>
    %lt3A_88 = arith.constant 0 : i32
    %lt3A_89 = vector.broadcast %lt3A_88 : i32 to vector<256x256xi32>
    %lt3A_90 = arith.cmpi slt, %rem3A_84, %lt3A_89 : vector<256x256xi32>
    %lt3A_91 = arith.constant 0 : i32
    %lt3A_92 = arith.cmpi slt, %select_n3A_82, %lt3A_91 : i32
    %ne3A_93 = vector.broadcast %lt3A_92 : i1 to vector<256x256xi1>
    %ne3A_94 = vector.broadcast %ne3A_93 : vector<256x256xi1> to vector<256x256xi1>
    %ne3A_95 = arith.xori %lt3A_90, %ne3A_94 : vector<256x256xi1>
    %and3A_96 = arith.andi %ne3A_95, %ne3A_87 : vector<256x256xi1>
    %add3A_97 = vector.broadcast %select_n3A_82 : i32 to vector<256x256xi32>
    %add3A_98 = arith.addi %rem3A_84, %add3A_97 : vector<256x256xi32>
    %select_n3A_99 = arith.select %and3A_96, %add3A_98, %rem3A_84 : vector<256x256xi1>, vector<256x256xi32>
    %eq3A_100 = arith.constant 0 : i32
    %eq3A_101 = vector.broadcast %eq3A_100 : i32 to vector<256x256xi32>
    %eq3A_102 = arith.cmpi eq, %select_n3A_99, %eq3A_101 : vector<256x256xi32>
    %jit3A_103 = arith.constant 1.000000e+00 : f32
    %jit3A_104 = arith.constant -1.000000e+00 : f32
    %broadcast_in_dim3A_105 = vector.broadcast %jit3A_103 : f32 to vector<256x256xf32>
    %broadcast_in_dim3A_106 = vector.broadcast %jit3A_104 : f32 to vector<256x256xf32>
    %select_n3A_107 = arith.select %eq3A_102, %broadcast_in_dim3A_105, %broadcast_in_dim3A_106 : vector<256x256xi1>, vector<256x256xf32>
    %sin3A = math.sin %mul3A_45 : vector<256x256xf32>
    %mul3A_108 = arith.mulf %sin3A, %select_n3A_107 : vector<256x256xf32>
    %swap3A_109 = arith.constant 0 : index
    %swap3A_110 = arith.constant 0 : index
    %swap3A_111 = vector.load %arg5[%swap3A_109, %swap3A_110] : memref<256x256xf32, #tpu.memory_space<vmem>>, vector<256x256xf32>
    tpu.vector_store %arg5[%swap3A_109, %swap3A_110], %mul3A_108 {strides = array<i32>} : memref<256x256xf32, #tpu.memory_space<vmem>>, vector<256x256xf32>,
    return
  }
  func.func @transform_0(%arg0: i32) -> (i32, i32) {
    %c0_i32 = arith.constant 0 : i32
    %c0_i32_0 = arith.constant 0 : i32
    return %arg0, %c0_i32 : i32, i32
  }
  func.func @transform_1(%arg0: i32) -> (i32, i32) {
    %c0_i32 = arith.constant 0 : i32
    %c0_i32_0 = arith.constant 0 : i32
    %c0_i32_1 = arith.constant 0 : i32
    return %c0_i32, %c0_i32_0 : i32, i32
  }
  func.func @transform_2(%arg0: i32) -> (i32, i32) {
    %c0_i32 = arith.constant 0 : i32
    %c0_i32_0 = arith.constant 0 : i32
    return %arg0, %c0_i32 : i32, i32
  }
  func.func @transform_3(%arg0: i32) -> (i32, i32) {
    %c0_i32 = arith.constant 0 : i32
    %c0_i32_0 = arith.constant 0 : i32
    return %arg0, %c0_i32 : i32, i32
  }
  func.func @transform_4(%arg0: i32) -> (i32, i32) {
    %c0_i32 = arith.constant 0 : i32
    %c0_i32_0 = arith.constant 0 : i32
    return %arg0, %c0_i32 : i32, i32
  }
}

module attributes {stable_mosaic.version = 14 : i64} {
  func.func @_k2_body(%arg0: i32, %arg1: i32, %arg2: memref<512x128xbf16, #tpu.memory_space<vmem>>, %arg3: memref<2048x128xbf16, #tpu.memory_space<vmem>>, %arg4: memref<2048x128xbf16, #tpu.memory_space<vmem>>, %arg5: memref<512x128xbf16, #tpu.memory_space<vmem>>) attributes {dimension_semantics = [#tpu.dimension_semantics<arbitrary>, #tpu.dimension_semantics<arbitrary>], iteration_bounds = array<i64: 8, 4>, scalar_prefetch = 0 : i64, scratch_operands = 0 : i64, tpu.core_type = #tpu.core_type<tc>, window_params = [{transform_indices = @transform_0, window_bounds = array<i64: 512, 128>}, {transform_indices = @transform_1, window_bounds = array<i64: 2048, 128>}, {transform_indices = @transform_2, window_bounds = array<i64: 2048, 128>}, {transform_indices = @transform_3, window_bounds = array<i64: 512, 128>}]} {
    %get3A = arith.constant 0 : index
    %get3A_0 = arith.constant 0 : index
    %get3A_1 = vector.load %arg2[%get3A, %get3A_0] : memref<512x128xbf16, #tpu.memory_space<vmem>>, vector<512x64xbf16>
    %broadcast_in_dim3A = arith.constant 0.000000e+00 : f32
    %broadcast_in_dim3A_2 = vector.broadcast %broadcast_in_dim3A : f32 to vector<512x64xf32>
    %broadcast_in_dim3A_3 = arith.constant 0.000000e+00 : f32
    %broadcast_in_dim3A_4 = vector.broadcast %broadcast_in_dim3A_3 : f32 to vector<512x1xf32>
    %while3A = arith.constant 0 : i32
    %while3A_5 = arith.subi %arg1, %while3A : i32
    %while3A_6 = arith.addi %while3A, %while3A_5 : i32
    %while3A_7 = arith.constant 1 : i32
    %while3A_8 = arith.divsi %while3A_5, %while3A_7 : i32
    %while3A_9 = arith.muli %while3A_8, %while3A_7 : i32
    %while3A_10 = arith.addi %while3A, %while3A_9 : i32
    %while3A_11 = arith.constant 1 : i32
    %while3A_12:2 = scf.for %while3A_116 = %while3A to %while3A_10 step %while3A_11 iter_args(%while3A_117 = %broadcast_in_dim3A_2, %while3A_118 = %broadcast_in_dim3A_4) -> (vector<512x64xf32>, vector<512x1xf32>)  : i32 {
      %mul3A_119 = arith.constant 512 : i32
      %mul3A_120 = arith.muli %while3A_116, %mul3A_119 : i32
      %get3A_121 = arith.index_cast %mul3A_120 : i32 to index
      %get3A_122 = arith.constant 0 : index
      %get3A_123 = vector.load %arg3[%get3A_121, %get3A_122] : memref<2048x128xbf16, #tpu.memory_space<vmem>>, vector<512x64xbf16>
      %mul3A_124 = arith.constant 512 : i32
      %mul3A_125 = arith.muli %while3A_116, %mul3A_124 : i32
      %get3A_126 = arith.index_cast %mul3A_125 : i32 to index
      %get3A_127 = arith.constant 0 : index
      %get3A_128 = vector.load %arg4[%get3A_126, %get3A_127] : memref<2048x128xbf16, #tpu.memory_space<vmem>>, vector<512x64xbf16>
      %dot_general3A_129 = arith.constant dense<0.000000e+00> : vector<512x512xf32>
      %dot_general3A_130 = tpu.matmul %get3A_1, %get3A_123, %dot_general3A_129 {dimension_numbers = #tpu.dot_dimension_numbers<[1], [1], [0], [0], [0, 0, 1, 0], [], []>, transpose_lhs_hint = false} : vector<512x64xbf16>, vector<512x64xbf16>, vector<512x512xf32> -> vector<512x512xf32>
      %convert_element_type3A_131 = arith.truncf %dot_general3A_130 : vector<512x512xf32> to vector<512x512xbf16>
      %mul3A_132 = arith.constant 1.669920e-01 : bf16
      %mul3A_133 = vector.broadcast %mul3A_132 : bf16 to vector<512x512xbf16>
      %mul3A_134 = arith.mulf %convert_element_type3A_131, %mul3A_133 : vector<512x512xbf16>
      %add3A_135 = arith.constant 5.000000e-01 : bf16
      %add3A_136 = vector.broadcast %add3A_135 : bf16 to vector<512x512xbf16>
      %add3A_137 = arith.addf %add3A_136, %mul3A_134 : vector<512x512xbf16>
      %mul3A_138 = arith.mulf %convert_element_type3A_131, %add3A_137 : vector<512x512xbf16>
      %add3A_139 = arith.constant 1.000000e+00 : bf16
      %add3A_140 = vector.broadcast %add3A_139 : bf16 to vector<512x512xbf16>
      %add3A_141 = arith.addf %add3A_140, %mul3A_138 : vector<512x512xbf16>
      %mul3A_142 = arith.mulf %convert_element_type3A_131, %add3A_141 : vector<512x512xbf16>
      %add3A_143 = arith.constant 1.000000e+00 : bf16
      %add3A_144 = vector.broadcast %add3A_143 : bf16 to vector<512x512xbf16>
      %add3A_145 = arith.addf %add3A_144, %mul3A_142 : vector<512x512xbf16>
      %dot_general3A_146 = arith.constant dense<0.000000e+00> : vector<512x64xf32>
      %dot_general3A_147 = tpu.matmul %add3A_145, %get3A_128, %dot_general3A_146 {dimension_numbers = #tpu.dot_dimension_numbers<[1], [0], [0], [1], [0, 0, 1, 1], [], []>, transpose_lhs_hint = false} : vector<512x512xbf16>, vector<512x64xbf16>, vector<512x64xf32> -> vector<512x64xf32>
      %convert_element_type3A_148 = arith.extf %add3A_145 : vector<512x512xbf16> to vector<512x512xf32>
      %reduce_sum3A_149 = arith.constant dense<0.000000e+00> : vector<512xf32>
      %reduce_sum3A_150 = vector.multi_reduction <add>, %convert_element_type3A_148, %reduce_sum3A_149 [1] : vector<512x512xf32> to vector<512xf32>
      %broadcast_in_dim3A_151 = vector.shape_cast %reduce_sum3A_150 : vector<512xf32> to vector<512x1xf32>
      %convert_element_type3A_152 = arith.truncf %broadcast_in_dim3A_151 : vector<512x1xf32> to vector<512x1xbf16>
      %convert_element_type3A_153 = arith.extf %convert_element_type3A_152 : vector<512x1xbf16> to vector<512x1xf32>
      %add3A_154 = arith.addf %while3A_117, %dot_general3A_147 : vector<512x64xf32>
      %add3A_155 = arith.addf %while3A_118, %convert_element_type3A_153 : vector<512x1xf32>
      scf.yield %add3A_154, %add3A_155 : vector<512x64xf32>, vector<512x1xf32>
    }
    %while3A_13 = arith.constant 1 : i32
    %while3A_14:2 = scf.for %while3A_116 = %while3A_10 to %while3A_6 step %while3A_13 iter_args(%while3A_117 = %while3A_12#0, %while3A_118 = %while3A_12#1) -> (vector<512x64xf32>, vector<512x1xf32>)  : i32 {
      %mul3A_119 = arith.constant 512 : i32
      %mul3A_120 = arith.muli %while3A_116, %mul3A_119 : i32
      %get3A_121 = arith.index_cast %mul3A_120 : i32 to index
      %get3A_122 = arith.constant 0 : index
      %get3A_123 = vector.load %arg3[%get3A_121, %get3A_122] : memref<2048x128xbf16, #tpu.memory_space<vmem>>, vector<512x64xbf16>
      %mul3A_124 = arith.constant 512 : i32
      %mul3A_125 = arith.muli %while3A_116, %mul3A_124 : i32
      %get3A_126 = arith.index_cast %mul3A_125 : i32 to index
      %get3A_127 = arith.constant 0 : index
      %get3A_128 = vector.load %arg4[%get3A_126, %get3A_127] : memref<2048x128xbf16, #tpu.memory_space<vmem>>, vector<512x64xbf16>
      %dot_general3A_129 = arith.constant dense<0.000000e+00> : vector<512x512xf32>
      %dot_general3A_130 = tpu.matmul %get3A_1, %get3A_123, %dot_general3A_129 {dimension_numbers = #tpu.dot_dimension_numbers<[1], [1], [0], [0], [0, 0, 1, 0], [], []>, transpose_lhs_hint = false} : vector<512x64xbf16>, vector<512x64xbf16>, vector<512x512xf32> -> vector<512x512xf32>
      %convert_element_type3A_131 = arith.truncf %dot_general3A_130 : vector<512x512xf32> to vector<512x512xbf16>
      %mul3A_132 = arith.constant 1.669920e-01 : bf16
      %mul3A_133 = vector.broadcast %mul3A_132 : bf16 to vector<512x512xbf16>
      %mul3A_134 = arith.mulf %convert_element_type3A_131, %mul3A_133 : vector<512x512xbf16>
      %add3A_135 = arith.constant 5.000000e-01 : bf16
      %add3A_136 = vector.broadcast %add3A_135 : bf16 to vector<512x512xbf16>
      %add3A_137 = arith.addf %add3A_136, %mul3A_134 : vector<512x512xbf16>
      %mul3A_138 = arith.mulf %convert_element_type3A_131, %add3A_137 : vector<512x512xbf16>
      %add3A_139 = arith.constant 1.000000e+00 : bf16
      %add3A_140 = vector.broadcast %add3A_139 : bf16 to vector<512x512xbf16>
      %add3A_141 = arith.addf %add3A_140, %mul3A_138 : vector<512x512xbf16>
      %mul3A_142 = arith.mulf %convert_element_type3A_131, %add3A_141 : vector<512x512xbf16>
      %add3A_143 = arith.constant 1.000000e+00 : bf16
      %add3A_144 = vector.broadcast %add3A_143 : bf16 to vector<512x512xbf16>
      %add3A_145 = arith.addf %add3A_144, %mul3A_142 : vector<512x512xbf16>
      %dot_general3A_146 = arith.constant dense<0.000000e+00> : vector<512x64xf32>
      %dot_general3A_147 = tpu.matmul %add3A_145, %get3A_128, %dot_general3A_146 {dimension_numbers = #tpu.dot_dimension_numbers<[1], [0], [0], [1], [0, 0, 1, 1], [], []>, transpose_lhs_hint = false} : vector<512x512xbf16>, vector<512x64xbf16>, vector<512x64xf32> -> vector<512x64xf32>
      %convert_element_type3A_148 = arith.extf %add3A_145 : vector<512x512xbf16> to vector<512x512xf32>
      %reduce_sum3A_149 = arith.constant dense<0.000000e+00> : vector<512xf32>
      %reduce_sum3A_150 = vector.multi_reduction <add>, %convert_element_type3A_148, %reduce_sum3A_149 [1] : vector<512x512xf32> to vector<512xf32>
      %broadcast_in_dim3A_151 = vector.shape_cast %reduce_sum3A_150 : vector<512xf32> to vector<512x1xf32>
      %convert_element_type3A_152 = arith.truncf %broadcast_in_dim3A_151 : vector<512x1xf32> to vector<512x1xbf16>
      %convert_element_type3A_153 = arith.extf %convert_element_type3A_152 : vector<512x1xbf16> to vector<512x1xf32>
      %add3A_154 = arith.addf %while3A_117, %dot_general3A_147 : vector<512x64xf32>
      %add3A_155 = arith.addf %while3A_118, %convert_element_type3A_153 : vector<512x1xf32>
      scf.yield %add3A_154, %add3A_155 : vector<512x64xf32>, vector<512x1xf32>
    }
    %mul3A = arith.constant 512 : i32
    %mul3A_15 = arith.muli %arg1, %mul3A : i32
    %get3A_16 = arith.index_cast %mul3A_15 : i32 to index
    %get3A_17 = arith.constant 0 : index
    %get3A_18 = vector.load %arg3[%get3A_16, %get3A_17] : memref<2048x128xbf16, #tpu.memory_space<vmem>>, vector<512x64xbf16>
    %mul3A_19 = arith.constant 512 : i32
    %mul3A_20 = arith.muli %arg1, %mul3A_19 : i32
    %get3A_21 = arith.index_cast %mul3A_20 : i32 to index
    %get3A_22 = arith.constant 0 : index
    %get3A_23 = vector.load %arg4[%get3A_21, %get3A_22] : memref<2048x128xbf16, #tpu.memory_space<vmem>>, vector<512x64xbf16>
    %dot_general3A = arith.constant dense<0.000000e+00> : vector<512x512xf32>
    %dot_general3A_24 = tpu.matmul %get3A_1, %get3A_18, %dot_general3A {dimension_numbers = #tpu.dot_dimension_numbers<[1], [1], [0], [0], [0, 0, 1, 0], [], []>, transpose_lhs_hint = false} : vector<512x64xbf16>, vector<512x64xbf16>, vector<512x512xf32> -> vector<512x512xf32>
    %convert_element_type3A = arith.truncf %dot_general3A_24 : vector<512x512xf32> to vector<512x512xbf16>
    %mul3A_25 = arith.constant 1.669920e-01 : bf16
    %mul3A_26 = vector.broadcast %mul3A_25 : bf16 to vector<512x512xbf16>
    %mul3A_27 = arith.mulf %convert_element_type3A, %mul3A_26 : vector<512x512xbf16>
    %add3A = arith.constant 5.000000e-01 : bf16
    %add3A_28 = vector.broadcast %add3A : bf16 to vector<512x512xbf16>
    %add3A_29 = arith.addf %add3A_28, %mul3A_27 : vector<512x512xbf16>
    %mul3A_30 = arith.mulf %convert_element_type3A, %add3A_29 : vector<512x512xbf16>
    %add3A_31 = arith.constant 1.000000e+00 : bf16
    %add3A_32 = vector.broadcast %add3A_31 : bf16 to vector<512x512xbf16>
    %add3A_33 = arith.addf %add3A_32, %mul3A_30 : vector<512x512xbf16>
    %mul3A_34 = arith.mulf %convert_element_type3A, %add3A_33 : vector<512x512xbf16>
    %add3A_35 = arith.constant 1.000000e+00 : bf16
    %add3A_36 = vector.broadcast %add3A_35 : bf16 to vector<512x512xbf16>
    %add3A_37 = arith.addf %add3A_36, %mul3A_34 : vector<512x512xbf16>
    %iota3A = tpu.iota {dimensions = array<i32: 0>} : vector<512x512xi32>
    %iota3A_38 = tpu.iota {dimensions = array<i32: 1>} : vector<512x512xi32>
    %le3A = arith.cmpi sle, %iota3A_38, %iota3A : vector<512x512xi32>
    %jit3A = arith.constant 0.000000e+00 : bf16
    %broadcast_in_dim3A_39 = vector.broadcast %jit3A : bf16 to vector<512x512xbf16>
    %select_n3A = arith.select %le3A, %add3A_37, %broadcast_in_dim3A_39 : vector<512x512xi1>, vector<512x512xbf16>
    %dot_general3A_40 = arith.constant dense<0.000000e+00> : vector<512x64xf32>
    %dot_general3A_41 = tpu.matmul %select_n3A, %get3A_23, %dot_general3A_40 {dimension_numbers = #tpu.dot_dimension_numbers<[1], [0], [0], [1], [0, 0, 1, 1], [], []>, transpose_lhs_hint = false} : vector<512x512xbf16>, vector<512x64xbf16>, vector<512x64xf32> -> vector<512x64xf32>
    %convert_element_type3A_42 = arith.extf %select_n3A : vector<512x512xbf16> to vector<512x512xf32>
    %reduce_sum3A = arith.constant dense<0.000000e+00> : vector<512xf32>
    %reduce_sum3A_43 = vector.multi_reduction <add>, %convert_element_type3A_42, %reduce_sum3A [1] : vector<512x512xf32> to vector<512xf32>
    %broadcast_in_dim3A_44 = vector.shape_cast %reduce_sum3A_43 : vector<512xf32> to vector<512x1xf32>
    %convert_element_type3A_45 = arith.truncf %broadcast_in_dim3A_44 : vector<512x1xf32> to vector<512x1xbf16>
    %convert_element_type3A_46 = arith.extf %convert_element_type3A_45 : vector<512x1xbf16> to vector<512x1xf32>
    %add3A_47 = arith.addf %while3A_14#0, %dot_general3A_41 : vector<512x64xf32>
    %add3A_48 = arith.addf %while3A_14#1, %convert_element_type3A_46 : vector<512x1xf32>
    %div3A = vector.broadcast %add3A_48 : vector<512x1xf32> to vector<512x64xf32>
    %div3A_49 = arith.divf %add3A_47, %div3A : vector<512x64xf32>
    %get3A_50 = arith.constant 0 : index
    %get3A_51 = arith.constant 64 : index
    %get3A_52 = vector.load %arg2[%get3A_50, %get3A_51] : memref<512x128xbf16, #tpu.memory_space<vmem>>, vector<512x64xbf16>
    %broadcast_in_dim3A_53 = arith.constant 0.000000e+00 : f32
    %broadcast_in_dim3A_54 = vector.broadcast %broadcast_in_dim3A_53 : f32 to vector<512x64xf32>
    %broadcast_in_dim3A_55 = arith.constant 0.000000e+00 : f32
    %broadcast_in_dim3A_56 = vector.broadcast %broadcast_in_dim3A_55 : f32 to vector<512x1xf32>
    %while3A_57 = arith.constant 0 : i32
    %while3A_58 = arith.subi %arg1, %while3A_57 : i32
    %while3A_59 = arith.addi %while3A_57, %while3A_58 : i32
    %while3A_60 = arith.constant 1 : i32
    %while3A_61 = arith.divsi %while3A_58, %while3A_60 : i32
    %while3A_62 = arith.muli %while3A_61, %while3A_60 : i32
    %while3A_63 = arith.addi %while3A_57, %while3A_62 : i32
    %while3A_64 = arith.constant 1 : i32
    %while3A_65:2 = scf.for %while3A_116 = %while3A_57 to %while3A_63 step %while3A_64 iter_args(%while3A_117 = %broadcast_in_dim3A_54, %while3A_118 = %broadcast_in_dim3A_56) -> (vector<512x64xf32>, vector<512x1xf32>)  : i32 {
      %mul3A_119 = arith.constant 512 : i32
      %mul3A_120 = arith.muli %while3A_116, %mul3A_119 : i32
      %get3A_121 = arith.index_cast %mul3A_120 : i32 to index
      %get3A_122 = arith.constant 64 : index
      %get3A_123 = vector.load %arg3[%get3A_121, %get3A_122] : memref<2048x128xbf16, #tpu.memory_space<vmem>>, vector<512x64xbf16>
      %mul3A_124 = arith.constant 512 : i32
      %mul3A_125 = arith.muli %while3A_116, %mul3A_124 : i32
      %get3A_126 = arith.index_cast %mul3A_125 : i32 to index
      %get3A_127 = arith.constant 64 : index
      %get3A_128 = vector.load %arg4[%get3A_126, %get3A_127] : memref<2048x128xbf16, #tpu.memory_space<vmem>>, vector<512x64xbf16>
      %dot_general3A_129 = arith.constant dense<0.000000e+00> : vector<512x512xf32>
      %dot_general3A_130 = tpu.matmul %get3A_52, %get3A_123, %dot_general3A_129 {dimension_numbers = #tpu.dot_dimension_numbers<[1], [1], [0], [0], [0, 0, 1, 0], [], []>, transpose_lhs_hint = false} : vector<512x64xbf16>, vector<512x64xbf16>, vector<512x512xf32> -> vector<512x512xf32>
      %convert_element_type3A_131 = arith.truncf %dot_general3A_130 : vector<512x512xf32> to vector<512x512xbf16>
      %mul3A_132 = arith.constant 1.669920e-01 : bf16
      %mul3A_133 = vector.broadcast %mul3A_132 : bf16 to vector<512x512xbf16>
      %mul3A_134 = arith.mulf %convert_element_type3A_131, %mul3A_133 : vector<512x512xbf16>
      %add3A_135 = arith.constant 5.000000e-01 : bf16
      %add3A_136 = vector.broadcast %add3A_135 : bf16 to vector<512x512xbf16>
      %add3A_137 = arith.addf %add3A_136, %mul3A_134 : vector<512x512xbf16>
      %mul3A_138 = arith.mulf %convert_element_type3A_131, %add3A_137 : vector<512x512xbf16>
      %add3A_139 = arith.constant 1.000000e+00 : bf16
      %add3A_140 = vector.broadcast %add3A_139 : bf16 to vector<512x512xbf16>
      %add3A_141 = arith.addf %add3A_140, %mul3A_138 : vector<512x512xbf16>
      %mul3A_142 = arith.mulf %convert_element_type3A_131, %add3A_141 : vector<512x512xbf16>
      %add3A_143 = arith.constant 1.000000e+00 : bf16
      %add3A_144 = vector.broadcast %add3A_143 : bf16 to vector<512x512xbf16>
      %add3A_145 = arith.addf %add3A_144, %mul3A_142 : vector<512x512xbf16>
      %dot_general3A_146 = arith.constant dense<0.000000e+00> : vector<512x64xf32>
      %dot_general3A_147 = tpu.matmul %add3A_145, %get3A_128, %dot_general3A_146 {dimension_numbers = #tpu.dot_dimension_numbers<[1], [0], [0], [1], [0, 0, 1, 1], [], []>, transpose_lhs_hint = false} : vector<512x512xbf16>, vector<512x64xbf16>, vector<512x64xf32> -> vector<512x64xf32>
      %convert_element_type3A_148 = arith.extf %add3A_145 : vector<512x512xbf16> to vector<512x512xf32>
      %reduce_sum3A_149 = arith.constant dense<0.000000e+00> : vector<512xf32>
      %reduce_sum3A_150 = vector.multi_reduction <add>, %convert_element_type3A_148, %reduce_sum3A_149 [1] : vector<512x512xf32> to vector<512xf32>
      %broadcast_in_dim3A_151 = vector.shape_cast %reduce_sum3A_150 : vector<512xf32> to vector<512x1xf32>
      %convert_element_type3A_152 = arith.truncf %broadcast_in_dim3A_151 : vector<512x1xf32> to vector<512x1xbf16>
      %convert_element_type3A_153 = arith.extf %convert_element_type3A_152 : vector<512x1xbf16> to vector<512x1xf32>
      %add3A_154 = arith.addf %while3A_117, %dot_general3A_147 : vector<512x64xf32>
      %add3A_155 = arith.addf %while3A_118, %convert_element_type3A_153 : vector<512x1xf32>
      scf.yield %add3A_154, %add3A_155 : vector<512x64xf32>, vector<512x1xf32>
    }
    %while3A_66 = arith.constant 1 : i32
    %while3A_67:2 = scf.for %while3A_116 = %while3A_63 to %while3A_59 step %while3A_66 iter_args(%while3A_117 = %while3A_65#0, %while3A_118 = %while3A_65#1) -> (vector<512x64xf32>, vector<512x1xf32>)  : i32 {
      %mul3A_119 = arith.constant 512 : i32
      %mul3A_120 = arith.muli %while3A_116, %mul3A_119 : i32
      %get3A_121 = arith.index_cast %mul3A_120 : i32 to index
      %get3A_122 = arith.constant 64 : index
      %get3A_123 = vector.load %arg3[%get3A_121, %get3A_122] : memref<2048x128xbf16, #tpu.memory_space<vmem>>, vector<512x64xbf16>
      %mul3A_124 = arith.constant 512 : i32
      %mul3A_125 = arith.muli %while3A_116, %mul3A_124 : i32
      %get3A_126 = arith.index_cast %mul3A_125 : i32 to index
      %get3A_127 = arith.constant 64 : index
      %get3A_128 = vector.load %arg4[%get3A_126, %get3A_127] : memref<2048x128xbf16, #tpu.memory_space<vmem>>, vector<512x64xbf16>
      %dot_general3A_129 = arith.constant dense<0.000000e+00> : vector<512x512xf32>
      %dot_general3A_130 = tpu.matmul %get3A_52, %get3A_123, %dot_general3A_129 {dimension_numbers = #tpu.dot_dimension_numbers<[1], [1], [0], [0], [0, 0, 1, 0], [], []>, transpose_lhs_hint = false} : vector<512x64xbf16>, vector<512x64xbf16>, vector<512x512xf32> -> vector<512x512xf32>
      %convert_element_type3A_131 = arith.truncf %dot_general3A_130 : vector<512x512xf32> to vector<512x512xbf16>
      %mul3A_132 = arith.constant 1.669920e-01 : bf16
      %mul3A_133 = vector.broadcast %mul3A_132 : bf16 to vector<512x512xbf16>
      %mul3A_134 = arith.mulf %convert_element_type3A_131, %mul3A_133 : vector<512x512xbf16>
      %add3A_135 = arith.constant 5.000000e-01 : bf16
      %add3A_136 = vector.broadcast %add3A_135 : bf16 to vector<512x512xbf16>
      %add3A_137 = arith.addf %add3A_136, %mul3A_134 : vector<512x512xbf16>
      %mul3A_138 = arith.mulf %convert_element_type3A_131, %add3A_137 : vector<512x512xbf16>
      %add3A_139 = arith.constant 1.000000e+00 : bf16
      %add3A_140 = vector.broadcast %add3A_139 : bf16 to vector<512x512xbf16>
      %add3A_141 = arith.addf %add3A_140, %mul3A_138 : vector<512x512xbf16>
      %mul3A_142 = arith.mulf %convert_element_type3A_131, %add3A_141 : vector<512x512xbf16>
      %add3A_143 = arith.constant 1.000000e+00 : bf16
      %add3A_144 = vector.broadcast %add3A_143 : bf16 to vector<512x512xbf16>
      %add3A_145 = arith.addf %add3A_144, %mul3A_142 : vector<512x512xbf16>
      %dot_general3A_146 = arith.constant dense<0.000000e+00> : vector<512x64xf32>
      %dot_general3A_147 = tpu.matmul %add3A_145, %get3A_128, %dot_general3A_146 {dimension_numbers = #tpu.dot_dimension_numbers<[1], [0], [0], [1], [0, 0, 1, 1], [], []>, transpose_lhs_hint = false} : vector<512x512xbf16>, vector<512x64xbf16>, vector<512x64xf32> -> vector<512x64xf32>
      %convert_element_type3A_148 = arith.extf %add3A_145 : vector<512x512xbf16> to vector<512x512xf32>
      %reduce_sum3A_149 = arith.constant dense<0.000000e+00> : vector<512xf32>
      %reduce_sum3A_150 = vector.multi_reduction <add>, %convert_element_type3A_148, %reduce_sum3A_149 [1] : vector<512x512xf32> to vector<512xf32>
      %broadcast_in_dim3A_151 = vector.shape_cast %reduce_sum3A_150 : vector<512xf32> to vector<512x1xf32>
      %convert_element_type3A_152 = arith.truncf %broadcast_in_dim3A_151 : vector<512x1xf32> to vector<512x1xbf16>
      %convert_element_type3A_153 = arith.extf %convert_element_type3A_152 : vector<512x1xbf16> to vector<512x1xf32>
      %add3A_154 = arith.addf %while3A_117, %dot_general3A_147 : vector<512x64xf32>
      %add3A_155 = arith.addf %while3A_118, %convert_element_type3A_153 : vector<512x1xf32>
      scf.yield %add3A_154, %add3A_155 : vector<512x64xf32>, vector<512x1xf32>
    }
    %mul3A_68 = arith.constant 512 : i32
    %mul3A_69 = arith.muli %arg1, %mul3A_68 : i32
    %get3A_70 = arith.index_cast %mul3A_69 : i32 to index
    %get3A_71 = arith.constant 64 : index
    %get3A_72 = vector.load %arg3[%get3A_70, %get3A_71] : memref<2048x128xbf16, #tpu.memory_space<vmem>>, vector<512x64xbf16>
    %mul3A_73 = arith.constant 512 : i32
    %mul3A_74 = arith.muli %arg1, %mul3A_73 : i32
    %get3A_75 = arith.index_cast %mul3A_74 : i32 to index
    %get3A_76 = arith.constant 64 : index
    %get3A_77 = vector.load %arg4[%get3A_75, %get3A_76] : memref<2048x128xbf16, #tpu.memory_space<vmem>>, vector<512x64xbf16>
    %dot_general3A_78 = arith.constant dense<0.000000e+00> : vector<512x512xf32>
    %dot_general3A_79 = tpu.matmul %get3A_52, %get3A_72, %dot_general3A_78 {dimension_numbers = #tpu.dot_dimension_numbers<[1], [1], [0], [0], [0, 0, 1, 0], [], []>, transpose_lhs_hint = false} : vector<512x64xbf16>, vector<512x64xbf16>, vector<512x512xf32> -> vector<512x512xf32>
    %convert_element_type3A_80 = arith.truncf %dot_general3A_79 : vector<512x512xf32> to vector<512x512xbf16>
    %mul3A_81 = arith.constant 1.669920e-01 : bf16
    %mul3A_82 = vector.broadcast %mul3A_81 : bf16 to vector<512x512xbf16>
    %mul3A_83 = arith.mulf %convert_element_type3A_80, %mul3A_82 : vector<512x512xbf16>
    %add3A_84 = arith.constant 5.000000e-01 : bf16
    %add3A_85 = vector.broadcast %add3A_84 : bf16 to vector<512x512xbf16>
    %add3A_86 = arith.addf %add3A_85, %mul3A_83 : vector<512x512xbf16>
    %mul3A_87 = arith.mulf %convert_element_type3A_80, %add3A_86 : vector<512x512xbf16>
    %add3A_88 = arith.constant 1.000000e+00 : bf16
    %add3A_89 = vector.broadcast %add3A_88 : bf16 to vector<512x512xbf16>
    %add3A_90 = arith.addf %add3A_89, %mul3A_87 : vector<512x512xbf16>
    %mul3A_91 = arith.mulf %convert_element_type3A_80, %add3A_90 : vector<512x512xbf16>
    %add3A_92 = arith.constant 1.000000e+00 : bf16
    %add3A_93 = vector.broadcast %add3A_92 : bf16 to vector<512x512xbf16>
    %add3A_94 = arith.addf %add3A_93, %mul3A_91 : vector<512x512xbf16>
    %iota3A_95 = tpu.iota {dimensions = array<i32: 0>} : vector<512x512xi32>
    %iota3A_96 = tpu.iota {dimensions = array<i32: 1>} : vector<512x512xi32>
    %le3A_97 = arith.cmpi sle, %iota3A_96, %iota3A_95 : vector<512x512xi32>
    %jit3A_98 = arith.constant 0.000000e+00 : bf16
    %broadcast_in_dim3A_99 = vector.broadcast %jit3A_98 : bf16 to vector<512x512xbf16>
    %select_n3A_100 = arith.select %le3A_97, %add3A_94, %broadcast_in_dim3A_99 : vector<512x512xi1>, vector<512x512xbf16>
    %dot_general3A_101 = arith.constant dense<0.000000e+00> : vector<512x64xf32>
    %dot_general3A_102 = tpu.matmul %select_n3A_100, %get3A_77, %dot_general3A_101 {dimension_numbers = #tpu.dot_dimension_numbers<[1], [0], [0], [1], [0, 0, 1, 1], [], []>, transpose_lhs_hint = false} : vector<512x512xbf16>, vector<512x64xbf16>, vector<512x64xf32> -> vector<512x64xf32>
    %convert_element_type3A_103 = arith.extf %select_n3A_100 : vector<512x512xbf16> to vector<512x512xf32>
    %reduce_sum3A_104 = arith.constant dense<0.000000e+00> : vector<512xf32>
    %reduce_sum3A_105 = vector.multi_reduction <add>, %convert_element_type3A_103, %reduce_sum3A_104 [1] : vector<512x512xf32> to vector<512xf32>
    %broadcast_in_dim3A_106 = vector.shape_cast %reduce_sum3A_105 : vector<512xf32> to vector<512x1xf32>
    %convert_element_type3A_107 = arith.truncf %broadcast_in_dim3A_106 : vector<512x1xf32> to vector<512x1xbf16>
    %convert_element_type3A_108 = arith.extf %convert_element_type3A_107 : vector<512x1xbf16> to vector<512x1xf32>
    %add3A_109 = arith.addf %while3A_67#0, %dot_general3A_102 : vector<512x64xf32>
    %add3A_110 = arith.addf %while3A_67#1, %convert_element_type3A_108 : vector<512x1xf32>
    %div3A_111 = vector.broadcast %add3A_110 : vector<512x1xf32> to vector<512x64xf32>
    %div3A_112 = arith.divf %add3A_109, %div3A_111 : vector<512x64xf32>
    %concatenate3A = tpu.concatenate %div3A_49, %div3A_112 in 1 : vector<512x64xf32>, vector<512x64xf32> -> vector<512x128xf32>
    %convert_element_type3A_113 = arith.truncf %concatenate3A : vector<512x128xf32> to vector<512x128xbf16>
    %swap3A = arith.constant 0 : index
    %swap3A_114 = arith.constant 0 : index
    %swap3A_115 = vector.load %arg5[%swap3A, %swap3A_114] : memref<512x128xbf16, #tpu.memory_space<vmem>>, vector<512x128xbf16>
    tpu.vector_store %arg5[%swap3A, %swap3A_114], %convert_element_type3A_113 {strides = array<i32>} : memref<512x128xbf16, #tpu.memory_space<vmem>>, vector<512x128xbf16>,
    return
  }
  func.func @transform_0(%arg0: i32, %arg1: i32) -> (i32, i32) {
    %c0_i32 = arith.constant 0 : i32
    return %arg1, %arg0 : i32, i32
  }
  func.func @transform_1(%arg0: i32, %arg1: i32) -> (i32, i32) {
    %add3A = arith.constant 8 : i32
    %add3A_0 = arith.addi %add3A, %arg0 : i32
    %c0_i32 = arith.constant 0 : i32
    %c0_i32_1 = arith.constant 0 : i32
    return %c0_i32, %add3A_0 : i32, i32
  }
  func.func @transform_2(%arg0: i32, %arg1: i32) -> (i32, i32) {
    %add3A = arith.constant 16 : i32
    %add3A_0 = arith.addi %add3A, %arg0 : i32
    %c0_i32 = arith.constant 0 : i32
    %c0_i32_1 = arith.constant 0 : i32
    return %c0_i32, %add3A_0 : i32, i32
  }
  func.func @transform_3(%arg0: i32, %arg1: i32) -> (i32, i32) {
    %c0_i32 = arith.constant 0 : i32
    return %arg1, %arg0 : i32, i32
  }
}

module attributes {stable_mosaic.version = 14 : i64} {
  func.func @_k1_body(%arg0: i32, %arg1: i32, %arg2: memref<512x1024xbf16, #tpu.memory_space<vmem>>, %arg3: memref<1024x256xf32, #tpu.memory_space<vmem>>, %arg4: memref<512x256xf32, #tpu.memory_space<vmem>>, %arg5: memref<512x256xf32, #tpu.memory_space<vmem>>, %arg6: memref<512x256xbf16, #tpu.memory_space<vmem>>) attributes {dimension_semantics = [#tpu.dimension_semantics<arbitrary>, #tpu.dimension_semantics<arbitrary>], iteration_bounds = array<i64: 4, 12>, scalar_prefetch = 0 : i64, scratch_operands = 0 : i64, tpu.core_type = #tpu.core_type<tc>, window_params = [{transform_indices = @transform_0, window_bounds = array<i64: 512, 1024>}, {transform_indices = @transform_1, window_bounds = array<i64: 1024, 256>}, {transform_indices = @transform_2, window_bounds = array<i64: 512, 256>}, {transform_indices = @transform_3, window_bounds = array<i64: 512, 256>}, {transform_indices = @transform_4, window_bounds = array<i64: 512, 256>}]} {
    %get3A = arith.constant 0 : index
    %get3A_0 = arith.constant 0 : index
    %get3A_1 = vector.load %arg2[%get3A, %get3A_0] : memref<512x1024xbf16, #tpu.memory_space<vmem>>, vector<512x1024xbf16>
    %get3A_2 = arith.constant 0 : index
    %get3A_3 = arith.constant 0 : index
    %get3A_4 = vector.load %arg3[%get3A_2, %get3A_3] : memref<1024x256xf32, #tpu.memory_space<vmem>>, vector<1024x256xf32>
    %convert_element_type3A = arith.truncf %get3A_4 : vector<1024x256xf32> to vector<1024x256xbf16>
    %dot_general3A = arith.constant dense<0.000000e+00> : vector<512x256xf32>
    %dot_general3A_5 = tpu.matmul %get3A_1, %convert_element_type3A, %dot_general3A {dimension_numbers = #tpu.dot_dimension_numbers<[1], [0], [0], [1], [0, 0, 1, 1], [], []>, transpose_lhs_hint = false} : vector<512x1024xbf16>, vector<1024x256xbf16>, vector<512x256xf32> -> vector<512x256xf32>
    %lt3A = arith.constant 4 : i32
    %lt3A_6 = arith.cmpi slt, %arg1, %lt3A : i32
    %convert_element_type3A_7 = arith.extui %lt3A_6 : i1 to i32
    %cond3A = arith.constant 0 : i32
    %cond3A_8 = arith.cmpi ne, %convert_element_type3A_7, %cond3A : i32
    scf.if %cond3A_8 {
      %get3A_20 = arith.constant 0 : index
      %get3A_21 = arith.constant 0 : index
      %get3A_22 = vector.load %arg4[%get3A_20, %get3A_21] : memref<512x256xf32, #tpu.memory_space<vmem>>, vector<512x256xf32>
      %get3A_23 = arith.constant 0 : index
      %get3A_24 = arith.constant 0 : index
      %get3A_25 = vector.load %arg5[%get3A_23, %get3A_24] : memref<512x256xf32, #tpu.memory_space<vmem>>, vector<512x256xf32>
      %iota3A = tpu.iota {dimensions = array<i32: 0>} : vector<256x256xi32>
      %iota3A_26 = tpu.iota {dimensions = array<i32: 1>} : vector<256x256xi32>
      %jit3A = arith.constant 64 : i32
      %div3A = vector.broadcast %jit3A : i32 to vector<256x256xi32>
      %div3A_27 = arith.divsi %iota3A, %div3A : vector<256x256xi32>
      %sign3A = arith.constant 0 : i32
      %sign3A_28 = vector.broadcast %sign3A : i32 to vector<256x256xi32>
      %sign3A_29 = arith.cmpi sgt, %iota3A, %sign3A_28 : vector<256x256xi32>
      %sign3A_30 = arith.extui %sign3A_29 : vector<256x256xi1> to vector<256x256xi32>
      %sign3A_31 = arith.constant 0 : i32
      %sign3A_32 = vector.broadcast %sign3A_31 : i32 to vector<256x256xi32>
      %sign3A_33 = arith.cmpi slt, %iota3A, %sign3A_32 : vector<256x256xi32>
      %sign3A_34 = arith.extui %sign3A_33 : vector<256x256xi1> to vector<256x256xi32>
      %sign3A_35 = arith.subi %sign3A_30, %sign3A_34 : vector<256x256xi32>
      %sign3A_36 = arith.constant 0 : i32
      %sign3A_37 = arith.cmpi sgt, %jit3A, %sign3A_36 : i32
      %sign3A_38 = arith.extui %sign3A_37 : i1 to i32
      %sign3A_39 = arith.constant 0 : i32
      %sign3A_40 = arith.cmpi slt, %jit3A, %sign3A_39 : i32
      %sign3A_41 = arith.extui %sign3A_40 : i1 to i32
      %sign3A_42 = arith.subi %sign3A_38, %sign3A_41 : i32
      %ne3A = vector.broadcast %sign3A_42 : i32 to vector<256x256xi32>
      %ne3A_43 = arith.cmpi ne, %sign3A_35, %ne3A : vector<256x256xi32>
      %rem3A = vector.broadcast %jit3A : i32 to vector<256x256xi32>
      %rem3A_44 = arith.remsi %iota3A, %rem3A : vector<256x256xi32>
      %ne3A_45 = arith.constant 0 : i32
      %ne3A_46 = vector.broadcast %ne3A_45 : i32 to vector<256x256xi32>
      %ne3A_47 = arith.cmpi ne, %rem3A_44, %ne3A_46 : vector<256x256xi32>
      %and3A_48 = arith.andi %ne3A_43, %ne3A_47 : vector<256x256xi1>
      %sub3A = arith.constant 1 : i32
      %sub3A_49 = vector.broadcast %sub3A : i32 to vector<256x256xi32>
      %sub3A_50 = arith.subi %div3A_27, %sub3A_49 : vector<256x256xi32>
      %select_n3A = arith.select %and3A_48, %sub3A_50, %div3A_27 : vector<256x256xi1>, vector<256x256xi32>
      %jit3A_51 = arith.constant 64 : i32
      %div3A_52 = vector.broadcast %jit3A_51 : i32 to vector<256x256xi32>
      %div3A_53 = arith.divsi %iota3A_26, %div3A_52 : vector<256x256xi32>
      %sign3A_54 = arith.constant 0 : i32
      %sign3A_55 = vector.broadcast %sign3A_54 : i32 to vector<256x256xi32>
      %sign3A_56 = arith.cmpi sgt, %iota3A_26, %sign3A_55 : vector<256x256xi32>
      %sign3A_57 = arith.extui %sign3A_56 : vector<256x256xi1> to vector<256x256xi32>
      %sign3A_58 = arith.constant 0 : i32
      %sign3A_59 = vector.broadcast %sign3A_58 : i32 to vector<256x256xi32>
      %sign3A_60 = arith.cmpi slt, %iota3A_26, %sign3A_59 : vector<256x256xi32>
      %sign3A_61 = arith.extui %sign3A_60 : vector<256x256xi1> to vector<256x256xi32>
      %sign3A_62 = arith.subi %sign3A_57, %sign3A_61 : vector<256x256xi32>
      %sign3A_63 = arith.constant 0 : i32
      %sign3A_64 = arith.cmpi sgt, %jit3A_51, %sign3A_63 : i32
      %sign3A_65 = arith.extui %sign3A_64 : i1 to i32
      %sign3A_66 = arith.constant 0 : i32
      %sign3A_67 = arith.cmpi slt, %jit3A_51, %sign3A_66 : i32
      %sign3A_68 = arith.extui %sign3A_67 : i1 to i32
      %sign3A_69 = arith.subi %sign3A_65, %sign3A_68 : i32
      %ne3A_70 = vector.broadcast %sign3A_69 : i32 to vector<256x256xi32>
      %ne3A_71 = arith.cmpi ne, %sign3A_62, %ne3A_70 : vector<256x256xi32>
      %rem3A_72 = vector.broadcast %jit3A_51 : i32 to vector<256x256xi32>
      %rem3A_73 = arith.remsi %iota3A_26, %rem3A_72 : vector<256x256xi32>
      %ne3A_74 = arith.constant 0 : i32
      %ne3A_75 = vector.broadcast %ne3A_74 : i32 to vector<256x256xi32>
      %ne3A_76 = arith.cmpi ne, %rem3A_73, %ne3A_75 : vector<256x256xi32>
      %and3A_77 = arith.andi %ne3A_71, %ne3A_76 : vector<256x256xi1>
      %sub3A_78 = arith.constant 1 : i32
      %sub3A_79 = vector.broadcast %sub3A_78 : i32 to vector<256x256xi32>
      %sub3A_80 = arith.subi %div3A_53, %sub3A_79 : vector<256x256xi32>
      %select_n3A_81 = arith.select %and3A_77, %sub3A_80, %div3A_53 : vector<256x256xi1>, vector<256x256xi32>
      %eq3A = arith.cmpi eq, %select_n3A, %select_n3A_81 : vector<256x256xi32>
      %convert_element_type3A_82 = arith.extui %eq3A : vector<256x256xi1> to vector<256x256xi32>
      %convert_element_type3A_83 = arith.sitofp %convert_element_type3A_82 : vector<256x256xi32> to vector<256x256xf32>
      %jit3A_84 = arith.constant 64 : i32
      %div3A_85 = vector.broadcast %jit3A_84 : i32 to vector<256x256xi32>
      %div3A_86 = arith.divsi %iota3A, %div3A_85 : vector<256x256xi32>
      %sign3A_87 = arith.constant 0 : i32
      %sign3A_88 = vector.broadcast %sign3A_87 : i32 to vector<256x256xi32>
      %sign3A_89 = arith.cmpi sgt, %iota3A, %sign3A_88 : vector<256x256xi32>
      %sign3A_90 = arith.extui %sign3A_89 : vector<256x256xi1> to vector<256x256xi32>
      %sign3A_91 = arith.constant 0 : i32
      %sign3A_92 = vector.broadcast %sign3A_91 : i32 to vector<256x256xi32>
      %sign3A_93 = arith.cmpi slt, %iota3A, %sign3A_92 : vector<256x256xi32>
      %sign3A_94 = arith.extui %sign3A_93 : vector<256x256xi1> to vector<256x256xi32>
      %sign3A_95 = arith.subi %sign3A_90, %sign3A_94 : vector<256x256xi32>
      %sign3A_96 = arith.constant 0 : i32
      %sign3A_97 = arith.cmpi sgt, %jit3A_84, %sign3A_96 : i32
      %sign3A_98 = arith.extui %sign3A_97 : i1 to i32
      %sign3A_99 = arith.constant 0 : i32
      %sign3A_100 = arith.cmpi slt, %jit3A_84, %sign3A_99 : i32
      %sign3A_101 = arith.extui %sign3A_100 : i1 to i32
      %sign3A_102 = arith.subi %sign3A_98, %sign3A_101 : i32
      %ne3A_103 = vector.broadcast %sign3A_102 : i32 to vector<256x256xi32>
      %ne3A_104 = arith.cmpi ne, %sign3A_95, %ne3A_103 : vector<256x256xi32>
      %rem3A_105 = vector.broadcast %jit3A_84 : i32 to vector<256x256xi32>
      %rem3A_106 = arith.remsi %iota3A, %rem3A_105 : vector<256x256xi32>
      %ne3A_107 = arith.constant 0 : i32
      %ne3A_108 = vector.broadcast %ne3A_107 : i32 to vector<256x256xi32>
      %ne3A_109 = arith.cmpi ne, %rem3A_106, %ne3A_108 : vector<256x256xi32>
      %and3A_110 = arith.andi %ne3A_104, %ne3A_109 : vector<256x256xi1>
      %sub3A_111 = arith.constant 1 : i32
      %sub3A_112 = vector.broadcast %sub3A_111 : i32 to vector<256x256xi32>
      %sub3A_113 = arith.subi %div3A_86, %sub3A_112 : vector<256x256xi32>
      %select_n3A_114 = arith.select %and3A_110, %sub3A_113, %div3A_86 : vector<256x256xi1>, vector<256x256xi32>
      %mul3A = arith.constant 64 : i32
      %mul3A_115 = vector.broadcast %mul3A : i32 to vector<256x256xi32>
      %mul3A_116 = arith.muli %select_n3A_114, %mul3A_115 : vector<256x256xi32>
      %jit3A_117 = arith.constant 64 : i32
      %eq3A_118 = arith.constant 0 : i32
      %eq3A_119 = arith.cmpi eq, %jit3A_117, %eq3A_118 : i32
      %jit3A_120 = arith.constant 1 : i32
      %select_n3A_121 = arith.select %eq3A_119, %jit3A_120, %jit3A_117 : i32
      %rem3A_122 = vector.broadcast %select_n3A_121 : i32 to vector<256x256xi32>
      %rem3A_123 = arith.remsi %iota3A, %rem3A_122 : vector<256x256xi32>
      %ne3A_124 = arith.constant 0 : i32
      %ne3A_125 = vector.broadcast %ne3A_124 : i32 to vector<256x256xi32>
      %ne3A_126 = arith.cmpi ne, %rem3A_123, %ne3A_125 : vector<256x256xi32>
      %lt3A_127 = arith.constant 0 : i32
      %lt3A_128 = vector.broadcast %lt3A_127 : i32 to vector<256x256xi32>
      %lt3A_129 = arith.cmpi slt, %rem3A_123, %lt3A_128 : vector<256x256xi32>
      %lt3A_130 = arith.constant 0 : i32
      %lt3A_131 = arith.cmpi slt, %select_n3A_121, %lt3A_130 : i32
      %ne3A_132 = vector.broadcast %lt3A_131 : i1 to vector<256x256xi1>
      %ne3A_133 = vector.broadcast %ne3A_132 : vector<256x256xi1> to vector<256x256xi1>
      %ne3A_134 = arith.xori %lt3A_129, %ne3A_133 : vector<256x256xi1>
      %and3A_135 = arith.andi %ne3A_134, %ne3A_126 : vector<256x256xi1>
      %add3A = vector.broadcast %select_n3A_121 : i32 to vector<256x256xi32>
      %add3A_136 = arith.addi %rem3A_123, %add3A : vector<256x256xi32>
      %select_n3A_137 = arith.select %and3A_135, %add3A_136, %rem3A_123 : vector<256x256xi1>, vector<256x256xi32>
      %add3A_138 = arith.constant 32 : i32
      %add3A_139 = vector.broadcast %add3A_138 : i32 to vector<256x256xi32>
      %add3A_140 = arith.addi %select_n3A_137, %add3A_139 : vector<256x256xi32>
      %jit3A_141 = arith.constant 64 : i32
      %eq3A_142 = arith.constant 0 : i32
      %eq3A_143 = arith.cmpi eq, %jit3A_141, %eq3A_142 : i32
      %jit3A_144 = arith.constant 1 : i32
      %select_n3A_145 = arith.select %eq3A_143, %jit3A_144, %jit3A_141 : i32
      %rem3A_146 = vector.broadcast %select_n3A_145 : i32 to vector<256x256xi32>
      %rem3A_147 = arith.remsi %add3A_140, %rem3A_146 : vector<256x256xi32>
      %ne3A_148 = arith.constant 0 : i32
      %ne3A_149 = vector.broadcast %ne3A_148 : i32 to vector<256x256xi32>
      %ne3A_150 = arith.cmpi ne, %rem3A_147, %ne3A_149 : vector<256x256xi32>
      %lt3A_151 = arith.constant 0 : i32
      %lt3A_152 = vector.broadcast %lt3A_151 : i32 to vector<256x256xi32>
      %lt3A_153 = arith.cmpi slt, %rem3A_147, %lt3A_152 : vector<256x256xi32>
      %lt3A_154 = arith.constant 0 : i32
      %lt3A_155 = arith.cmpi slt, %select_n3A_145, %lt3A_154 : i32
      %ne3A_156 = vector.broadcast %lt3A_155 : i1 to vector<256x256xi1>
      %ne3A_157 = vector.broadcast %ne3A_156 : vector<256x256xi1> to vector<256x256xi1>
      %ne3A_158 = arith.xori %lt3A_153, %ne3A_157 : vector<256x256xi1>
      %and3A_159 = arith.andi %ne3A_158, %ne3A_150 : vector<256x256xi1>
      %add3A_160 = vector.broadcast %select_n3A_145 : i32 to vector<256x256xi32>
      %add3A_161 = arith.addi %rem3A_147, %add3A_160 : vector<256x256xi32>
      %select_n3A_162 = arith.select %and3A_159, %add3A_161, %rem3A_147 : vector<256x256xi1>, vector<256x256xi32>
      %add3A_163 = arith.addi %mul3A_116, %select_n3A_162 : vector<256x256xi32>
      %eq3A_164 = arith.cmpi eq, %iota3A_26, %add3A_163 : vector<256x256xi32>
      %convert_element_type3A_165 = arith.extui %eq3A_164 : vector<256x256xi1> to vector<256x256xi32>
      %convert_element_type3A_166 = arith.sitofp %convert_element_type3A_165 : vector<256x256xi32> to vector<256x256xf32>
      %mul3A_167 = arith.mulf %dot_general3A_5, %dot_general3A_5 : vector<512x256xf32>
      %dot_general3A_168 = arith.constant dense<0.000000e+00> : vector<512x256xf32>
      %dot_general3A_169 = tpu.matmul %mul3A_167, %convert_element_type3A_83, %dot_general3A_168 {dimension_numbers = #tpu.dot_dimension_numbers<[1], [0], [0], [1], [0, 0, 1, 1], [], []>, transpose_lhs_hint = false} : vector<512x256xf32>, vector<256x256xf32>, vector<512x256xf32> -> vector<512x256xf32>
      %sqrt3A = math.sqrt %dot_general3A_169 : vector<512x256xf32>
      %max3A = arith.constant 9.99999974E-6 : f32
      %max3A_170 = vector.broadcast %max3A : f32 to vector<512x256xf32>
      %max3A_171 = arith.maximumf %sqrt3A, %max3A_170 : vector<512x256xf32>
      %div3A_172 = arith.divf %dot_general3A_5, %max3A_171 : vector<512x256xf32>
      %dot_general3A_173 = arith.constant dense<0.000000e+00> : vector<512x256xf32>
      %dot_general3A_174 = tpu.matmul %div3A_172, %convert_element_type3A_166, %dot_general3A_173 {dimension_numbers = #tpu.dot_dimension_numbers<[1], [0], [0], [1], [0, 0, 1, 1], [], []>, transpose_lhs_hint = false} : vector<512x256xf32>, vector<256x256xf32>, vector<512x256xf32> -> vector<512x256xf32>
      %mul3A_175 = arith.mulf %div3A_172, %get3A_22 : vector<512x256xf32>
      %mul3A_176 = arith.mulf %dot_general3A_174, %get3A_25 : vector<512x256xf32>
      %add3A_177 = arith.addf %mul3A_175, %mul3A_176 : vector<512x256xf32>
      %mul3A_178 = arith.constant 1.250000e-01 : f32
      %mul3A_179 = vector.broadcast %mul3A_178 : f32 to vector<512x256xf32>
      %mul3A_180 = arith.mulf %add3A_177, %mul3A_179 : vector<512x256xf32>
      %convert_element_type3A_181 = arith.truncf %mul3A_180 : vector<512x256xf32> to vector<512x256xbf16>
      %swap3A = arith.constant 0 : index
      %swap3A_182 = arith.constant 0 : index
      %swap3A_183 = vector.load %arg6[%swap3A, %swap3A_182] : memref<512x256xbf16, #tpu.memory_space<vmem>>, vector<512x256xbf16>
      tpu.vector_store %arg6[%swap3A, %swap3A_182], %convert_element_type3A_181 {strides = array<i32>} : memref<512x256xbf16, #tpu.memory_space<vmem>>, vector<512x256xbf16>,
    } else {
    }
    %ge3A = arith.constant 4 : i32
    %ge3A_9 = arith.cmpi sge, %arg1, %ge3A : i32
    %lt3A_10 = arith.constant 8 : i32
    %lt3A_11 = arith.cmpi slt, %arg1, %lt3A_10 : i32
    %and3A = arith.andi %ge3A_9, %lt3A_11 : i1
    %convert_element_type3A_12 = arith.extui %and3A : i1 to i32
    %cond3A_13 = arith.constant 0 : i32
    %cond3A_14 = arith.cmpi ne, %convert_element_type3A_12, %cond3A_13 : i32
    scf.if %cond3A_14 {
      %get3A_20 = arith.constant 0 : index
      %get3A_21 = arith.constant 0 : index
      %get3A_22 = vector.load %arg4[%get3A_20, %get3A_21] : memref<512x256xf32, #tpu.memory_space<vmem>>, vector<512x256xf32>
      %get3A_23 = arith.constant 0 : index
      %get3A_24 = arith.constant 0 : index
      %get3A_25 = vector.load %arg5[%get3A_23, %get3A_24] : memref<512x256xf32, #tpu.memory_space<vmem>>, vector<512x256xf32>
      %iota3A = tpu.iota {dimensions = array<i32: 0>} : vector<256x256xi32>
      %iota3A_26 = tpu.iota {dimensions = array<i32: 1>} : vector<256x256xi32>
      %jit3A = arith.constant 64 : i32
      %div3A = vector.broadcast %jit3A : i32 to vector<256x256xi32>
      %div3A_27 = arith.divsi %iota3A, %div3A : vector<256x256xi32>
      %sign3A = arith.constant 0 : i32
      %sign3A_28 = vector.broadcast %sign3A : i32 to vector<256x256xi32>
      %sign3A_29 = arith.cmpi sgt, %iota3A, %sign3A_28 : vector<256x256xi32>
      %sign3A_30 = arith.extui %sign3A_29 : vector<256x256xi1> to vector<256x256xi32>
      %sign3A_31 = arith.constant 0 : i32
      %sign3A_32 = vector.broadcast %sign3A_31 : i32 to vector<256x256xi32>
      %sign3A_33 = arith.cmpi slt, %iota3A, %sign3A_32 : vector<256x256xi32>
      %sign3A_34 = arith.extui %sign3A_33 : vector<256x256xi1> to vector<256x256xi32>
      %sign3A_35 = arith.subi %sign3A_30, %sign3A_34 : vector<256x256xi32>
      %sign3A_36 = arith.constant 0 : i32
      %sign3A_37 = arith.cmpi sgt, %jit3A, %sign3A_36 : i32
      %sign3A_38 = arith.extui %sign3A_37 : i1 to i32
      %sign3A_39 = arith.constant 0 : i32
      %sign3A_40 = arith.cmpi slt, %jit3A, %sign3A_39 : i32
      %sign3A_41 = arith.extui %sign3A_40 : i1 to i32
      %sign3A_42 = arith.subi %sign3A_38, %sign3A_41 : i32
      %ne3A = vector.broadcast %sign3A_42 : i32 to vector<256x256xi32>
      %ne3A_43 = arith.cmpi ne, %sign3A_35, %ne3A : vector<256x256xi32>
      %rem3A = vector.broadcast %jit3A : i32 to vector<256x256xi32>
      %rem3A_44 = arith.remsi %iota3A, %rem3A : vector<256x256xi32>
      %ne3A_45 = arith.constant 0 : i32
      %ne3A_46 = vector.broadcast %ne3A_45 : i32 to vector<256x256xi32>
      %ne3A_47 = arith.cmpi ne, %rem3A_44, %ne3A_46 : vector<256x256xi32>
      %and3A_48 = arith.andi %ne3A_43, %ne3A_47 : vector<256x256xi1>
      %sub3A = arith.constant 1 : i32
      %sub3A_49 = vector.broadcast %sub3A : i32 to vector<256x256xi32>
      %sub3A_50 = arith.subi %div3A_27, %sub3A_49 : vector<256x256xi32>
      %select_n3A = arith.select %and3A_48, %sub3A_50, %div3A_27 : vector<256x256xi1>, vector<256x256xi32>
      %jit3A_51 = arith.constant 64 : i32
      %div3A_52 = vector.broadcast %jit3A_51 : i32 to vector<256x256xi32>
      %div3A_53 = arith.divsi %iota3A_26, %div3A_52 : vector<256x256xi32>
      %sign3A_54 = arith.constant 0 : i32
      %sign3A_55 = vector.broadcast %sign3A_54 : i32 to vector<256x256xi32>
      %sign3A_56 = arith.cmpi sgt, %iota3A_26, %sign3A_55 : vector<256x256xi32>
      %sign3A_57 = arith.extui %sign3A_56 : vector<256x256xi1> to vector<256x256xi32>
      %sign3A_58 = arith.constant 0 : i32
      %sign3A_59 = vector.broadcast %sign3A_58 : i32 to vector<256x256xi32>
      %sign3A_60 = arith.cmpi slt, %iota3A_26, %sign3A_59 : vector<256x256xi32>
      %sign3A_61 = arith.extui %sign3A_60 : vector<256x256xi1> to vector<256x256xi32>
      %sign3A_62 = arith.subi %sign3A_57, %sign3A_61 : vector<256x256xi32>
      %sign3A_63 = arith.constant 0 : i32
      %sign3A_64 = arith.cmpi sgt, %jit3A_51, %sign3A_63 : i32
      %sign3A_65 = arith.extui %sign3A_64 : i1 to i32
      %sign3A_66 = arith.constant 0 : i32
      %sign3A_67 = arith.cmpi slt, %jit3A_51, %sign3A_66 : i32
      %sign3A_68 = arith.extui %sign3A_67 : i1 to i32
      %sign3A_69 = arith.subi %sign3A_65, %sign3A_68 : i32
      %ne3A_70 = vector.broadcast %sign3A_69 : i32 to vector<256x256xi32>
      %ne3A_71 = arith.cmpi ne, %sign3A_62, %ne3A_70 : vector<256x256xi32>
      %rem3A_72 = vector.broadcast %jit3A_51 : i32 to vector<256x256xi32>
      %rem3A_73 = arith.remsi %iota3A_26, %rem3A_72 : vector<256x256xi32>
      %ne3A_74 = arith.constant 0 : i32
      %ne3A_75 = vector.broadcast %ne3A_74 : i32 to vector<256x256xi32>
      %ne3A_76 = arith.cmpi ne, %rem3A_73, %ne3A_75 : vector<256x256xi32>
      %and3A_77 = arith.andi %ne3A_71, %ne3A_76 : vector<256x256xi1>
      %sub3A_78 = arith.constant 1 : i32
      %sub3A_79 = vector.broadcast %sub3A_78 : i32 to vector<256x256xi32>
      %sub3A_80 = arith.subi %div3A_53, %sub3A_79 : vector<256x256xi32>
      %select_n3A_81 = arith.select %and3A_77, %sub3A_80, %div3A_53 : vector<256x256xi1>, vector<256x256xi32>
      %eq3A = arith.cmpi eq, %select_n3A, %select_n3A_81 : vector<256x256xi32>
      %convert_element_type3A_82 = arith.extui %eq3A : vector<256x256xi1> to vector<256x256xi32>
      %convert_element_type3A_83 = arith.sitofp %convert_element_type3A_82 : vector<256x256xi32> to vector<256x256xf32>
      %jit3A_84 = arith.constant 64 : i32
      %div3A_85 = vector.broadcast %jit3A_84 : i32 to vector<256x256xi32>
      %div3A_86 = arith.divsi %iota3A, %div3A_85 : vector<256x256xi32>
      %sign3A_87 = arith.constant 0 : i32
      %sign3A_88 = vector.broadcast %sign3A_87 : i32 to vector<256x256xi32>
      %sign3A_89 = arith.cmpi sgt, %iota3A, %sign3A_88 : vector<256x256xi32>
      %sign3A_90 = arith.extui %sign3A_89 : vector<256x256xi1> to vector<256x256xi32>
      %sign3A_91 = arith.constant 0 : i32
      %sign3A_92 = vector.broadcast %sign3A_91 : i32 to vector<256x256xi32>
      %sign3A_93 = arith.cmpi slt, %iota3A, %sign3A_92 : vector<256x256xi32>
      %sign3A_94 = arith.extui %sign3A_93 : vector<256x256xi1> to vector<256x256xi32>
      %sign3A_95 = arith.subi %sign3A_90, %sign3A_94 : vector<256x256xi32>
      %sign3A_96 = arith.constant 0 : i32
      %sign3A_97 = arith.cmpi sgt, %jit3A_84, %sign3A_96 : i32
      %sign3A_98 = arith.extui %sign3A_97 : i1 to i32
      %sign3A_99 = arith.constant 0 : i32
      %sign3A_100 = arith.cmpi slt, %jit3A_84, %sign3A_99 : i32
      %sign3A_101 = arith.extui %sign3A_100 : i1 to i32
      %sign3A_102 = arith.subi %sign3A_98, %sign3A_101 : i32
      %ne3A_103 = vector.broadcast %sign3A_102 : i32 to vector<256x256xi32>
      %ne3A_104 = arith.cmpi ne, %sign3A_95, %ne3A_103 : vector<256x256xi32>
      %rem3A_105 = vector.broadcast %jit3A_84 : i32 to vector<256x256xi32>
      %rem3A_106 = arith.remsi %iota3A, %rem3A_105 : vector<256x256xi32>
      %ne3A_107 = arith.constant 0 : i32
      %ne3A_108 = vector.broadcast %ne3A_107 : i32 to vector<256x256xi32>
      %ne3A_109 = arith.cmpi ne, %rem3A_106, %ne3A_108 : vector<256x256xi32>
      %and3A_110 = arith.andi %ne3A_104, %ne3A_109 : vector<256x256xi1>
      %sub3A_111 = arith.constant 1 : i32
      %sub3A_112 = vector.broadcast %sub3A_111 : i32 to vector<256x256xi32>
      %sub3A_113 = arith.subi %div3A_86, %sub3A_112 : vector<256x256xi32>
      %select_n3A_114 = arith.select %and3A_110, %sub3A_113, %div3A_86 : vector<256x256xi1>, vector<256x256xi32>
      %mul3A = arith.constant 64 : i32
      %mul3A_115 = vector.broadcast %mul3A : i32 to vector<256x256xi32>
      %mul3A_116 = arith.muli %select_n3A_114, %mul3A_115 : vector<256x256xi32>
      %jit3A_117 = arith.constant 64 : i32
      %eq3A_118 = arith.constant 0 : i32
      %eq3A_119 = arith.cmpi eq, %jit3A_117, %eq3A_118 : i32
      %jit3A_120 = arith.constant 1 : i32
      %select_n3A_121 = arith.select %eq3A_119, %jit3A_120, %jit3A_117 : i32
      %rem3A_122 = vector.broadcast %select_n3A_121 : i32 to vector<256x256xi32>
      %rem3A_123 = arith.remsi %iota3A, %rem3A_122 : vector<256x256xi32>
      %ne3A_124 = arith.constant 0 : i32
      %ne3A_125 = vector.broadcast %ne3A_124 : i32 to vector<256x256xi32>
      %ne3A_126 = arith.cmpi ne, %rem3A_123, %ne3A_125 : vector<256x256xi32>
      %lt3A_127 = arith.constant 0 : i32
      %lt3A_128 = vector.broadcast %lt3A_127 : i32 to vector<256x256xi32>
      %lt3A_129 = arith.cmpi slt, %rem3A_123, %lt3A_128 : vector<256x256xi32>
      %lt3A_130 = arith.constant 0 : i32
      %lt3A_131 = arith.cmpi slt, %select_n3A_121, %lt3A_130 : i32
      %ne3A_132 = vector.broadcast %lt3A_131 : i1 to vector<256x256xi1>
      %ne3A_133 = vector.broadcast %ne3A_132 : vector<256x256xi1> to vector<256x256xi1>
      %ne3A_134 = arith.xori %lt3A_129, %ne3A_133 : vector<256x256xi1>
      %and3A_135 = arith.andi %ne3A_134, %ne3A_126 : vector<256x256xi1>
      %add3A = vector.broadcast %select_n3A_121 : i32 to vector<256x256xi32>
      %add3A_136 = arith.addi %rem3A_123, %add3A : vector<256x256xi32>
      %select_n3A_137 = arith.select %and3A_135, %add3A_136, %rem3A_123 : vector<256x256xi1>, vector<256x256xi32>
      %add3A_138 = arith.constant 32 : i32
      %add3A_139 = vector.broadcast %add3A_138 : i32 to vector<256x256xi32>
      %add3A_140 = arith.addi %select_n3A_137, %add3A_139 : vector<256x256xi32>
      %jit3A_141 = arith.constant 64 : i32
      %eq3A_142 = arith.constant 0 : i32
      %eq3A_143 = arith.cmpi eq, %jit3A_141, %eq3A_142 : i32
      %jit3A_144 = arith.constant 1 : i32
      %select_n3A_145 = arith.select %eq3A_143, %jit3A_144, %jit3A_141 : i32
      %rem3A_146 = vector.broadcast %select_n3A_145 : i32 to vector<256x256xi32>
      %rem3A_147 = arith.remsi %add3A_140, %rem3A_146 : vector<256x256xi32>
      %ne3A_148 = arith.constant 0 : i32
      %ne3A_149 = vector.broadcast %ne3A_148 : i32 to vector<256x256xi32>
      %ne3A_150 = arith.cmpi ne, %rem3A_147, %ne3A_149 : vector<256x256xi32>
      %lt3A_151 = arith.constant 0 : i32
      %lt3A_152 = vector.broadcast %lt3A_151 : i32 to vector<256x256xi32>
      %lt3A_153 = arith.cmpi slt, %rem3A_147, %lt3A_152 : vector<256x256xi32>
      %lt3A_154 = arith.constant 0 : i32
      %lt3A_155 = arith.cmpi slt, %select_n3A_145, %lt3A_154 : i32
      %ne3A_156 = vector.broadcast %lt3A_155 : i1 to vector<256x256xi1>
      %ne3A_157 = vector.broadcast %ne3A_156 : vector<256x256xi1> to vector<256x256xi1>
      %ne3A_158 = arith.xori %lt3A_153, %ne3A_157 : vector<256x256xi1>
      %and3A_159 = arith.andi %ne3A_158, %ne3A_150 : vector<256x256xi1>
      %add3A_160 = vector.broadcast %select_n3A_145 : i32 to vector<256x256xi32>
      %add3A_161 = arith.addi %rem3A_147, %add3A_160 : vector<256x256xi32>
      %select_n3A_162 = arith.select %and3A_159, %add3A_161, %rem3A_147 : vector<256x256xi1>, vector<256x256xi32>
      %add3A_163 = arith.addi %mul3A_116, %select_n3A_162 : vector<256x256xi32>
      %eq3A_164 = arith.cmpi eq, %iota3A_26, %add3A_163 : vector<256x256xi32>
      %convert_element_type3A_165 = arith.extui %eq3A_164 : vector<256x256xi1> to vector<256x256xi32>
      %convert_element_type3A_166 = arith.sitofp %convert_element_type3A_165 : vector<256x256xi32> to vector<256x256xf32>
      %mul3A_167 = arith.mulf %dot_general3A_5, %dot_general3A_5 : vector<512x256xf32>
      %dot_general3A_168 = arith.constant dense<0.000000e+00> : vector<512x256xf32>
      %dot_general3A_169 = tpu.matmul %mul3A_167, %convert_element_type3A_83, %dot_general3A_168 {dimension_numbers = #tpu.dot_dimension_numbers<[1], [0], [0], [1], [0, 0, 1, 1], [], []>, transpose_lhs_hint = false} : vector<512x256xf32>, vector<256x256xf32>, vector<512x256xf32> -> vector<512x256xf32>
      %sqrt3A = math.sqrt %dot_general3A_169 : vector<512x256xf32>
      %max3A = arith.constant 9.99999974E-6 : f32
      %max3A_170 = vector.broadcast %max3A : f32 to vector<512x256xf32>
      %max3A_171 = arith.maximumf %sqrt3A, %max3A_170 : vector<512x256xf32>
      %div3A_172 = arith.divf %dot_general3A_5, %max3A_171 : vector<512x256xf32>
      %dot_general3A_173 = arith.constant dense<0.000000e+00> : vector<512x256xf32>
      %dot_general3A_174 = tpu.matmul %div3A_172, %convert_element_type3A_166, %dot_general3A_173 {dimension_numbers = #tpu.dot_dimension_numbers<[1], [0], [0], [1], [0, 0, 1, 1], [], []>, transpose_lhs_hint = false} : vector<512x256xf32>, vector<256x256xf32>, vector<512x256xf32> -> vector<512x256xf32>
      %mul3A_175 = arith.mulf %div3A_172, %get3A_22 : vector<512x256xf32>
      %mul3A_176 = arith.mulf %dot_general3A_174, %get3A_25 : vector<512x256xf32>
      %add3A_177 = arith.addf %mul3A_175, %mul3A_176 : vector<512x256xf32>
      %mul3A_178 = arith.constant 1.000000e+00 : f32
      %mul3A_179 = vector.broadcast %mul3A_178 : f32 to vector<512x256xf32>
      %mul3A_180 = arith.mulf %add3A_177, %mul3A_179 : vector<512x256xf32>
      %convert_element_type3A_181 = arith.truncf %mul3A_180 : vector<512x256xf32> to vector<512x256xbf16>
      %swap3A = arith.constant 0 : index
      %swap3A_182 = arith.constant 0 : index
      %swap3A_183 = vector.load %arg6[%swap3A, %swap3A_182] : memref<512x256xbf16, #tpu.memory_space<vmem>>, vector<512x256xbf16>
      tpu.vector_store %arg6[%swap3A, %swap3A_182], %convert_element_type3A_181 {strides = array<i32>} : memref<512x256xbf16, #tpu.memory_space<vmem>>, vector<512x256xbf16>,
    } else {
    }
    %ge3A_15 = arith.constant 8 : i32
    %ge3A_16 = arith.cmpi sge, %arg1, %ge3A_15 : i32
    %convert_element_type3A_17 = arith.extui %ge3A_16 : i1 to i32
    %cond3A_18 = arith.constant 0 : i32
    %cond3A_19 = arith.cmpi ne, %convert_element_type3A_17, %cond3A_18 : i32
    scf.if %cond3A_19 {
      %convert_element_type3A_20 = arith.truncf %dot_general3A_5 : vector<512x256xf32> to vector<512x256xbf16>
      %swap3A = arith.constant 0 : index
      %swap3A_21 = arith.constant 0 : index
      %swap3A_22 = vector.load %arg6[%swap3A, %swap3A_21] : memref<512x256xbf16, #tpu.memory_space<vmem>>, vector<512x256xbf16>
      tpu.vector_store %arg6[%swap3A, %swap3A_21], %convert_element_type3A_20 {strides = array<i32>} : memref<512x256xbf16, #tpu.memory_space<vmem>>, vector<512x256xbf16>,
    } else {
    }
    return
  }
  func.func @transform_0(%arg0: i32, %arg1: i32) -> (i32, i32) {
    %c0_i32 = arith.constant 0 : i32
    %c0_i32_0 = arith.constant 0 : i32
    return %arg0, %c0_i32 : i32, i32
  }
  func.func @transform_1(%arg0: i32, %arg1: i32) -> (i32, i32) {
    %c0_i32 = arith.constant 0 : i32
    %c0_i32_0 = arith.constant 0 : i32
    return %c0_i32, %arg1 : i32, i32
  }
  func.func @transform_2(%arg0: i32, %arg1: i32) -> (i32, i32) {
    %c0_i32 = arith.constant 0 : i32
    %c0_i32_0 = arith.constant 0 : i32
    return %arg0, %c0_i32 : i32, i32
  }
  func.func @transform_3(%arg0: i32, %arg1: i32) -> (i32, i32) {
    %c0_i32 = arith.constant 0 : i32
    %c0_i32_0 = arith.constant 0 : i32
    return %arg0, %c0_i32 : i32, i32
  }
  func.func @transform_4(%arg0: i32, %arg1: i32) -> (i32, i32) {
    %c0_i32 = arith.constant 0 : i32
    return %arg0, %arg1 : i32, i32
  }
}

module attributes {stable_mosaic.version = 14 : i64} {
  func.func @_k3b_body(%arg0: i32, %arg1: memref<16x128xi32, #tpu.memory_space<vmem>>, %arg2: memref<16x128xi32, #tpu.memory_space<vmem>>, %arg3: memref<16x128xi32, #tpu.memory_space<vmem>>, %arg4: memref<16x128xi32, #tpu.memory_space<vmem>>, %arg5: memref<1x128xi32, #tpu.memory_space<vmem>>) attributes {dimension_semantics = [#tpu.dimension_semantics<arbitrary>], iteration_bounds = array<i64: 1>, scalar_prefetch = 0 : i64, scratch_operands = 0 : i64, tpu.core_type = #tpu.core_type<tc>, window_params = [{pipeline_mode = #tpu.pipeline_mode<synchronous>, transform_indices = @transform_0, window_bounds = array<i64: 16, 128>}, {pipeline_mode = #tpu.pipeline_mode<synchronous>, transform_indices = @transform_1, window_bounds = array<i64: 16, 128>}, {pipeline_mode = #tpu.pipeline_mode<synchronous>, transform_indices = @transform_2, window_bounds = array<i64: 16, 128>}, {pipeline_mode = #tpu.pipeline_mode<synchronous>, transform_indices = @transform_3, window_bounds = array<i64: 16, 128>}, {pipeline_mode = #tpu.pipeline_mode<synchronous>, transform_indices = @transform_4, window_bounds = array<i64: 1, 128>}]} {
    %get3A = arith.constant 0 : index
    %get3A_0 = arith.constant 0 : index
    %get3A_1 = vector.load %arg1[%get3A, %get3A_0] : memref<16x128xi32, #tpu.memory_space<vmem>>, vector<16x128xi32>
    %get3A_2 = arith.constant 0 : index
    %get3A_3 = arith.constant 0 : index
    %get3A_4 = vector.load %arg2[%get3A_2, %get3A_3] : memref<16x128xi32, #tpu.memory_space<vmem>>, vector<16x128xi32>
    %iota3A = tpu.iota {dimensions = array<i32: 0>} : vector<128x128xi32>
    %iota3A_5 = tpu.iota {dimensions = array<i32: 1>} : vector<128x128xi32>
    %lt3A = arith.cmpi slt, %iota3A, %iota3A_5 : vector<128x128xi32>
    %convert_element_type3A = arith.extui %lt3A : vector<128x128xi1> to vector<128x128xi32>
    %convert_element_type3A_6 = arith.sitofp %convert_element_type3A : vector<128x128xi32> to vector<128x128xf32>
    %iota3A_7 = tpu.iota {dimensions = array<i32: 0>} : vector<16x16xi32>
    %iota3A_8 = tpu.iota {dimensions = array<i32: 1>} : vector<16x16xi32>
    %lt3A_9 = arith.cmpi slt, %iota3A_8, %iota3A_7 : vector<16x16xi32>
    %convert_element_type3A_10 = arith.extui %lt3A_9 : vector<16x16xi1> to vector<16x16xi32>
    %convert_element_type3A_11 = arith.sitofp %convert_element_type3A_10 : vector<16x16xi32> to vector<16x16xf32>
    %broadcast_in_dim3A = arith.constant 0.000000e+00 : f32
    %broadcast_in_dim3A_12 = vector.broadcast %broadcast_in_dim3A : f32 to vector<16x128xf32>
    %broadcast_in_dim3A_13 = arith.constant 0.000000e+00 : f32
    %broadcast_in_dim3A_14 = vector.broadcast %broadcast_in_dim3A_13 : f32 to vector<16x128xf32>
    %eq3A = arith.constant 0 : i32
    %eq3A_15 = vector.broadcast %eq3A : i32 to vector<16x128xi32>
    %eq3A_16 = arith.cmpi eq, %get3A_1, %eq3A_15 : vector<16x128xi32>
    %convert_element_type3A_17 = arith.extui %eq3A_16 : vector<16x128xi1> to vector<16x128xi32>
    %convert_element_type3A_18 = arith.sitofp %convert_element_type3A_17 : vector<16x128xi32> to vector<16x128xf32>
    %eq3A_19 = arith.constant 0 : i32
    %eq3A_20 = vector.broadcast %eq3A_19 : i32 to vector<16x128xi32>
    %eq3A_21 = arith.cmpi eq, %get3A_4, %eq3A_20 : vector<16x128xi32>
    %convert_element_type3A_22 = arith.extui %eq3A_21 : vector<16x128xi1> to vector<16x128xi32>
    %convert_element_type3A_23 = arith.sitofp %convert_element_type3A_22 : vector<16x128xi32> to vector<16x128xf32>
    %dot_general3A = arith.constant dense<0.000000e+00> : vector<16x128xf32>
    %dot_general3A_24 = tpu.matmul %convert_element_type3A_18, %convert_element_type3A_6, %dot_general3A {dimension_numbers = #tpu.dot_dimension_numbers<[1], [0], [0], [1], [0, 0, 1, 1], [], []>, transpose_lhs_hint = false} : vector<16x128xf32>, vector<128x128xf32>, vector<16x128xf32> -> vector<16x128xf32>
    %dot_general3A_25 = arith.constant dense<0.000000e+00> : vector<16x128xf32>
    %dot_general3A_26 = tpu.matmul %convert_element_type3A_23, %convert_element_type3A_6, %dot_general3A_25 {dimension_numbers = #tpu.dot_dimension_numbers<[1], [0], [0], [1], [0, 0, 1, 1], [], []>, transpose_lhs_hint = false} : vector<16x128xf32>, vector<128x128xf32>, vector<16x128xf32> -> vector<16x128xf32>
    %reduce_sum3A = arith.constant dense<0.000000e+00> : vector<16xf32>
    %reduce_sum3A_27 = vector.multi_reduction <add>, %convert_element_type3A_18, %reduce_sum3A [1] : vector<16x128xf32> to vector<16xf32>
    %broadcast_in_dim3A_28 = vector.shape_cast %reduce_sum3A_27 : vector<16xf32> to vector<16x1xf32>
    %reduce_sum3A_29 = arith.constant dense<0.000000e+00> : vector<16xf32>
    %reduce_sum3A_30 = vector.multi_reduction <add>, %convert_element_type3A_23, %reduce_sum3A_29 [1] : vector<16x128xf32> to vector<16xf32>
    %broadcast_in_dim3A_31 = vector.shape_cast %reduce_sum3A_30 : vector<16xf32> to vector<16x1xf32>
    %dot_general3A_32 = arith.constant dense<0.000000e+00> : vector<16x1xf32>
    %dot_general3A_33 = tpu.matmul %convert_element_type3A_11, %broadcast_in_dim3A_28, %dot_general3A_32 {dimension_numbers = #tpu.dot_dimension_numbers<[1], [0], [0], [1], [0, 0, 1, 1], [], []>, transpose_lhs_hint = false} : vector<16x16xf32>, vector<16x1xf32>, vector<16x1xf32> -> vector<16x1xf32>
    %dot_general3A_34 = arith.constant dense<0.000000e+00> : vector<16x1xf32>
    %dot_general3A_35 = tpu.matmul %convert_element_type3A_11, %broadcast_in_dim3A_31, %dot_general3A_34 {dimension_numbers = #tpu.dot_dimension_numbers<[1], [0], [0], [1], [0, 0, 1, 1], [], []>, transpose_lhs_hint = false} : vector<16x16xf32>, vector<16x1xf32>, vector<16x1xf32> -> vector<16x1xf32>
    %reduce_sum3A_36 = vector.shape_cast %broadcast_in_dim3A_28 : vector<16x1xf32> to vector<1x16x1xf32>
    %reduce_sum3A_37 = arith.constant dense<0.000000e+00> : vector<1xf32>
    %reduce_sum3A_38 = vector.multi_reduction <add>, %reduce_sum3A_36, %reduce_sum3A_37 [1, 2] : vector<1x16x1xf32> to vector<1xf32>
    %reduce_sum3A_39 = vector.shape_cast %reduce_sum3A_38 : vector<1xf32> to vector<1x1x1xf32>
    %reduce_sum3A_40 = vector.extract %reduce_sum3A_39[0, 0, 0] : f32 from vector<1x1x1xf32>
    %reduce_sum3A_41 = vector.shape_cast %broadcast_in_dim3A_31 : vector<16x1xf32> to vector<1x16x1xf32>
    %reduce_sum3A_42 = arith.constant dense<0.000000e+00> : vector<1xf32>
    %reduce_sum3A_43 = vector.multi_reduction <add>, %reduce_sum3A_41, %reduce_sum3A_42 [1, 2] : vector<1x16x1xf32> to vector<1xf32>
    %reduce_sum3A_44 = vector.shape_cast %reduce_sum3A_43 : vector<1xf32> to vector<1x1x1xf32>
    %reduce_sum3A_45 = vector.extract %reduce_sum3A_44[0, 0, 0] : f32 from vector<1x1x1xf32>
    %add3A = arith.addf %reduce_sum3A_40, %reduce_sum3A_45 : f32
    %add3A_46 = vector.broadcast %dot_general3A_33 : vector<16x1xf32> to vector<16x128xf32>
    %add3A_47 = arith.addf %dot_general3A_24, %add3A_46 : vector<16x128xf32>
    %add3A_48 = arith.constant 0.000000e+00 : f32
    %add3A_49 = vector.broadcast %add3A_48 : f32 to vector<16x128xf32>
    %add3A_50 = arith.addf %add3A_47, %add3A_49 : vector<16x128xf32>
    %mul3A = arith.mulf %convert_element_type3A_18, %add3A_50 : vector<16x128xf32>
    %add3A_51 = arith.addf %broadcast_in_dim3A_12, %mul3A : vector<16x128xf32>
    %add3A_52 = vector.broadcast %dot_general3A_35 : vector<16x1xf32> to vector<16x128xf32>
    %add3A_53 = arith.addf %dot_general3A_26, %add3A_52 : vector<16x128xf32>
    %add3A_54 = vector.broadcast %reduce_sum3A_40 : f32 to vector<16x128xf32>
    %add3A_55 = arith.addf %add3A_53, %add3A_54 : vector<16x128xf32>
    %add3A_56 = arith.constant 0.000000e+00 : f32
    %add3A_57 = vector.broadcast %add3A_56 : f32 to vector<16x128xf32>
    %add3A_58 = arith.addf %add3A_55, %add3A_57 : vector<16x128xf32>
    %mul3A_59 = arith.mulf %convert_element_type3A_23, %add3A_58 : vector<16x128xf32>
    %add3A_60 = arith.addf %broadcast_in_dim3A_14, %mul3A_59 : vector<16x128xf32>
    %div3A = arith.constant 2.560000e+02 : f32
    %div3A_61 = arith.divf %add3A, %div3A : f32
    %ceil3A = math.ceil %div3A_61 : f32
    %mul3A_62 = arith.constant 2.560000e+02 : f32
    %mul3A_63 = arith.mulf %ceil3A, %mul3A_62 : f32
    %add3A_64 = arith.constant 0.000000e+00 : f32
    %add3A_65 = arith.addf %add3A_64, %mul3A_63 : f32
    %eq3A_66 = arith.constant 1 : i32
    %eq3A_67 = vector.broadcast %eq3A_66 : i32 to vector<16x128xi32>
    %eq3A_68 = arith.cmpi eq, %get3A_1, %eq3A_67 : vector<16x128xi32>
    %convert_element_type3A_69 = arith.extui %eq3A_68 : vector<16x128xi1> to vector<16x128xi32>
    %convert_element_type3A_70 = arith.sitofp %convert_element_type3A_69 : vector<16x128xi32> to vector<16x128xf32>
    %eq3A_71 = arith.constant 1 : i32
    %eq3A_72 = vector.broadcast %eq3A_71 : i32 to vector<16x128xi32>
    %eq3A_73 = arith.cmpi eq, %get3A_4, %eq3A_72 : vector<16x128xi32>
    %convert_element_type3A_74 = arith.extui %eq3A_73 : vector<16x128xi1> to vector<16x128xi32>
    %convert_element_type3A_75 = arith.sitofp %convert_element_type3A_74 : vector<16x128xi32> to vector<16x128xf32>
    %dot_general3A_76 = arith.constant dense<0.000000e+00> : vector<16x128xf32>
    %dot_general3A_77 = tpu.matmul %convert_element_type3A_70, %convert_element_type3A_6, %dot_general3A_76 {dimension_numbers = #tpu.dot_dimension_numbers<[1], [0], [0], [1], [0, 0, 1, 1], [], []>, transpose_lhs_hint = false} : vector<16x128xf32>, vector<128x128xf32>, vector<16x128xf32> -> vector<16x128xf32>
    %dot_general3A_78 = arith.constant dense<0.000000e+00> : vector<16x128xf32>
    %dot_general3A_79 = tpu.matmul %convert_element_type3A_75, %convert_element_type3A_6, %dot_general3A_78 {dimension_numbers = #tpu.dot_dimension_numbers<[1], [0], [0], [1], [0, 0, 1, 1], [], []>, transpose_lhs_hint = false} : vector<16x128xf32>, vector<128x128xf32>, vector<16x128xf32> -> vector<16x128xf32>
    %reduce_sum3A_80 = arith.constant dense<0.000000e+00> : vector<16xf32>
    %reduce_sum3A_81 = vector.multi_reduction <add>, %convert_element_type3A_70, %reduce_sum3A_80 [1] : vector<16x128xf32> to vector<16xf32>
    %broadcast_in_dim3A_82 = vector.shape_cast %reduce_sum3A_81 : vector<16xf32> to vector<16x1xf32>
    %reduce_sum3A_83 = arith.constant dense<0.000000e+00> : vector<16xf32>
    %reduce_sum3A_84 = vector.multi_reduction <add>, %convert_element_type3A_75, %reduce_sum3A_83 [1] : vector<16x128xf32> to vector<16xf32>
    %broadcast_in_dim3A_85 = vector.shape_cast %reduce_sum3A_84 : vector<16xf32> to vector<16x1xf32>
    %dot_general3A_86 = arith.constant dense<0.000000e+00> : vector<16x1xf32>
    %dot_general3A_87 = tpu.matmul %convert_element_type3A_11, %broadcast_in_dim3A_82, %dot_general3A_86 {dimension_numbers = #tpu.dot_dimension_numbers<[1], [0], [0], [1], [0, 0, 1, 1], [], []>, transpose_lhs_hint = false} : vector<16x16xf32>, vector<16x1xf32>, vector<16x1xf32> -> vector<16x1xf32>
    %dot_general3A_88 = arith.constant dense<0.000000e+00> : vector<16x1xf32>
    %dot_general3A_89 = tpu.matmul %convert_element_type3A_11, %broadcast_in_dim3A_85, %dot_general3A_88 {dimension_numbers = #tpu.dot_dimension_numbers<[1], [0], [0], [1], [0, 0, 1, 1], [], []>, transpose_lhs_hint = false} : vector<16x16xf32>, vector<16x1xf32>, vector<16x1xf32> -> vector<16x1xf32>
    %reduce_sum3A_90 = vector.shape_cast %broadcast_in_dim3A_82 : vector<16x1xf32> to vector<1x16x1xf32>
    %reduce_sum3A_91 = arith.constant dense<0.000000e+00> : vector<1xf32>
    %reduce_sum3A_92 = vector.multi_reduction <add>, %reduce_sum3A_90, %reduce_sum3A_91 [1, 2] : vector<1x16x1xf32> to vector<1xf32>
    %reduce_sum3A_93 = vector.shape_cast %reduce_sum3A_92 : vector<1xf32> to vector<1x1x1xf32>
    %reduce_sum3A_94 = vector.extract %reduce_sum3A_93[0, 0, 0] : f32 from vector<1x1x1xf32>
    %reduce_sum3A_95 = vector.shape_cast %broadcast_in_dim3A_85 : vector<16x1xf32> to vector<1x16x1xf32>
    %reduce_sum3A_96 = arith.constant dense<0.000000e+00> : vector<1xf32>
    %reduce_sum3A_97 = vector.multi_reduction <add>, %reduce_sum3A_95, %reduce_sum3A_96 [1, 2] : vector<1x16x1xf32> to vector<1xf32>
    %reduce_sum3A_98 = vector.shape_cast %reduce_sum3A_97 : vector<1xf32> to vector<1x1x1xf32>
    %reduce_sum3A_99 = vector.extract %reduce_sum3A_98[0, 0, 0] : f32 from vector<1x1x1xf32>
    %add3A_100 = arith.addf %reduce_sum3A_94, %reduce_sum3A_99 : f32
    %add3A_101 = vector.broadcast %dot_general3A_87 : vector<16x1xf32> to vector<16x128xf32>
    %add3A_102 = arith.addf %dot_general3A_77, %add3A_101 : vector<16x128xf32>
    %add3A_103 = vector.broadcast %add3A_65 : f32 to vector<16x128xf32>
    %add3A_104 = arith.addf %add3A_102, %add3A_103 : vector<16x128xf32>
    %mul3A_105 = arith.mulf %convert_element_type3A_70, %add3A_104 : vector<16x128xf32>
    %add3A_106 = arith.addf %add3A_51, %mul3A_105 : vector<16x128xf32>
    %add3A_107 = vector.broadcast %dot_general3A_89 : vector<16x1xf32> to vector<16x128xf32>
    %add3A_108 = arith.addf %dot_general3A_79, %add3A_107 : vector<16x128xf32>
    %add3A_109 = vector.broadcast %reduce_sum3A_94 : f32 to vector<16x128xf32>
    %add3A_110 = arith.addf %add3A_108, %add3A_109 : vector<16x128xf32>
    %add3A_111 = vector.broadcast %add3A_65 : f32 to vector<16x128xf32>
    %add3A_112 = arith.addf %add3A_110, %add3A_111 : vector<16x128xf32>
    %mul3A_113 = arith.mulf %convert_element_type3A_75, %add3A_112 : vector<16x128xf32>
    %add3A_114 = arith.addf %add3A_60, %mul3A_113 : vector<16x128xf32>
    %div3A_115 = arith.constant 2.560000e+02 : f32
    %div3A_116 = arith.divf %add3A_100, %div3A_115 : f32
    %ceil3A_117 = math.ceil %div3A_116 : f32
    %mul3A_118 = arith.constant 2.560000e+02 : f32
    %mul3A_119 = arith.mulf %ceil3A_117, %mul3A_118 : f32
    %add3A_120 = arith.addf %add3A_65, %mul3A_119 : f32
    %eq3A_121 = arith.constant 2 : i32
    %eq3A_122 = vector.broadcast %eq3A_121 : i32 to vector<16x128xi32>
    %eq3A_123 = arith.cmpi eq, %get3A_1, %eq3A_122 : vector<16x128xi32>
    %convert_element_type3A_124 = arith.extui %eq3A_123 : vector<16x128xi1> to vector<16x128xi32>
    %convert_element_type3A_125 = arith.sitofp %convert_element_type3A_124 : vector<16x128xi32> to vector<16x128xf32>
    %eq3A_126 = arith.constant 2 : i32
    %eq3A_127 = vector.broadcast %eq3A_126 : i32 to vector<16x128xi32>
    %eq3A_128 = arith.cmpi eq, %get3A_4, %eq3A_127 : vector<16x128xi32>
    %convert_element_type3A_129 = arith.extui %eq3A_128 : vector<16x128xi1> to vector<16x128xi32>
    %convert_element_type3A_130 = arith.sitofp %convert_element_type3A_129 : vector<16x128xi32> to vector<16x128xf32>
    %dot_general3A_131 = arith.constant dense<0.000000e+00> : vector<16x128xf32>
    %dot_general3A_132 = tpu.matmul %convert_element_type3A_125, %convert_element_type3A_6, %dot_general3A_131 {dimension_numbers = #tpu.dot_dimension_numbers<[1], [0], [0], [1], [0, 0, 1, 1], [], []>, transpose_lhs_hint = false} : vector<16x128xf32>, vector<128x128xf32>, vector<16x128xf32> -> vector<16x128xf32>
    %dot_general3A_133 = arith.constant dense<0.000000e+00> : vector<16x128xf32>
    %dot_general3A_134 = tpu.matmul %convert_element_type3A_130, %convert_element_type3A_6, %dot_general3A_133 {dimension_numbers = #tpu.dot_dimension_numbers<[1], [0], [0], [1], [0, 0, 1, 1], [], []>, transpose_lhs_hint = false} : vector<16x128xf32>, vector<128x128xf32>, vector<16x128xf32> -> vector<16x128xf32>
    %reduce_sum3A_135 = arith.constant dense<0.000000e+00> : vector<16xf32>
    %reduce_sum3A_136 = vector.multi_reduction <add>, %convert_element_type3A_125, %reduce_sum3A_135 [1] : vector<16x128xf32> to vector<16xf32>
    %broadcast_in_dim3A_137 = vector.shape_cast %reduce_sum3A_136 : vector<16xf32> to vector<16x1xf32>
    %reduce_sum3A_138 = arith.constant dense<0.000000e+00> : vector<16xf32>
    %reduce_sum3A_139 = vector.multi_reduction <add>, %convert_element_type3A_130, %reduce_sum3A_138 [1] : vector<16x128xf32> to vector<16xf32>
    %broadcast_in_dim3A_140 = vector.shape_cast %reduce_sum3A_139 : vector<16xf32> to vector<16x1xf32>
    %dot_general3A_141 = arith.constant dense<0.000000e+00> : vector<16x1xf32>
    %dot_general3A_142 = tpu.matmul %convert_element_type3A_11, %broadcast_in_dim3A_137, %dot_general3A_141 {dimension_numbers = #tpu.dot_dimension_numbers<[1], [0], [0], [1], [0, 0, 1, 1], [], []>, transpose_lhs_hint = false} : vector<16x16xf32>, vector<16x1xf32>, vector<16x1xf32> -> vector<16x1xf32>
    %dot_general3A_143 = arith.constant dense<0.000000e+00> : vector<16x1xf32>
    %dot_general3A_144 = tpu.matmul %convert_element_type3A_11, %broadcast_in_dim3A_140, %dot_general3A_143 {dimension_numbers = #tpu.dot_dimension_numbers<[1], [0], [0], [1], [0, 0, 1, 1], [], []>, transpose_lhs_hint = false} : vector<16x16xf32>, vector<16x1xf32>, vector<16x1xf32> -> vector<16x1xf32>
    %reduce_sum3A_145 = vector.shape_cast %broadcast_in_dim3A_137 : vector<16x1xf32> to vector<1x16x1xf32>
    %reduce_sum3A_146 = arith.constant dense<0.000000e+00> : vector<1xf32>
    %reduce_sum3A_147 = vector.multi_reduction <add>, %reduce_sum3A_145, %reduce_sum3A_146 [1, 2] : vector<1x16x1xf32> to vector<1xf32>
    %reduce_sum3A_148 = vector.shape_cast %reduce_sum3A_147 : vector<1xf32> to vector<1x1x1xf32>
    %reduce_sum3A_149 = vector.extract %reduce_sum3A_148[0, 0, 0] : f32 from vector<1x1x1xf32>
    %reduce_sum3A_150 = vector.shape_cast %broadcast_in_dim3A_140 : vector<16x1xf32> to vector<1x16x1xf32>
    %reduce_sum3A_151 = arith.constant dense<0.000000e+00> : vector<1xf32>
    %reduce_sum3A_152 = vector.multi_reduction <add>, %reduce_sum3A_150, %reduce_sum3A_151 [1, 2] : vector<1x16x1xf32> to vector<1xf32>
    %reduce_sum3A_153 = vector.shape_cast %reduce_sum3A_152 : vector<1xf32> to vector<1x1x1xf32>
    %reduce_sum3A_154 = vector.extract %reduce_sum3A_153[0, 0, 0] : f32 from vector<1x1x1xf32>
    %add3A_155 = arith.addf %reduce_sum3A_149, %reduce_sum3A_154 : f32
    %add3A_156 = vector.broadcast %dot_general3A_142 : vector<16x1xf32> to vector<16x128xf32>
    %add3A_157 = arith.addf %dot_general3A_132, %add3A_156 : vector<16x128xf32>
    %add3A_158 = vector.broadcast %add3A_120 : f32 to vector<16x128xf32>
    %add3A_159 = arith.addf %add3A_157, %add3A_158 : vector<16x128xf32>
    %mul3A_160 = arith.mulf %convert_element_type3A_125, %add3A_159 : vector<16x128xf32>
    %add3A_161 = arith.addf %add3A_106, %mul3A_160 : vector<16x128xf32>
    %add3A_162 = vector.broadcast %dot_general3A_144 : vector<16x1xf32> to vector<16x128xf32>
    %add3A_163 = arith.addf %dot_general3A_134, %add3A_162 : vector<16x128xf32>
    %add3A_164 = vector.broadcast %reduce_sum3A_149 : f32 to vector<16x128xf32>
    %add3A_165 = arith.addf %add3A_163, %add3A_164 : vector<16x128xf32>
    %add3A_166 = vector.broadcast %add3A_120 : f32 to vector<16x128xf32>
    %add3A_167 = arith.addf %add3A_165, %add3A_166 : vector<16x128xf32>
    %mul3A_168 = arith.mulf %convert_element_type3A_130, %add3A_167 : vector<16x128xf32>
    %add3A_169 = arith.addf %add3A_114, %mul3A_168 : vector<16x128xf32>
    %div3A_170 = arith.constant 2.560000e+02 : f32
    %div3A_171 = arith.divf %add3A_155, %div3A_170 : f32
    %ceil3A_172 = math.ceil %div3A_171 : f32
    %mul3A_173 = arith.constant 2.560000e+02 : f32
    %mul3A_174 = arith.mulf %ceil3A_172, %mul3A_173 : f32
    %add3A_175 = arith.addf %add3A_120, %mul3A_174 : f32
    %eq3A_176 = arith.constant 3 : i32
    %eq3A_177 = vector.broadcast %eq3A_176 : i32 to vector<16x128xi32>
    %eq3A_178 = arith.cmpi eq, %get3A_1, %eq3A_177 : vector<16x128xi32>
    %convert_element_type3A_179 = arith.extui %eq3A_178 : vector<16x128xi1> to vector<16x128xi32>
    %convert_element_type3A_180 = arith.sitofp %convert_element_type3A_179 : vector<16x128xi32> to vector<16x128xf32>
    %eq3A_181 = arith.constant 3 : i32
    %eq3A_182 = vector.broadcast %eq3A_181 : i32 to vector<16x128xi32>
    %eq3A_183 = arith.cmpi eq, %get3A_4, %eq3A_182 : vector<16x128xi32>
    %convert_element_type3A_184 = arith.extui %eq3A_183 : vector<16x128xi1> to vector<16x128xi32>
    %convert_element_type3A_185 = arith.sitofp %convert_element_type3A_184 : vector<16x128xi32> to vector<16x128xf32>
    %dot_general3A_186 = arith.constant dense<0.000000e+00> : vector<16x128xf32>
    %dot_general3A_187 = tpu.matmul %convert_element_type3A_180, %convert_element_type3A_6, %dot_general3A_186 {dimension_numbers = #tpu.dot_dimension_numbers<[1], [0], [0], [1], [0, 0, 1, 1], [], []>, transpose_lhs_hint = false} : vector<16x128xf32>, vector<128x128xf32>, vector<16x128xf32> -> vector<16x128xf32>
    %dot_general3A_188 = arith.constant dense<0.000000e+00> : vector<16x128xf32>
    %dot_general3A_189 = tpu.matmul %convert_element_type3A_185, %convert_element_type3A_6, %dot_general3A_188 {dimension_numbers = #tpu.dot_dimension_numbers<[1], [0], [0], [1], [0, 0, 1, 1], [], []>, transpose_lhs_hint = false} : vector<16x128xf32>, vector<128x128xf32>, vector<16x128xf32> -> vector<16x128xf32>
    %reduce_sum3A_190 = arith.constant dense<0.000000e+00> : vector<16xf32>
    %reduce_sum3A_191 = vector.multi_reduction <add>, %convert_element_type3A_180, %reduce_sum3A_190 [1] : vector<16x128xf32> to vector<16xf32>
    %broadcast_in_dim3A_192 = vector.shape_cast %reduce_sum3A_191 : vector<16xf32> to vector<16x1xf32>
    %reduce_sum3A_193 = arith.constant dense<0.000000e+00> : vector<16xf32>
    %reduce_sum3A_194 = vector.multi_reduction <add>, %convert_element_type3A_185, %reduce_sum3A_193 [1] : vector<16x128xf32> to vector<16xf32>
    %broadcast_in_dim3A_195 = vector.shape_cast %reduce_sum3A_194 : vector<16xf32> to vector<16x1xf32>
    %dot_general3A_196 = arith.constant dense<0.000000e+00> : vector<16x1xf32>
    %dot_general3A_197 = tpu.matmul %convert_element_type3A_11, %broadcast_in_dim3A_192, %dot_general3A_196 {dimension_numbers = #tpu.dot_dimension_numbers<[1], [0], [0], [1], [0, 0, 1, 1], [], []>, transpose_lhs_hint = false} : vector<16x16xf32>, vector<16x1xf32>, vector<16x1xf32> -> vector<16x1xf32>
    %dot_general3A_198 = arith.constant dense<0.000000e+00> : vector<16x1xf32>
    %dot_general3A_199 = tpu.matmul %convert_element_type3A_11, %broadcast_in_dim3A_195, %dot_general3A_198 {dimension_numbers = #tpu.dot_dimension_numbers<[1], [0], [0], [1], [0, 0, 1, 1], [], []>, transpose_lhs_hint = false} : vector<16x16xf32>, vector<16x1xf32>, vector<16x1xf32> -> vector<16x1xf32>
    %reduce_sum3A_200 = vector.shape_cast %broadcast_in_dim3A_192 : vector<16x1xf32> to vector<1x16x1xf32>
    %reduce_sum3A_201 = arith.constant dense<0.000000e+00> : vector<1xf32>
    %reduce_sum3A_202 = vector.multi_reduction <add>, %reduce_sum3A_200, %reduce_sum3A_201 [1, 2] : vector<1x16x1xf32> to vector<1xf32>
    %reduce_sum3A_203 = vector.shape_cast %reduce_sum3A_202 : vector<1xf32> to vector<1x1x1xf32>
    %reduce_sum3A_204 = vector.extract %reduce_sum3A_203[0, 0, 0] : f32 from vector<1x1x1xf32>
    %reduce_sum3A_205 = vector.shape_cast %broadcast_in_dim3A_195 : vector<16x1xf32> to vector<1x16x1xf32>
    %reduce_sum3A_206 = arith.constant dense<0.000000e+00> : vector<1xf32>
    %reduce_sum3A_207 = vector.multi_reduction <add>, %reduce_sum3A_205, %reduce_sum3A_206 [1, 2] : vector<1x16x1xf32> to vector<1xf32>
    %reduce_sum3A_208 = vector.shape_cast %reduce_sum3A_207 : vector<1xf32> to vector<1x1x1xf32>
    %reduce_sum3A_209 = vector.extract %reduce_sum3A_208[0, 0, 0] : f32 from vector<1x1x1xf32>
    %add3A_210 = arith.addf %reduce_sum3A_204, %reduce_sum3A_209 : f32
    %add3A_211 = vector.broadcast %dot_general3A_197 : vector<16x1xf32> to vector<16x128xf32>
    %add3A_212 = arith.addf %dot_general3A_187, %add3A_211 : vector<16x128xf32>
    %add3A_213 = vector.broadcast %add3A_175 : f32 to vector<16x128xf32>
    %add3A_214 = arith.addf %add3A_212, %add3A_213 : vector<16x128xf32>
    %mul3A_215 = arith.mulf %convert_element_type3A_180, %add3A_214 : vector<16x128xf32>
    %add3A_216 = arith.addf %add3A_161, %mul3A_215 : vector<16x128xf32>
    %add3A_217 = vector.broadcast %dot_general3A_199 : vector<16x1xf32> to vector<16x128xf32>
    %add3A_218 = arith.addf %dot_general3A_189, %add3A_217 : vector<16x128xf32>
    %add3A_219 = vector.broadcast %reduce_sum3A_204 : f32 to vector<16x128xf32>
    %add3A_220 = arith.addf %add3A_218, %add3A_219 : vector<16x128xf32>
    %add3A_221 = vector.broadcast %add3A_175 : f32 to vector<16x128xf32>
    %add3A_222 = arith.addf %add3A_220, %add3A_221 : vector<16x128xf32>
    %mul3A_223 = arith.mulf %convert_element_type3A_185, %add3A_222 : vector<16x128xf32>
    %add3A_224 = arith.addf %add3A_169, %mul3A_223 : vector<16x128xf32>
    %div3A_225 = arith.constant 2.560000e+02 : f32
    %div3A_226 = arith.divf %add3A_210, %div3A_225 : f32
    %ceil3A_227 = math.ceil %div3A_226 : f32
    %mul3A_228 = arith.constant 2.560000e+02 : f32
    %mul3A_229 = arith.mulf %ceil3A_227, %mul3A_228 : f32
    %add3A_230 = arith.addf %add3A_175, %mul3A_229 : f32
    %eq3A_231 = arith.constant 4 : i32
    %eq3A_232 = vector.broadcast %eq3A_231 : i32 to vector<16x128xi32>
    %eq3A_233 = arith.cmpi eq, %get3A_1, %eq3A_232 : vector<16x128xi32>
    %convert_element_type3A_234 = arith.extui %eq3A_233 : vector<16x128xi1> to vector<16x128xi32>
    %convert_element_type3A_235 = arith.sitofp %convert_element_type3A_234 : vector<16x128xi32> to vector<16x128xf32>
    %eq3A_236 = arith.constant 4 : i32
    %eq3A_237 = vector.broadcast %eq3A_236 : i32 to vector<16x128xi32>
    %eq3A_238 = arith.cmpi eq, %get3A_4, %eq3A_237 : vector<16x128xi32>
    %convert_element_type3A_239 = arith.extui %eq3A_238 : vector<16x128xi1> to vector<16x128xi32>
    %convert_element_type3A_240 = arith.sitofp %convert_element_type3A_239 : vector<16x128xi32> to vector<16x128xf32>
    %dot_general3A_241 = arith.constant dense<0.000000e+00> : vector<16x128xf32>
    %dot_general3A_242 = tpu.matmul %convert_element_type3A_235, %convert_element_type3A_6, %dot_general3A_241 {dimension_numbers = #tpu.dot_dimension_numbers<[1], [0], [0], [1], [0, 0, 1, 1], [], []>, transpose_lhs_hint = false} : vector<16x128xf32>, vector<128x128xf32>, vector<16x128xf32> -> vector<16x128xf32>
    %dot_general3A_243 = arith.constant dense<0.000000e+00> : vector<16x128xf32>
    %dot_general3A_244 = tpu.matmul %convert_element_type3A_240, %convert_element_type3A_6, %dot_general3A_243 {dimension_numbers = #tpu.dot_dimension_numbers<[1], [0], [0], [1], [0, 0, 1, 1], [], []>, transpose_lhs_hint = false} : vector<16x128xf32>, vector<128x128xf32>, vector<16x128xf32> -> vector<16x128xf32>
    %reduce_sum3A_245 = arith.constant dense<0.000000e+00> : vector<16xf32>
    %reduce_sum3A_246 = vector.multi_reduction <add>, %convert_element_type3A_235, %reduce_sum3A_245 [1] : vector<16x128xf32> to vector<16xf32>
    %broadcast_in_dim3A_247 = vector.shape_cast %reduce_sum3A_246 : vector<16xf32> to vector<16x1xf32>
    %reduce_sum3A_248 = arith.constant dense<0.000000e+00> : vector<16xf32>
    %reduce_sum3A_249 = vector.multi_reduction <add>, %convert_element_type3A_240, %reduce_sum3A_248 [1] : vector<16x128xf32> to vector<16xf32>
    %broadcast_in_dim3A_250 = vector.shape_cast %reduce_sum3A_249 : vector<16xf32> to vector<16x1xf32>
    %dot_general3A_251 = arith.constant dense<0.000000e+00> : vector<16x1xf32>
    %dot_general3A_252 = tpu.matmul %convert_element_type3A_11, %broadcast_in_dim3A_247, %dot_general3A_251 {dimension_numbers = #tpu.dot_dimension_numbers<[1], [0], [0], [1], [0, 0, 1, 1], [], []>, transpose_lhs_hint = false} : vector<16x16xf32>, vector<16x1xf32>, vector<16x1xf32> -> vector<16x1xf32>
    %dot_general3A_253 = arith.constant dense<0.000000e+00> : vector<16x1xf32>
    %dot_general3A_254 = tpu.matmul %convert_element_type3A_11, %broadcast_in_dim3A_250, %dot_general3A_253 {dimension_numbers = #tpu.dot_dimension_numbers<[1], [0], [0], [1], [0, 0, 1, 1], [], []>, transpose_lhs_hint = false} : vector<16x16xf32>, vector<16x1xf32>, vector<16x1xf32> -> vector<16x1xf32>
    %reduce_sum3A_255 = vector.shape_cast %broadcast_in_dim3A_247 : vector<16x1xf32> to vector<1x16x1xf32>
    %reduce_sum3A_256 = arith.constant dense<0.000000e+00> : vector<1xf32>
    %reduce_sum3A_257 = vector.multi_reduction <add>, %reduce_sum3A_255, %reduce_sum3A_256 [1, 2] : vector<1x16x1xf32> to vector<1xf32>
    %reduce_sum3A_258 = vector.shape_cast %reduce_sum3A_257 : vector<1xf32> to vector<1x1x1xf32>
    %reduce_sum3A_259 = vector.extract %reduce_sum3A_258[0, 0, 0] : f32 from vector<1x1x1xf32>
    %reduce_sum3A_260 = vector.shape_cast %broadcast_in_dim3A_250 : vector<16x1xf32> to vector<1x16x1xf32>
    %reduce_sum3A_261 = arith.constant dense<0.000000e+00> : vector<1xf32>
    %reduce_sum3A_262 = vector.multi_reduction <add>, %reduce_sum3A_260, %reduce_sum3A_261 [1, 2] : vector<1x16x1xf32> to vector<1xf32>
    %reduce_sum3A_263 = vector.shape_cast %reduce_sum3A_262 : vector<1xf32> to vector<1x1x1xf32>
    %reduce_sum3A_264 = vector.extract %reduce_sum3A_263[0, 0, 0] : f32 from vector<1x1x1xf32>
    %add3A_265 = arith.addf %reduce_sum3A_259, %reduce_sum3A_264 : f32
    %add3A_266 = vector.broadcast %dot_general3A_252 : vector<16x1xf32> to vector<16x128xf32>
    %add3A_267 = arith.addf %dot_general3A_242, %add3A_266 : vector<16x128xf32>
    %add3A_268 = vector.broadcast %add3A_230 : f32 to vector<16x128xf32>
    %add3A_269 = arith.addf %add3A_267, %add3A_268 : vector<16x128xf32>
    %mul3A_270 = arith.mulf %convert_element_type3A_235, %add3A_269 : vector<16x128xf32>
    %add3A_271 = arith.addf %add3A_216, %mul3A_270 : vector<16x128xf32>
    %add3A_272 = vector.broadcast %dot_general3A_254 : vector<16x1xf32> to vector<16x128xf32>
    %add3A_273 = arith.addf %dot_general3A_244, %add3A_272 : vector<16x128xf32>
    %add3A_274 = vector.broadcast %reduce_sum3A_259 : f32 to vector<16x128xf32>
    %add3A_275 = arith.addf %add3A_273, %add3A_274 : vector<16x128xf32>
    %add3A_276 = vector.broadcast %add3A_230 : f32 to vector<16x128xf32>
    %add3A_277 = arith.addf %add3A_275, %add3A_276 : vector<16x128xf32>
    %mul3A_278 = arith.mulf %convert_element_type3A_240, %add3A_277 : vector<16x128xf32>
    %add3A_279 = arith.addf %add3A_224, %mul3A_278 : vector<16x128xf32>
    %div3A_280 = arith.constant 2.560000e+02 : f32
    %div3A_281 = arith.divf %add3A_265, %div3A_280 : f32
    %ceil3A_282 = math.ceil %div3A_281 : f32
    %mul3A_283 = arith.constant 2.560000e+02 : f32
    %mul3A_284 = arith.mulf %ceil3A_282, %mul3A_283 : f32
    %add3A_285 = arith.addf %add3A_230, %mul3A_284 : f32
    %eq3A_286 = arith.constant 5 : i32
    %eq3A_287 = vector.broadcast %eq3A_286 : i32 to vector<16x128xi32>
    %eq3A_288 = arith.cmpi eq, %get3A_1, %eq3A_287 : vector<16x128xi32>
    %convert_element_type3A_289 = arith.extui %eq3A_288 : vector<16x128xi1> to vector<16x128xi32>
    %convert_element_type3A_290 = arith.sitofp %convert_element_type3A_289 : vector<16x128xi32> to vector<16x128xf32>
    %eq3A_291 = arith.constant 5 : i32
    %eq3A_292 = vector.broadcast %eq3A_291 : i32 to vector<16x128xi32>
    %eq3A_293 = arith.cmpi eq, %get3A_4, %eq3A_292 : vector<16x128xi32>
    %convert_element_type3A_294 = arith.extui %eq3A_293 : vector<16x128xi1> to vector<16x128xi32>
    %convert_element_type3A_295 = arith.sitofp %convert_element_type3A_294 : vector<16x128xi32> to vector<16x128xf32>
    %dot_general3A_296 = arith.constant dense<0.000000e+00> : vector<16x128xf32>
    %dot_general3A_297 = tpu.matmul %convert_element_type3A_290, %convert_element_type3A_6, %dot_general3A_296 {dimension_numbers = #tpu.dot_dimension_numbers<[1], [0], [0], [1], [0, 0, 1, 1], [], []>, transpose_lhs_hint = false} : vector<16x128xf32>, vector<128x128xf32>, vector<16x128xf32> -> vector<16x128xf32>
    %dot_general3A_298 = arith.constant dense<0.000000e+00> : vector<16x128xf32>
    %dot_general3A_299 = tpu.matmul %convert_element_type3A_295, %convert_element_type3A_6, %dot_general3A_298 {dimension_numbers = #tpu.dot_dimension_numbers<[1], [0], [0], [1], [0, 0, 1, 1], [], []>, transpose_lhs_hint = false} : vector<16x128xf32>, vector<128x128xf32>, vector<16x128xf32> -> vector<16x128xf32>
    %reduce_sum3A_300 = arith.constant dense<0.000000e+00> : vector<16xf32>
    %reduce_sum3A_301 = vector.multi_reduction <add>, %convert_element_type3A_290, %reduce_sum3A_300 [1] : vector<16x128xf32> to vector<16xf32>
    %broadcast_in_dim3A_302 = vector.shape_cast %reduce_sum3A_301 : vector<16xf32> to vector<16x1xf32>
    %reduce_sum3A_303 = arith.constant dense<0.000000e+00> : vector<16xf32>
    %reduce_sum3A_304 = vector.multi_reduction <add>, %convert_element_type3A_295, %reduce_sum3A_303 [1] : vector<16x128xf32> to vector<16xf32>
    %broadcast_in_dim3A_305 = vector.shape_cast %reduce_sum3A_304 : vector<16xf32> to vector<16x1xf32>
    %dot_general3A_306 = arith.constant dense<0.000000e+00> : vector<16x1xf32>
    %dot_general3A_307 = tpu.matmul %convert_element_type3A_11, %broadcast_in_dim3A_302, %dot_general3A_306 {dimension_numbers = #tpu.dot_dimension_numbers<[1], [0], [0], [1], [0, 0, 1, 1], [], []>, transpose_lhs_hint = false} : vector<16x16xf32>, vector<16x1xf32>, vector<16x1xf32> -> vector<16x1xf32>
    %dot_general3A_308 = arith.constant dense<0.000000e+00> : vector<16x1xf32>
    %dot_general3A_309 = tpu.matmul %convert_element_type3A_11, %broadcast_in_dim3A_305, %dot_general3A_308 {dimension_numbers = #tpu.dot_dimension_numbers<[1], [0], [0], [1], [0, 0, 1, 1], [], []>, transpose_lhs_hint = false} : vector<16x16xf32>, vector<16x1xf32>, vector<16x1xf32> -> vector<16x1xf32>
    %reduce_sum3A_310 = vector.shape_cast %broadcast_in_dim3A_302 : vector<16x1xf32> to vector<1x16x1xf32>
    %reduce_sum3A_311 = arith.constant dense<0.000000e+00> : vector<1xf32>
    %reduce_sum3A_312 = vector.multi_reduction <add>, %reduce_sum3A_310, %reduce_sum3A_311 [1, 2] : vector<1x16x1xf32> to vector<1xf32>
    %reduce_sum3A_313 = vector.shape_cast %reduce_sum3A_312 : vector<1xf32> to vector<1x1x1xf32>
    %reduce_sum3A_314 = vector.extract %reduce_sum3A_313[0, 0, 0] : f32 from vector<1x1x1xf32>
    %reduce_sum3A_315 = vector.shape_cast %broadcast_in_dim3A_305 : vector<16x1xf32> to vector<1x16x1xf32>
    %reduce_sum3A_316 = arith.constant dense<0.000000e+00> : vector<1xf32>
    %reduce_sum3A_317 = vector.multi_reduction <add>, %reduce_sum3A_315, %reduce_sum3A_316 [1, 2] : vector<1x16x1xf32> to vector<1xf32>
    %reduce_sum3A_318 = vector.shape_cast %reduce_sum3A_317 : vector<1xf32> to vector<1x1x1xf32>
    %reduce_sum3A_319 = vector.extract %reduce_sum3A_318[0, 0, 0] : f32 from vector<1x1x1xf32>
    %add3A_320 = arith.addf %reduce_sum3A_314, %reduce_sum3A_319 : f32
    %add3A_321 = vector.broadcast %dot_general3A_307 : vector<16x1xf32> to vector<16x128xf32>
    %add3A_322 = arith.addf %dot_general3A_297, %add3A_321 : vector<16x128xf32>
    %add3A_323 = vector.broadcast %add3A_285 : f32 to vector<16x128xf32>
    %add3A_324 = arith.addf %add3A_322, %add3A_323 : vector<16x128xf32>
    %mul3A_325 = arith.mulf %convert_element_type3A_290, %add3A_324 : vector<16x128xf32>
    %add3A_326 = arith.addf %add3A_271, %mul3A_325 : vector<16x128xf32>
    %add3A_327 = vector.broadcast %dot_general3A_309 : vector<16x1xf32> to vector<16x128xf32>
    %add3A_328 = arith.addf %dot_general3A_299, %add3A_327 : vector<16x128xf32>
    %add3A_329 = vector.broadcast %reduce_sum3A_314 : f32 to vector<16x128xf32>
    %add3A_330 = arith.addf %add3A_328, %add3A_329 : vector<16x128xf32>
    %add3A_331 = vector.broadcast %add3A_285 : f32 to vector<16x128xf32>
    %add3A_332 = arith.addf %add3A_330, %add3A_331 : vector<16x128xf32>
    %mul3A_333 = arith.mulf %convert_element_type3A_295, %add3A_332 : vector<16x128xf32>
    %add3A_334 = arith.addf %add3A_279, %mul3A_333 : vector<16x128xf32>
    %div3A_335 = arith.constant 2.560000e+02 : f32
    %div3A_336 = arith.divf %add3A_320, %div3A_335 : f32
    %ceil3A_337 = math.ceil %div3A_336 : f32
    %mul3A_338 = arith.constant 2.560000e+02 : f32
    %mul3A_339 = arith.mulf %ceil3A_337, %mul3A_338 : f32
    %add3A_340 = arith.addf %add3A_285, %mul3A_339 : f32
    %eq3A_341 = arith.constant 6 : i32
    %eq3A_342 = vector.broadcast %eq3A_341 : i32 to vector<16x128xi32>
    %eq3A_343 = arith.cmpi eq, %get3A_1, %eq3A_342 : vector<16x128xi32>
    %convert_element_type3A_344 = arith.extui %eq3A_343 : vector<16x128xi1> to vector<16x128xi32>
    %convert_element_type3A_345 = arith.sitofp %convert_element_type3A_344 : vector<16x128xi32> to vector<16x128xf32>
    %eq3A_346 = arith.constant 6 : i32
    %eq3A_347 = vector.broadcast %eq3A_346 : i32 to vector<16x128xi32>
    %eq3A_348 = arith.cmpi eq, %get3A_4, %eq3A_347 : vector<16x128xi32>
    %convert_element_type3A_349 = arith.extui %eq3A_348 : vector<16x128xi1> to vector<16x128xi32>
    %convert_element_type3A_350 = arith.sitofp %convert_element_type3A_349 : vector<16x128xi32> to vector<16x128xf32>
    %dot_general3A_351 = arith.constant dense<0.000000e+00> : vector<16x128xf32>
    %dot_general3A_352 = tpu.matmul %convert_element_type3A_345, %convert_element_type3A_6, %dot_general3A_351 {dimension_numbers = #tpu.dot_dimension_numbers<[1], [0], [0], [1], [0, 0, 1, 1], [], []>, transpose_lhs_hint = false} : vector<16x128xf32>, vector<128x128xf32>, vector<16x128xf32> -> vector<16x128xf32>
    %dot_general3A_353 = arith.constant dense<0.000000e+00> : vector<16x128xf32>
    %dot_general3A_354 = tpu.matmul %convert_element_type3A_350, %convert_element_type3A_6, %dot_general3A_353 {dimension_numbers = #tpu.dot_dimension_numbers<[1], [0], [0], [1], [0, 0, 1, 1], [], []>, transpose_lhs_hint = false} : vector<16x128xf32>, vector<128x128xf32>, vector<16x128xf32> -> vector<16x128xf32>
    %reduce_sum3A_355 = arith.constant dense<0.000000e+00> : vector<16xf32>
    %reduce_sum3A_356 = vector.multi_reduction <add>, %convert_element_type3A_345, %reduce_sum3A_355 [1] : vector<16x128xf32> to vector<16xf32>
    %broadcast_in_dim3A_357 = vector.shape_cast %reduce_sum3A_356 : vector<16xf32> to vector<16x1xf32>
    %reduce_sum3A_358 = arith.constant dense<0.000000e+00> : vector<16xf32>
    %reduce_sum3A_359 = vector.multi_reduction <add>, %convert_element_type3A_350, %reduce_sum3A_358 [1] : vector<16x128xf32> to vector<16xf32>
    %broadcast_in_dim3A_360 = vector.shape_cast %reduce_sum3A_359 : vector<16xf32> to vector<16x1xf32>
    %dot_general3A_361 = arith.constant dense<0.000000e+00> : vector<16x1xf32>
    %dot_general3A_362 = tpu.matmul %convert_element_type3A_11, %broadcast_in_dim3A_357, %dot_general3A_361 {dimension_numbers = #tpu.dot_dimension_numbers<[1], [0], [0], [1], [0, 0, 1, 1], [], []>, transpose_lhs_hint = false} : vector<16x16xf32>, vector<16x1xf32>, vector<16x1xf32> -> vector<16x1xf32>
    %dot_general3A_363 = arith.constant dense<0.000000e+00> : vector<16x1xf32>
    %dot_general3A_364 = tpu.matmul %convert_element_type3A_11, %broadcast_in_dim3A_360, %dot_general3A_363 {dimension_numbers = #tpu.dot_dimension_numbers<[1], [0], [0], [1], [0, 0, 1, 1], [], []>, transpose_lhs_hint = false} : vector<16x16xf32>, vector<16x1xf32>, vector<16x1xf32> -> vector<16x1xf32>
    %reduce_sum3A_365 = vector.shape_cast %broadcast_in_dim3A_357 : vector<16x1xf32> to vector<1x16x1xf32>
    %reduce_sum3A_366 = arith.constant dense<0.000000e+00> : vector<1xf32>
    %reduce_sum3A_367 = vector.multi_reduction <add>, %reduce_sum3A_365, %reduce_sum3A_366 [1, 2] : vector<1x16x1xf32> to vector<1xf32>
    %reduce_sum3A_368 = vector.shape_cast %reduce_sum3A_367 : vector<1xf32> to vector<1x1x1xf32>
    %reduce_sum3A_369 = vector.extract %reduce_sum3A_368[0, 0, 0] : f32 from vector<1x1x1xf32>
    %reduce_sum3A_370 = vector.shape_cast %broadcast_in_dim3A_360 : vector<16x1xf32> to vector<1x16x1xf32>
    %reduce_sum3A_371 = arith.constant dense<0.000000e+00> : vector<1xf32>
    %reduce_sum3A_372 = vector.multi_reduction <add>, %reduce_sum3A_370, %reduce_sum3A_371 [1, 2] : vector<1x16x1xf32> to vector<1xf32>
    %reduce_sum3A_373 = vector.shape_cast %reduce_sum3A_372 : vector<1xf32> to vector<1x1x1xf32>
    %reduce_sum3A_374 = vector.extract %reduce_sum3A_373[0, 0, 0] : f32 from vector<1x1x1xf32>
    %add3A_375 = arith.addf %reduce_sum3A_369, %reduce_sum3A_374 : f32
    %add3A_376 = vector.broadcast %dot_general3A_362 : vector<16x1xf32> to vector<16x128xf32>
    %add3A_377 = arith.addf %dot_general3A_352, %add3A_376 : vector<16x128xf32>
    %add3A_378 = vector.broadcast %add3A_340 : f32 to vector<16x128xf32>
    %add3A_379 = arith.addf %add3A_377, %add3A_378 : vector<16x128xf32>
    %mul3A_380 = arith.mulf %convert_element_type3A_345, %add3A_379 : vector<16x128xf32>
    %add3A_381 = arith.addf %add3A_326, %mul3A_380 : vector<16x128xf32>
    %add3A_382 = vector.broadcast %dot_general3A_364 : vector<16x1xf32> to vector<16x128xf32>
    %add3A_383 = arith.addf %dot_general3A_354, %add3A_382 : vector<16x128xf32>
    %add3A_384 = vector.broadcast %reduce_sum3A_369 : f32 to vector<16x128xf32>
    %add3A_385 = arith.addf %add3A_383, %add3A_384 : vector<16x128xf32>
    %add3A_386 = vector.broadcast %add3A_340 : f32 to vector<16x128xf32>
    %add3A_387 = arith.addf %add3A_385, %add3A_386 : vector<16x128xf32>
    %mul3A_388 = arith.mulf %convert_element_type3A_350, %add3A_387 : vector<16x128xf32>
    %add3A_389 = arith.addf %add3A_334, %mul3A_388 : vector<16x128xf32>
    %div3A_390 = arith.constant 2.560000e+02 : f32
    %div3A_391 = arith.divf %add3A_375, %div3A_390 : f32
    %ceil3A_392 = math.ceil %div3A_391 : f32
    %mul3A_393 = arith.constant 2.560000e+02 : f32
    %mul3A_394 = arith.mulf %ceil3A_392, %mul3A_393 : f32
    %add3A_395 = arith.addf %add3A_340, %mul3A_394 : f32
    %eq3A_396 = arith.constant 7 : i32
    %eq3A_397 = vector.broadcast %eq3A_396 : i32 to vector<16x128xi32>
    %eq3A_398 = arith.cmpi eq, %get3A_1, %eq3A_397 : vector<16x128xi32>
    %convert_element_type3A_399 = arith.extui %eq3A_398 : vector<16x128xi1> to vector<16x128xi32>
    %convert_element_type3A_400 = arith.sitofp %convert_element_type3A_399 : vector<16x128xi32> to vector<16x128xf32>
    %eq3A_401 = arith.constant 7 : i32
    %eq3A_402 = vector.broadcast %eq3A_401 : i32 to vector<16x128xi32>
    %eq3A_403 = arith.cmpi eq, %get3A_4, %eq3A_402 : vector<16x128xi32>
    %convert_element_type3A_404 = arith.extui %eq3A_403 : vector<16x128xi1> to vector<16x128xi32>
    %convert_element_type3A_405 = arith.sitofp %convert_element_type3A_404 : vector<16x128xi32> to vector<16x128xf32>
    %dot_general3A_406 = arith.constant dense<0.000000e+00> : vector<16x128xf32>
    %dot_general3A_407 = tpu.matmul %convert_element_type3A_400, %convert_element_type3A_6, %dot_general3A_406 {dimension_numbers = #tpu.dot_dimension_numbers<[1], [0], [0], [1], [0, 0, 1, 1], [], []>, transpose_lhs_hint = false} : vector<16x128xf32>, vector<128x128xf32>, vector<16x128xf32> -> vector<16x128xf32>
    %dot_general3A_408 = arith.constant dense<0.000000e+00> : vector<16x128xf32>
    %dot_general3A_409 = tpu.matmul %convert_element_type3A_405, %convert_element_type3A_6, %dot_general3A_408 {dimension_numbers = #tpu.dot_dimension_numbers<[1], [0], [0], [1], [0, 0, 1, 1], [], []>, transpose_lhs_hint = false} : vector<16x128xf32>, vector<128x128xf32>, vector<16x128xf32> -> vector<16x128xf32>
    %reduce_sum3A_410 = arith.constant dense<0.000000e+00> : vector<16xf32>
    %reduce_sum3A_411 = vector.multi_reduction <add>, %convert_element_type3A_400, %reduce_sum3A_410 [1] : vector<16x128xf32> to vector<16xf32>
    %broadcast_in_dim3A_412 = vector.shape_cast %reduce_sum3A_411 : vector<16xf32> to vector<16x1xf32>
    %reduce_sum3A_413 = arith.constant dense<0.000000e+00> : vector<16xf32>
    %reduce_sum3A_414 = vector.multi_reduction <add>, %convert_element_type3A_405, %reduce_sum3A_413 [1] : vector<16x128xf32> to vector<16xf32>
    %broadcast_in_dim3A_415 = vector.shape_cast %reduce_sum3A_414 : vector<16xf32> to vector<16x1xf32>
    %dot_general3A_416 = arith.constant dense<0.000000e+00> : vector<16x1xf32>
    %dot_general3A_417 = tpu.matmul %convert_element_type3A_11, %broadcast_in_dim3A_412, %dot_general3A_416 {dimension_numbers = #tpu.dot_dimension_numbers<[1], [0], [0], [1], [0, 0, 1, 1], [], []>, transpose_lhs_hint = false} : vector<16x16xf32>, vector<16x1xf32>, vector<16x1xf32> -> vector<16x1xf32>
    %dot_general3A_418 = arith.constant dense<0.000000e+00> : vector<16x1xf32>
    %dot_general3A_419 = tpu.matmul %convert_element_type3A_11, %broadcast_in_dim3A_415, %dot_general3A_418 {dimension_numbers = #tpu.dot_dimension_numbers<[1], [0], [0], [1], [0, 0, 1, 1], [], []>, transpose_lhs_hint = false} : vector<16x16xf32>, vector<16x1xf32>, vector<16x1xf32> -> vector<16x1xf32>
    %reduce_sum3A_420 = vector.shape_cast %broadcast_in_dim3A_412 : vector<16x1xf32> to vector<1x16x1xf32>
    %reduce_sum3A_421 = arith.constant dense<0.000000e+00> : vector<1xf32>
    %reduce_sum3A_422 = vector.multi_reduction <add>, %reduce_sum3A_420, %reduce_sum3A_421 [1, 2] : vector<1x16x1xf32> to vector<1xf32>
    %reduce_sum3A_423 = vector.shape_cast %reduce_sum3A_422 : vector<1xf32> to vector<1x1x1xf32>
    %reduce_sum3A_424 = vector.extract %reduce_sum3A_423[0, 0, 0] : f32 from vector<1x1x1xf32>
    %add3A_425 = vector.broadcast %dot_general3A_417 : vector<16x1xf32> to vector<16x128xf32>
    %add3A_426 = arith.addf %dot_general3A_407, %add3A_425 : vector<16x128xf32>
    %add3A_427 = vector.broadcast %add3A_395 : f32 to vector<16x128xf32>
    %add3A_428 = arith.addf %add3A_426, %add3A_427 : vector<16x128xf32>
    %mul3A_429 = arith.mulf %convert_element_type3A_400, %add3A_428 : vector<16x128xf32>
    %add3A_430 = arith.addf %add3A_381, %mul3A_429 : vector<16x128xf32>
    %add3A_431 = vector.broadcast %dot_general3A_419 : vector<16x1xf32> to vector<16x128xf32>
    %add3A_432 = arith.addf %dot_general3A_409, %add3A_431 : vector<16x128xf32>
    %add3A_433 = vector.broadcast %reduce_sum3A_424 : f32 to vector<16x128xf32>
    %add3A_434 = arith.addf %add3A_432, %add3A_433 : vector<16x128xf32>
    %add3A_435 = vector.broadcast %add3A_395 : f32 to vector<16x128xf32>
    %add3A_436 = arith.addf %add3A_434, %add3A_435 : vector<16x128xf32>
    %mul3A_437 = arith.mulf %convert_element_type3A_405, %add3A_436 : vector<16x128xf32>
    %add3A_438 = arith.addf %add3A_389, %mul3A_437 : vector<16x128xf32>
    %convert_element_type3A_439 = arith.fptosi %add3A_430 : vector<16x128xf32> to vector<16x128xi32>
    %swap3A = arith.constant 0 : index
    %swap3A_440 = arith.constant 0 : index
    %swap3A_441 = vector.load %arg3[%swap3A, %swap3A_440] : memref<16x128xi32, #tpu.memory_space<vmem>>, vector<16x128xi32>
    tpu.vector_store %arg3[%swap3A, %swap3A_440], %convert_element_type3A_439 {strides = array<i32>} : memref<16x128xi32, #tpu.memory_space<vmem>>, vector<16x128xi32>,
    %convert_element_type3A_442 = arith.fptosi %add3A_438 : vector<16x128xf32> to vector<16x128xi32>
    %swap3A_443 = arith.constant 0 : index
    %swap3A_444 = arith.constant 0 : index
    %swap3A_445 = vector.load %arg4[%swap3A_443, %swap3A_444] : memref<16x128xi32, #tpu.memory_space<vmem>>, vector<16x128xi32>
    tpu.vector_store %arg4[%swap3A_443, %swap3A_444], %convert_element_type3A_442 {strides = array<i32>} : memref<16x128xi32, #tpu.memory_space<vmem>>, vector<16x128xi32>,
    %iota3A_446 = tpu.iota {dimensions = array<i32: 1>} : vector<1x128xi32>
    %convert_element_type3A_447 = arith.sitofp %iota3A_446 : vector<1x128xi32> to vector<1x128xf32>
    %mul3A_448 = arith.constant 2.560000e+02 : f32
    %mul3A_449 = vector.broadcast %mul3A_448 : f32 to vector<1x128xf32>
    %mul3A_450 = arith.mulf %convert_element_type3A_447, %mul3A_449 : vector<1x128xf32>
    %ge3A = arith.constant 0.000000e+00 : f32
    %ge3A_451 = vector.broadcast %ge3A : f32 to vector<1x128xf32>
    %ge3A_452 = arith.cmpf oge, %mul3A_450, %ge3A_451 : vector<1x128xf32>
    %convert_element_type3A_453 = arith.extui %ge3A_452 : vector<1x128xi1> to vector<1x128xi32>
    %add3A_454 = arith.constant 0 : i32
    %add3A_455 = vector.broadcast %add3A_454 : i32 to vector<1x128xi32>
    %add3A_456 = arith.addi %add3A_455, %convert_element_type3A_453 : vector<1x128xi32>
    %ge3A_457 = vector.broadcast %add3A_65 : f32 to vector<1x128xf32>
    %ge3A_458 = arith.cmpf oge, %mul3A_450, %ge3A_457 : vector<1x128xf32>
    %convert_element_type3A_459 = arith.extui %ge3A_458 : vector<1x128xi1> to vector<1x128xi32>
    %add3A_460 = arith.addi %add3A_456, %convert_element_type3A_459 : vector<1x128xi32>
    %ge3A_461 = vector.broadcast %add3A_120 : f32 to vector<1x128xf32>
    %ge3A_462 = arith.cmpf oge, %mul3A_450, %ge3A_461 : vector<1x128xf32>
    %convert_element_type3A_463 = arith.extui %ge3A_462 : vector<1x128xi1> to vector<1x128xi32>
    %add3A_464 = arith.addi %add3A_460, %convert_element_type3A_463 : vector<1x128xi32>
    %ge3A_465 = vector.broadcast %add3A_175 : f32 to vector<1x128xf32>
    %ge3A_466 = arith.cmpf oge, %mul3A_450, %ge3A_465 : vector<1x128xf32>
    %convert_element_type3A_467 = arith.extui %ge3A_466 : vector<1x128xi1> to vector<1x128xi32>
    %add3A_468 = arith.addi %add3A_464, %convert_element_type3A_467 : vector<1x128xi32>
    %ge3A_469 = vector.broadcast %add3A_230 : f32 to vector<1x128xf32>
    %ge3A_470 = arith.cmpf oge, %mul3A_450, %ge3A_469 : vector<1x128xf32>
    %convert_element_type3A_471 = arith.extui %ge3A_470 : vector<1x128xi1> to vector<1x128xi32>
    %add3A_472 = arith.addi %add3A_468, %convert_element_type3A_471 : vector<1x128xi32>
    %ge3A_473 = vector.broadcast %add3A_285 : f32 to vector<1x128xf32>
    %ge3A_474 = arith.cmpf oge, %mul3A_450, %ge3A_473 : vector<1x128xf32>
    %convert_element_type3A_475 = arith.extui %ge3A_474 : vector<1x128xi1> to vector<1x128xi32>
    %add3A_476 = arith.addi %add3A_472, %convert_element_type3A_475 : vector<1x128xi32>
    %ge3A_477 = vector.broadcast %add3A_340 : f32 to vector<1x128xf32>
    %ge3A_478 = arith.cmpf oge, %mul3A_450, %ge3A_477 : vector<1x128xf32>
    %convert_element_type3A_479 = arith.extui %ge3A_478 : vector<1x128xi1> to vector<1x128xi32>
    %add3A_480 = arith.addi %add3A_476, %convert_element_type3A_479 : vector<1x128xi32>
    %ge3A_481 = vector.broadcast %add3A_395 : f32 to vector<1x128xf32>
    %ge3A_482 = arith.cmpf oge, %mul3A_450, %ge3A_481 : vector<1x128xf32>
    %convert_element_type3A_483 = arith.extui %ge3A_482 : vector<1x128xi1> to vector<1x128xi32>
    %add3A_484 = arith.addi %add3A_480, %convert_element_type3A_483 : vector<1x128xi32>
    %sub3A = arith.constant 1 : i32
    %sub3A_485 = vector.broadcast %sub3A : i32 to vector<1x128xi32>
    %sub3A_486 = arith.subi %add3A_484, %sub3A_485 : vector<1x128xi32>
    %swap3A_487 = arith.constant 0 : index
    %swap3A_488 = arith.constant 0 : index
    %swap3A_489 = vector.load %arg5[%swap3A_487, %swap3A_488] : memref<1x128xi32, #tpu.memory_space<vmem>>, vector<1x128xi32>
    tpu.vector_store %arg5[%swap3A_487, %swap3A_488], %sub3A_486 {strides = array<i32>} : memref<1x128xi32, #tpu.memory_space<vmem>>, vector<1x128xi32>,
    return
  }
  func.func @transform_0(%arg0: i32) -> (i32, i32) {
    %c0_i32 = arith.constant 0 : i32
    %c0_i32_0 = arith.constant 0 : i32
    %c0_i32_1 = arith.constant 0 : i32
    return %c0_i32, %c0_i32_0 : i32, i32
  }
  func.func @transform_1(%arg0: i32) -> (i32, i32) {
    %c0_i32 = arith.constant 0 : i32
    %c0_i32_0 = arith.constant 0 : i32
    %c0_i32_1 = arith.constant 0 : i32
    return %c0_i32, %c0_i32_0 : i32, i32
  }
  func.func @transform_2(%arg0: i32) -> (i32, i32) {
    %c0_i32 = arith.constant 0 : i32
    %c0_i32_0 = arith.constant 0 : i32
    %c0_i32_1 = arith.constant 0 : i32
    return %c0_i32, %c0_i32_0 : i32, i32
  }
  func.func @transform_3(%arg0: i32) -> (i32, i32) {
    %c0_i32 = arith.constant 0 : i32
    %c0_i32_0 = arith.constant 0 : i32
    %c0_i32_1 = arith.constant 0 : i32
    return %c0_i32, %c0_i32_0 : i32, i32
  }
  func.func @transform_4(%arg0: i32) -> (i32, i32) {
    %c0_i32 = arith.constant 0 : i32
    %c0_i32_0 = arith.constant 0 : i32
    %c0_i32_1 = arith.constant 0 : i32
    return %c0_i32, %c0_i32_0 : i32, i32
  }
}

module attributes {stable_mosaic.version = 14 : i64} {
  func.func @_k3_body(%arg0: i32, %arg1: memref<256x1024xbf16, #tpu.memory_space<vmem>>, %arg2: memref<1024x1024xbf16, #tpu.memory_space<vmem>>, %arg3: memref<256x1024xf32, #tpu.memory_space<vmem>>, %arg4: memref<1x1024xf32, #tpu.memory_space<vmem>>, %arg5: memref<1024x128xf32, #tpu.memory_space<vmem>>, %arg6: memref<256x128xi32, #tpu.memory_space<vmem>>, %arg7: memref<256x128xf32, #tpu.memory_space<vmem>>, %arg8: memref<256x1024xf32, #tpu.memory_space<vmem>>, %arg9: memref<256x1024xbf16, #tpu.memory_space<vmem>>, %arg10: memref<256x1024xf32, #tpu.memory_space<vmem>>, %arg11: memref<256x128xf32, #tpu.memory_space<vmem>>) attributes {dimension_semantics = [#tpu.dimension_semantics<arbitrary>], iteration_bounds = array<i64: 8>, scalar_prefetch = 0 : i64, scratch_operands = 0 : i64, tpu.core_type = #tpu.core_type<tc>, window_params = [{transform_indices = @transform_0, window_bounds = array<i64: 256, 1024>}, {pipeline_mode = #tpu.pipeline_mode<synchronous>, transform_indices = @transform_1, window_bounds = array<i64: 1024, 1024>}, {transform_indices = @transform_2, window_bounds = array<i64: 256, 1024>}, {pipeline_mode = #tpu.pipeline_mode<synchronous>, transform_indices = @transform_3, window_bounds = array<i64: 1, 1024>}, {pipeline_mode = #tpu.pipeline_mode<synchronous>, transform_indices = @transform_4, window_bounds = array<i64: 1024, 128>}, {transform_indices = @transform_5, window_bounds = array<i64: 256, 128>}, {transform_indices = @transform_6, window_bounds = array<i64: 256, 128>}, {transform_indices = @transform_7, window_bounds = array<i64: 256, 1024>}, {transform_indices = @transform_8, window_bounds = array<i64: 256, 1024>}, {transform_indices = @transform_9, window_bounds = array<i64: 256, 1024>}, {transform_indices = @transform_10, window_bounds = array<i64: 256, 128>}]} {
    %get3A = arith.constant 0 : index
    %get3A_0 = arith.constant 0 : index
    %get3A_1 = vector.load %arg1[%get3A, %get3A_0] : memref<256x1024xbf16, #tpu.memory_space<vmem>>, vector<256x1024xbf16>
    %get3A_2 = arith.constant 0 : index
    %get3A_3 = arith.constant 0 : index
    %get3A_4 = vector.load %arg2[%get3A_2, %get3A_3] : memref<1024x1024xbf16, #tpu.memory_space<vmem>>, vector<1024x1024xbf16>
    %dot_general3A = arith.constant dense<0.000000e+00> : vector<256x1024xf32>
    %dot_general3A_5 = tpu.matmul %get3A_1, %get3A_4, %dot_general3A {dimension_numbers = #tpu.dot_dimension_numbers<[1], [0], [0], [1], [0, 0, 1, 1], [], []>, transpose_lhs_hint = false} : vector<256x1024xbf16>, vector<1024x1024xbf16>, vector<256x1024xf32> -> vector<256x1024xf32>
    %get3A_6 = arith.constant 0 : index
    %get3A_7 = arith.constant 0 : index
    %get3A_8 = vector.load %arg3[%get3A_6, %get3A_7] : memref<256x1024xf32, #tpu.memory_space<vmem>>, vector<256x1024xf32>
    %add3A = arith.addf %dot_general3A_5, %get3A_8 : vector<256x1024xf32>
    %swap3A = arith.constant 0 : index
    %swap3A_9 = arith.constant 0 : index
    %swap3A_10 = vector.load %arg8[%swap3A, %swap3A_9] : memref<256x1024xf32, #tpu.memory_space<vmem>>, vector<256x1024xf32>
    tpu.vector_store %arg8[%swap3A, %swap3A_9], %add3A {strides = array<i32>} : memref<256x1024xf32, #tpu.memory_space<vmem>>, vector<256x1024xf32>,
    %mul3A = arith.mulf %add3A, %add3A : vector<256x1024xf32>
    %reduce_sum3A = arith.constant dense<0.000000e+00> : vector<256xf32>
    %reduce_sum3A_11 = vector.multi_reduction <add>, %mul3A, %reduce_sum3A [1] : vector<256x1024xf32> to vector<256xf32>
    %broadcast_in_dim3A = vector.shape_cast %reduce_sum3A_11 : vector<256xf32> to vector<256x1xf32>
    %div3A = arith.constant 1.024000e+03 : f32
    %div3A_12 = vector.broadcast %div3A : f32 to vector<256x1xf32>
    %div3A_13 = arith.divf %broadcast_in_dim3A, %div3A_12 : vector<256x1xf32>
    %add3A_14 = arith.constant 9.99999974E-6 : f32
    %add3A_15 = vector.broadcast %add3A_14 : f32 to vector<256x1xf32>
    %add3A_16 = arith.addf %div3A_13, %add3A_15 : vector<256x1xf32>
    %rsqrt3A = math.rsqrt %add3A_16 : vector<256x1xf32>
    %mul3A_17 = vector.broadcast %rsqrt3A : vector<256x1xf32> to vector<256x1024xf32>
    %mul3A_18 = arith.mulf %add3A, %mul3A_17 : vector<256x1024xf32>
    %get3A_19 = arith.constant 0 : index
    %get3A_20 = arith.constant 0 : index
    %get3A_21 = vector.load %arg4[%get3A_19, %get3A_20] : memref<1x1024xf32, #tpu.memory_space<vmem>>, vector<1x1024xf32>
    %mul3A_22 = vector.broadcast %get3A_21 : vector<1x1024xf32> to vector<256x1024xf32>
    %mul3A_23 = arith.mulf %mul3A_18, %mul3A_22 : vector<256x1024xf32>
    %convert_element_type3A = arith.truncf %mul3A_23 : vector<256x1024xf32> to vector<256x1024xbf16>
    %swap3A_24 = arith.constant 0 : index
    %swap3A_25 = arith.constant 0 : index
    %swap3A_26 = vector.load %arg9[%swap3A_24, %swap3A_25] : memref<256x1024xbf16, #tpu.memory_space<vmem>>, vector<256x1024xbf16>
    tpu.vector_store %arg9[%swap3A_24, %swap3A_25], %convert_element_type3A {strides = array<i32>} : memref<256x1024xbf16, #tpu.memory_space<vmem>>, vector<256x1024xbf16>,
    %swap3A_27 = arith.constant 0 : index
    %swap3A_28 = arith.constant 0 : index
    %swap3A_29 = vector.load %arg10[%swap3A_27, %swap3A_28] : memref<256x1024xf32, #tpu.memory_space<vmem>>, vector<256x1024xf32>
    tpu.vector_store %arg10[%swap3A_27, %swap3A_28], %mul3A_23 {strides = array<i32>} : memref<256x1024xf32, #tpu.memory_space<vmem>>, vector<256x1024xf32>,
    %get3A_30 = arith.constant 0 : index
    %get3A_31 = arith.constant 0 : index
    %get3A_32 = vector.load %arg5[%get3A_30, %get3A_31] : memref<1024x128xf32, #tpu.memory_space<vmem>>, vector<1024x128xf32>
    %dot_general3A_33 = arith.constant dense<0.000000e+00> : vector<256x128xf32>
    %dot_general3A_34 = tpu.matmul %mul3A_23, %get3A_32, %dot_general3A_33 {dimension_numbers = #tpu.dot_dimension_numbers<[1], [0], [0], [1], [0, 0, 1, 1], [], []>, transpose_lhs_hint = false} : vector<256x1024xf32>, vector<1024x128xf32>, vector<256x128xf32> -> vector<256x128xf32>
    %get3A_35 = arith.constant 0 : index
    %get3A_36 = arith.constant 0 : index
    %get3A_37 = vector.load %arg6[%get3A_35, %get3A_36] : memref<256x128xi32, #tpu.memory_space<vmem>>, vector<256x128xi32>
    %broadcast_in_dim3A_38 = arith.constant 0.000000e+00 : f32
    %broadcast_in_dim3A_39 = vector.broadcast %broadcast_in_dim3A_38 : f32 to vector<256x128xf32>
    %slice3A = vector.extract_strided_slice %dot_general3A_34 {offsets = [0, 0], sizes = [256, 1], strides = [1, 1]} : vector<256x128xf32> to vector<256x1xf32>
    %eq3A = arith.constant 0 : i32
    %eq3A_40 = vector.broadcast %eq3A : i32 to vector<256x128xi32>
    %eq3A_41 = arith.cmpi eq, %get3A_37, %eq3A_40 : vector<256x128xi32>
    %convert_element_type3A_42 = arith.extui %eq3A_41 : vector<256x128xi1> to vector<256x128xi32>
    %convert_element_type3A_43 = arith.sitofp %convert_element_type3A_42 : vector<256x128xi32> to vector<256x128xf32>
    %mul3A_44 = vector.broadcast %slice3A : vector<256x1xf32> to vector<256x128xf32>
    %mul3A_45 = arith.mulf %mul3A_44, %convert_element_type3A_43 : vector<256x128xf32>
    %add3A_46 = arith.addf %broadcast_in_dim3A_39, %mul3A_45 : vector<256x128xf32>
    %slice3A_47 = vector.extract_strided_slice %dot_general3A_34 {offsets = [0, 1], sizes = [256, 1], strides = [1, 1]} : vector<256x128xf32> to vector<256x1xf32>
    %eq3A_48 = arith.constant 1 : i32
    %eq3A_49 = vector.broadcast %eq3A_48 : i32 to vector<256x128xi32>
    %eq3A_50 = arith.cmpi eq, %get3A_37, %eq3A_49 : vector<256x128xi32>
    %convert_element_type3A_51 = arith.extui %eq3A_50 : vector<256x128xi1> to vector<256x128xi32>
    %convert_element_type3A_52 = arith.sitofp %convert_element_type3A_51 : vector<256x128xi32> to vector<256x128xf32>
    %mul3A_53 = vector.broadcast %slice3A_47 : vector<256x1xf32> to vector<256x128xf32>
    %mul3A_54 = arith.mulf %mul3A_53, %convert_element_type3A_52 : vector<256x128xf32>
    %add3A_55 = arith.addf %add3A_46, %mul3A_54 : vector<256x128xf32>
    %slice3A_56 = vector.extract_strided_slice %dot_general3A_34 {offsets = [0, 2], sizes = [256, 1], strides = [1, 1]} : vector<256x128xf32> to vector<256x1xf32>
    %eq3A_57 = arith.constant 2 : i32
    %eq3A_58 = vector.broadcast %eq3A_57 : i32 to vector<256x128xi32>
    %eq3A_59 = arith.cmpi eq, %get3A_37, %eq3A_58 : vector<256x128xi32>
    %convert_element_type3A_60 = arith.extui %eq3A_59 : vector<256x128xi1> to vector<256x128xi32>
    %convert_element_type3A_61 = arith.sitofp %convert_element_type3A_60 : vector<256x128xi32> to vector<256x128xf32>
    %mul3A_62 = vector.broadcast %slice3A_56 : vector<256x1xf32> to vector<256x128xf32>
    %mul3A_63 = arith.mulf %mul3A_62, %convert_element_type3A_61 : vector<256x128xf32>
    %add3A_64 = arith.addf %add3A_55, %mul3A_63 : vector<256x128xf32>
    %slice3A_65 = vector.extract_strided_slice %dot_general3A_34 {offsets = [0, 3], sizes = [256, 1], strides = [1, 1]} : vector<256x128xf32> to vector<256x1xf32>
    %eq3A_66 = arith.constant 3 : i32
    %eq3A_67 = vector.broadcast %eq3A_66 : i32 to vector<256x128xi32>
    %eq3A_68 = arith.cmpi eq, %get3A_37, %eq3A_67 : vector<256x128xi32>
    %convert_element_type3A_69 = arith.extui %eq3A_68 : vector<256x128xi1> to vector<256x128xi32>
    %convert_element_type3A_70 = arith.sitofp %convert_element_type3A_69 : vector<256x128xi32> to vector<256x128xf32>
    %mul3A_71 = vector.broadcast %slice3A_65 : vector<256x1xf32> to vector<256x128xf32>
    %mul3A_72 = arith.mulf %mul3A_71, %convert_element_type3A_70 : vector<256x128xf32>
    %add3A_73 = arith.addf %add3A_64, %mul3A_72 : vector<256x128xf32>
    %slice3A_74 = vector.extract_strided_slice %dot_general3A_34 {offsets = [0, 4], sizes = [256, 1], strides = [1, 1]} : vector<256x128xf32> to vector<256x1xf32>
    %eq3A_75 = arith.constant 4 : i32
    %eq3A_76 = vector.broadcast %eq3A_75 : i32 to vector<256x128xi32>
    %eq3A_77 = arith.cmpi eq, %get3A_37, %eq3A_76 : vector<256x128xi32>
    %convert_element_type3A_78 = arith.extui %eq3A_77 : vector<256x128xi1> to vector<256x128xi32>
    %convert_element_type3A_79 = arith.sitofp %convert_element_type3A_78 : vector<256x128xi32> to vector<256x128xf32>
    %mul3A_80 = vector.broadcast %slice3A_74 : vector<256x1xf32> to vector<256x128xf32>
    %mul3A_81 = arith.mulf %mul3A_80, %convert_element_type3A_79 : vector<256x128xf32>
    %add3A_82 = arith.addf %add3A_73, %mul3A_81 : vector<256x128xf32>
    %slice3A_83 = vector.extract_strided_slice %dot_general3A_34 {offsets = [0, 5], sizes = [256, 1], strides = [1, 1]} : vector<256x128xf32> to vector<256x1xf32>
    %eq3A_84 = arith.constant 5 : i32
    %eq3A_85 = vector.broadcast %eq3A_84 : i32 to vector<256x128xi32>
    %eq3A_86 = arith.cmpi eq, %get3A_37, %eq3A_85 : vector<256x128xi32>
    %convert_element_type3A_87 = arith.extui %eq3A_86 : vector<256x128xi1> to vector<256x128xi32>
    %convert_element_type3A_88 = arith.sitofp %convert_element_type3A_87 : vector<256x128xi32> to vector<256x128xf32>
    %mul3A_89 = vector.broadcast %slice3A_83 : vector<256x1xf32> to vector<256x128xf32>
    %mul3A_90 = arith.mulf %mul3A_89, %convert_element_type3A_88 : vector<256x128xf32>
    %add3A_91 = arith.addf %add3A_82, %mul3A_90 : vector<256x128xf32>
    %slice3A_92 = vector.extract_strided_slice %dot_general3A_34 {offsets = [0, 6], sizes = [256, 1], strides = [1, 1]} : vector<256x128xf32> to vector<256x1xf32>
    %eq3A_93 = arith.constant 6 : i32
    %eq3A_94 = vector.broadcast %eq3A_93 : i32 to vector<256x128xi32>
    %eq3A_95 = arith.cmpi eq, %get3A_37, %eq3A_94 : vector<256x128xi32>
    %convert_element_type3A_96 = arith.extui %eq3A_95 : vector<256x128xi1> to vector<256x128xi32>
    %convert_element_type3A_97 = arith.sitofp %convert_element_type3A_96 : vector<256x128xi32> to vector<256x128xf32>
    %mul3A_98 = vector.broadcast %slice3A_92 : vector<256x1xf32> to vector<256x128xf32>
    %mul3A_99 = arith.mulf %mul3A_98, %convert_element_type3A_97 : vector<256x128xf32>
    %add3A_100 = arith.addf %add3A_91, %mul3A_99 : vector<256x128xf32>
    %slice3A_101 = vector.extract_strided_slice %dot_general3A_34 {offsets = [0, 7], sizes = [256, 1], strides = [1, 1]} : vector<256x128xf32> to vector<256x1xf32>
    %eq3A_102 = arith.constant 7 : i32
    %eq3A_103 = vector.broadcast %eq3A_102 : i32 to vector<256x128xi32>
    %eq3A_104 = arith.cmpi eq, %get3A_37, %eq3A_103 : vector<256x128xi32>
    %convert_element_type3A_105 = arith.extui %eq3A_104 : vector<256x128xi1> to vector<256x128xi32>
    %convert_element_type3A_106 = arith.sitofp %convert_element_type3A_105 : vector<256x128xi32> to vector<256x128xf32>
    %mul3A_107 = vector.broadcast %slice3A_101 : vector<256x1xf32> to vector<256x128xf32>
    %mul3A_108 = arith.mulf %mul3A_107, %convert_element_type3A_106 : vector<256x128xf32>
    %add3A_109 = arith.addf %add3A_100, %mul3A_108 : vector<256x128xf32>
    %get3A_110 = arith.constant 0 : index
    %get3A_111 = arith.constant 0 : index
    %get3A_112 = vector.load %arg7[%get3A_110, %get3A_111] : memref<256x128xf32, #tpu.memory_space<vmem>>, vector<256x128xf32>
    %add3A_113 = arith.addf %get3A_112, %add3A_109 : vector<256x128xf32>
    %logistic3A = arith.negf %add3A_113 : vector<256x128xf32>
    %logistic3A_114 = math.exp %logistic3A : vector<256x128xf32>
    %logistic3A_115 = arith.constant 1.000000e+00 : f32
    %logistic3A_116 = vector.broadcast %logistic3A_115 : f32 to vector<256x128xf32>
    %logistic3A_117 = arith.addf %logistic3A_116, %logistic3A_114 : vector<256x128xf32>
    %logistic3A_118 = arith.divf %logistic3A_116, %logistic3A_117 : vector<256x128xf32>
    %mul3A_119 = arith.constant 1.000000e+00 : f32
    %mul3A_120 = vector.broadcast %mul3A_119 : f32 to vector<256x128xf32>
    %mul3A_121 = arith.mulf %logistic3A_118, %mul3A_120 : vector<256x128xf32>
    %swap3A_122 = arith.constant 0 : index
    %swap3A_123 = arith.constant 0 : index
    %swap3A_124 = vector.load %arg11[%swap3A_122, %swap3A_123] : memref<256x128xf32, #tpu.memory_space<vmem>>, vector<256x128xf32>
    tpu.vector_store %arg11[%swap3A_122, %swap3A_123], %mul3A_121 {strides = array<i32>} : memref<256x128xf32, #tpu.memory_space<vmem>>, vector<256x128xf32>,
    return
  }
  func.func @transform_0(%arg0: i32) -> (i32, i32) {
    %c0_i32 = arith.constant 0 : i32
    %c0_i32_0 = arith.constant 0 : i32
    return %arg0, %c0_i32 : i32, i32
  }
  func.func @transform_1(%arg0: i32) -> (i32, i32) {
    %c0_i32 = arith.constant 0 : i32
    %c0_i32_0 = arith.constant 0 : i32
    %c0_i32_1 = arith.constant 0 : i32
    return %c0_i32, %c0_i32_0 : i32, i32
  }
  func.func @transform_2(%arg0: i32) -> (i32, i32) {
    %c0_i32 = arith.constant 0 : i32
    %c0_i32_0 = arith.constant 0 : i32
    return %arg0, %c0_i32 : i32, i32
  }
  func.func @transform_3(%arg0: i32) -> (i32, i32) {
    %c0_i32 = arith.constant 0 : i32
    %c0_i32_0 = arith.constant 0 : i32
    %c0_i32_1 = arith.constant 0 : i32
    return %c0_i32, %c0_i32_0 : i32, i32
  }
  func.func @transform_4(%arg0: i32) -> (i32, i32) {
    %c0_i32 = arith.constant 0 : i32
    %c0_i32_0 = arith.constant 0 : i32
    %c0_i32_1 = arith.constant 0 : i32
    return %c0_i32, %c0_i32_0 : i32, i32
  }
  func.func @transform_5(%arg0: i32) -> (i32, i32) {
    %c0_i32 = arith.constant 0 : i32
    %c0_i32_0 = arith.constant 0 : i32
    return %arg0, %c0_i32 : i32, i32
  }
  func.func @transform_6(%arg0: i32) -> (i32, i32) {
    %c0_i32 = arith.constant 0 : i32
    %c0_i32_0 = arith.constant 0 : i32
    return %arg0, %c0_i32 : i32, i32
  }
  func.func @transform_7(%arg0: i32) -> (i32, i32) {
    %c0_i32 = arith.constant 0 : i32
    %c0_i32_0 = arith.constant 0 : i32
    return %arg0, %c0_i32 : i32, i32
  }
  func.func @transform_8(%arg0: i32) -> (i32, i32) {
    %c0_i32 = arith.constant 0 : i32
    %c0_i32_0 = arith.constant 0 : i32
    return %arg0, %c0_i32 : i32, i32
  }
  func.func @transform_9(%arg0: i32) -> (i32, i32) {
    %c0_i32 = arith.constant 0 : i32
    %c0_i32_0 = arith.constant 0 : i32
    return %arg0, %c0_i32 : i32, i32
  }
  func.func @transform_10(%arg0: i32) -> (i32, i32) {
    %c0_i32 = arith.constant 0 : i32
    %c0_i32_0 = arith.constant 0 : i32
    return %arg0, %c0_i32 : i32, i32
  }
}

module attributes {stable_mosaic.version = 14 : i64} {
  func.func @_gemm_body(%arg0: i32, %arg1: memref<24xi32, #tpu.memory_space<smem>>, %arg2: memref<256x1024xf32, #tpu.memory_space<vmem>>, %arg3: memref<1x1024x512xf32, #tpu.memory_space<vmem>>, %arg4: memref<1x1024x512xf32, #tpu.memory_space<vmem>>, %arg5: memref<1x1024x512xf32, #tpu.memory_space<vmem>>, %arg6: memref<256x1024xf32, #tpu.memory_space<vmem>>) attributes {dimension_semantics = [#tpu.dimension_semantics<arbitrary>], iteration_bounds = array<i64: 24>, scalar_prefetch = 1 : i64, scratch_operands = 0 : i64, tpu.core_type = #tpu.core_type<tc>, window_params = [{transform_indices = @transform_0, window_bounds = array<i64: 256, 1024>}, {transform_indices = @transform_1, window_bounds = array<i64: 1, 1024, 512>}, {transform_indices = @transform_2, window_bounds = array<i64: 1, 1024, 512>}, {transform_indices = @transform_3, window_bounds = array<i64: 1, 1024, 512>}, {transform_indices = @transform_4, window_bounds = array<i64: 256, 1024>}]} {
    %get3A = arith.constant 0 : index
    %get3A_0 = arith.constant 0 : index
    %get3A_1 = vector.load %arg2[%get3A, %get3A_0] : memref<256x1024xf32, #tpu.memory_space<vmem>>, vector<256x1024xf32>
    %convert_element_type3A = arith.truncf %get3A_1 : vector<256x1024xf32> to vector<256x1024xbf16>
    %get3A_2 = arith.constant 0 : index
    %get3A_3 = arith.constant 0 : index
    %get3A_4 = arith.constant 0 : index
    %get3A_5 = vector.load %arg3[%get3A_2, %get3A_3, %get3A_4] : memref<1x1024x512xf32, #tpu.memory_space<vmem>>, vector<1x1024x512xf32>
    %get3A_6 = vector.shape_cast %get3A_5 : vector<1x1024x512xf32> to vector<1024x512xf32>
    %convert_element_type3A_7 = arith.truncf %get3A_6 : vector<1024x512xf32> to vector<1024x512xbf16>
    %dot_general3A = arith.constant dense<0.000000e+00> : vector<256x512xf32>
    %dot_general3A_8 = tpu.matmul %convert_element_type3A, %convert_element_type3A_7, %dot_general3A {dimension_numbers = #tpu.dot_dimension_numbers<[1], [0], [0], [1], [0, 0, 1, 1], [], []>, transpose_lhs_hint = false} : vector<256x1024xbf16>, vector<1024x512xbf16>, vector<256x512xf32> -> vector<256x512xf32>
    %get3A_9 = arith.constant 0 : index
    %get3A_10 = arith.constant 0 : index
    %get3A_11 = arith.constant 0 : index
    %get3A_12 = vector.load %arg4[%get3A_9, %get3A_10, %get3A_11] : memref<1x1024x512xf32, #tpu.memory_space<vmem>>, vector<1x1024x512xf32>
    %get3A_13 = vector.shape_cast %get3A_12 : vector<1x1024x512xf32> to vector<1024x512xf32>
    %convert_element_type3A_14 = arith.truncf %get3A_13 : vector<1024x512xf32> to vector<1024x512xbf16>
    %dot_general3A_15 = arith.constant dense<0.000000e+00> : vector<256x512xf32>
    %dot_general3A_16 = tpu.matmul %convert_element_type3A, %convert_element_type3A_14, %dot_general3A_15 {dimension_numbers = #tpu.dot_dimension_numbers<[1], [0], [0], [1], [0, 0, 1, 1], [], []>, transpose_lhs_hint = false} : vector<256x1024xbf16>, vector<1024x512xbf16>, vector<256x512xf32> -> vector<256x512xf32>
    %logistic3A = arith.negf %dot_general3A_8 : vector<256x512xf32>
    %logistic3A_17 = math.exp %logistic3A : vector<256x512xf32>
    %logistic3A_18 = arith.constant 1.000000e+00 : f32
    %logistic3A_19 = vector.broadcast %logistic3A_18 : f32 to vector<256x512xf32>
    %logistic3A_20 = arith.addf %logistic3A_19, %logistic3A_17 : vector<256x512xf32>
    %logistic3A_21 = arith.divf %logistic3A_19, %logistic3A_20 : vector<256x512xf32>
    %mul3A = arith.mulf %dot_general3A_8, %logistic3A_21 : vector<256x512xf32>
    %mul3A_22 = arith.mulf %mul3A, %dot_general3A_16 : vector<256x512xf32>
    %convert_element_type3A_23 = arith.truncf %mul3A_22 : vector<256x512xf32> to vector<256x512xbf16>
    %get3A_24 = arith.constant 0 : index
    %get3A_25 = arith.constant 0 : index
    %get3A_26 = arith.constant 0 : index
    %get3A_27 = vector.load %arg5[%get3A_24, %get3A_25, %get3A_26] : memref<1x1024x512xf32, #tpu.memory_space<vmem>>, vector<1x1024x512xf32>
    %get3A_28 = vector.shape_cast %get3A_27 : vector<1x1024x512xf32> to vector<1024x512xf32>
    %convert_element_type3A_29 = arith.truncf %get3A_28 : vector<1024x512xf32> to vector<1024x512xbf16>
    %dot_general3A_30 = arith.constant dense<0.000000e+00> : vector<256x1024xf32>
    %dot_general3A_31 = tpu.matmul %convert_element_type3A_23, %convert_element_type3A_29, %dot_general3A_30 {dimension_numbers = #tpu.dot_dimension_numbers<[1], [1], [0], [0], [0, 0, 1, 0], [], []>, transpose_lhs_hint = false} : vector<256x512xbf16>, vector<1024x512xbf16>, vector<256x1024xf32> -> vector<256x1024xf32>
    %swap3A = arith.constant 0 : index
    %swap3A_32 = arith.constant 0 : index
    %swap3A_33 = vector.load %arg6[%swap3A, %swap3A_32] : memref<256x1024xf32, #tpu.memory_space<vmem>>, vector<256x1024xf32>
    tpu.vector_store %arg6[%swap3A, %swap3A_32], %dot_general3A_31 {strides = array<i32>} : memref<256x1024xf32, #tpu.memory_space<vmem>>, vector<256x1024xf32>,
    return
  }
  func.func @transform_0(%arg0: i32, %arg1: memref<24xi32, #tpu.memory_space<smem>>) -> (i32, i32) {
    %c0_i32 = arith.constant 0 : i32
    %c0_i32_0 = arith.constant 0 : i32
    return %arg0, %c0_i32 : i32, i32
  }
  func.func @transform_1(%arg0: i32, %arg1: memref<24xi32, #tpu.memory_space<smem>>) -> (i32, i32, i32) {
    %get3A = arith.index_cast %arg0 : i32 to index
    %get3A_0 = memref.load %arg1[%get3A] : memref<24xi32, #tpu.memory_space<smem>>
    %c0_i32 = arith.constant 0 : i32
    %c0_i32_1 = arith.constant 0 : i32
    %c0_i32_2 = arith.constant 0 : i32
    return %get3A_0, %c0_i32, %c0_i32_1 : i32, i32, i32
  }
  func.func @transform_2(%arg0: i32, %arg1: memref<24xi32, #tpu.memory_space<smem>>) -> (i32, i32, i32) {
    %get3A = arith.index_cast %arg0 : i32 to index
    %get3A_0 = memref.load %arg1[%get3A] : memref<24xi32, #tpu.memory_space<smem>>
    %c0_i32 = arith.constant 0 : i32
    %c0_i32_1 = arith.constant 0 : i32
    %c0_i32_2 = arith.constant 0 : i32
    return %get3A_0, %c0_i32, %c0_i32_1 : i32, i32, i32
  }
  func.func @transform_3(%arg0: i32, %arg1: memref<24xi32, #tpu.memory_space<smem>>) -> (i32, i32, i32) {
    %get3A = arith.index_cast %arg0 : i32 to index
    %get3A_0 = memref.load %arg1[%get3A] : memref<24xi32, #tpu.memory_space<smem>>
    %c0_i32 = arith.constant 0 : i32
    %c0_i32_1 = arith.constant 0 : i32
    %c0_i32_2 = arith.constant 0 : i32
    return %get3A_0, %c0_i32, %c0_i32_1 : i32, i32, i32
  }
  func.func @transform_4(%arg0: i32, %arg1: memref<24xi32, #tpu.memory_space<smem>>) -> (i32, i32) {
    %c0_i32 = arith.constant 0 : i32
    %c0_i32_0 = arith.constant 0 : i32
    return %arg0, %c0_i32 : i32, i32
  }
}

module attributes {stable_mosaic.version = 14 : i64} {
  func.func @_k5a_body(%arg0: i32, %arg1: memref<256x1024xbf16, #tpu.memory_space<vmem>>, %arg2: memref<1024x2048xbf16, #tpu.memory_space<vmem>>, %arg3: memref<1024x1024xbf16, #tpu.memory_space<vmem>>, %arg4: memref<256x1024xf32, #tpu.memory_space<vmem>>) attributes {dimension_semantics = [#tpu.dimension_semantics<arbitrary>], iteration_bounds = array<i64: 8>, scalar_prefetch = 0 : i64, scratch_operands = 0 : i64, tpu.core_type = #tpu.core_type<tc>, window_params = [{transform_indices = @transform_0, window_bounds = array<i64: 256, 1024>}, {pipeline_mode = #tpu.pipeline_mode<synchronous>, transform_indices = @transform_1, window_bounds = array<i64: 1024, 2048>}, {pipeline_mode = #tpu.pipeline_mode<synchronous>, transform_indices = @transform_2, window_bounds = array<i64: 1024, 1024>}, {transform_indices = @transform_3, window_bounds = array<i64: 256, 1024>}]} {
    %get3A = arith.constant 0 : index
    %get3A_0 = arith.constant 0 : index
    %get3A_1 = vector.load %arg1[%get3A, %get3A_0] : memref<256x1024xbf16, #tpu.memory_space<vmem>>, vector<256x1024xbf16>
    %get3A_2 = arith.constant 0 : index
    %get3A_3 = arith.constant 0 : index
    %get3A_4 = vector.load %arg2[%get3A_2, %get3A_3] : memref<1024x2048xbf16, #tpu.memory_space<vmem>>, vector<1024x2048xbf16>
    %dot_general3A = arith.constant dense<0.000000e+00> : vector<256x2048xf32>
    %dot_general3A_5 = tpu.matmul %get3A_1, %get3A_4, %dot_general3A {dimension_numbers = #tpu.dot_dimension_numbers<[1], [0], [0], [1], [0, 0, 1, 1], [], []>, transpose_lhs_hint = false} : vector<256x1024xbf16>, vector<1024x2048xbf16>, vector<256x2048xf32> -> vector<256x2048xf32>
    %slice3A = vector.extract_strided_slice %dot_general3A_5 {offsets = [0, 0], sizes = [256, 1024], strides = [1, 1]} : vector<256x2048xf32> to vector<256x1024xf32>
    %slice3A_6 = vector.extract_strided_slice %dot_general3A_5 {offsets = [0, 1024], sizes = [256, 1024], strides = [1, 1]} : vector<256x2048xf32> to vector<256x1024xf32>
    %logistic3A = arith.negf %slice3A : vector<256x1024xf32>
    %logistic3A_7 = math.exp %logistic3A : vector<256x1024xf32>
    %logistic3A_8 = arith.constant 1.000000e+00 : f32
    %logistic3A_9 = vector.broadcast %logistic3A_8 : f32 to vector<256x1024xf32>
    %logistic3A_10 = arith.addf %logistic3A_9, %logistic3A_7 : vector<256x1024xf32>
    %logistic3A_11 = arith.divf %logistic3A_9, %logistic3A_10 : vector<256x1024xf32>
    %mul3A = arith.mulf %slice3A, %logistic3A_11 : vector<256x1024xf32>
    %mul3A_12 = arith.mulf %mul3A, %slice3A_6 : vector<256x1024xf32>
    %convert_element_type3A = arith.truncf %mul3A_12 : vector<256x1024xf32> to vector<256x1024xbf16>
    %get3A_13 = arith.constant 0 : index
    %get3A_14 = arith.constant 0 : index
    %get3A_15 = vector.load %arg3[%get3A_13, %get3A_14] : memref<1024x1024xbf16, #tpu.memory_space<vmem>>, vector<1024x1024xbf16>
    %dot_general3A_16 = arith.constant dense<0.000000e+00> : vector<256x1024xf32>
    %dot_general3A_17 = tpu.matmul %convert_element_type3A, %get3A_15, %dot_general3A_16 {dimension_numbers = #tpu.dot_dimension_numbers<[1], [0], [0], [1], [0, 0, 1, 1], [], []>, transpose_lhs_hint = false} : vector<256x1024xbf16>, vector<1024x1024xbf16>, vector<256x1024xf32> -> vector<256x1024xf32>
    %swap3A = arith.constant 0 : index
    %swap3A_18 = arith.constant 0 : index
    %swap3A_19 = vector.load %arg4[%swap3A, %swap3A_18] : memref<256x1024xf32, #tpu.memory_space<vmem>>, vector<256x1024xf32>
    tpu.vector_store %arg4[%swap3A, %swap3A_18], %dot_general3A_17 {strides = array<i32>} : memref<256x1024xf32, #tpu.memory_space<vmem>>, vector<256x1024xf32>,
    return
  }
  func.func @transform_0(%arg0: i32) -> (i32, i32) {
    %c0_i32 = arith.constant 0 : i32
    %c0_i32_0 = arith.constant 0 : i32
    return %arg0, %c0_i32 : i32, i32
  }
  func.func @transform_1(%arg0: i32) -> (i32, i32) {
    %c0_i32 = arith.constant 0 : i32
    %c0_i32_0 = arith.constant 0 : i32
    %c0_i32_1 = arith.constant 0 : i32
    return %c0_i32, %c0_i32_0 : i32, i32
  }
  func.func @transform_2(%arg0: i32) -> (i32, i32) {
    %c0_i32 = arith.constant 0 : i32
    %c0_i32_0 = arith.constant 0 : i32
    %c0_i32_1 = arith.constant 0 : i32
    return %c0_i32, %c0_i32_0 : i32, i32
  }
  func.func @transform_3(%arg0: i32) -> (i32, i32) {
    %c0_i32 = arith.constant 0 : i32
    %c0_i32_0 = arith.constant 0 : i32
    return %arg0, %c0_i32 : i32, i32
  }
}

module attributes {stable_mosaic.version = 14 : i64} {
  func.func @_k5b_body(%arg0: i32, %arg1: memref<256x1024xf32, #tpu.memory_space<vmem>>, %arg2: memref<256x1024xf32, #tpu.memory_space<vmem>>, %arg3: memref<256x1024xf32, #tpu.memory_space<vmem>>, %arg4: memref<256x128xf32, #tpu.memory_space<vmem>>, %arg5: memref<256x1024xf32, #tpu.memory_space<vmem>>, %arg6: memref<256x1024xf32, #tpu.memory_space<vmem>>) attributes {dimension_semantics = [#tpu.dimension_semantics<arbitrary>], iteration_bounds = array<i64: 8>, scalar_prefetch = 0 : i64, scratch_operands = 0 : i64, tpu.core_type = #tpu.core_type<tc>, window_params = [{transform_indices = @transform_0, window_bounds = array<i64: 256, 1024>}, {transform_indices = @transform_1, window_bounds = array<i64: 256, 1024>}, {transform_indices = @transform_2, window_bounds = array<i64: 256, 1024>}, {transform_indices = @transform_3, window_bounds = array<i64: 256, 128>}, {transform_indices = @transform_4, window_bounds = array<i64: 256, 1024>}, {transform_indices = @transform_5, window_bounds = array<i64: 256, 1024>}]} {
    %get3A = arith.constant 0 : index
    %get3A_0 = arith.constant 0 : index
    %get3A_1 = vector.load %arg4[%get3A, %get3A_0] : memref<256x128xf32, #tpu.memory_space<vmem>>, vector<256x1xf32>
    %get3A_2 = arith.constant 0 : index
    %get3A_3 = arith.constant 1 : index
    %get3A_4 = vector.load %arg4[%get3A_2, %get3A_3] : memref<256x128xf32, #tpu.memory_space<vmem>>, vector<256x1xf32>
    %get3A_5 = arith.constant 0 : index
    %get3A_6 = arith.constant 0 : index
    %get3A_7 = vector.load %arg2[%get3A_5, %get3A_6] : memref<256x1024xf32, #tpu.memory_space<vmem>>, vector<256x1024xf32>
    %mul3A = vector.broadcast %get3A_1 : vector<256x1xf32> to vector<256x1024xf32>
    %mul3A_8 = arith.mulf %get3A_7, %mul3A : vector<256x1024xf32>
    %get3A_9 = arith.constant 0 : index
    %get3A_10 = arith.constant 0 : index
    %get3A_11 = vector.load %arg3[%get3A_9, %get3A_10] : memref<256x1024xf32, #tpu.memory_space<vmem>>, vector<256x1024xf32>
    %mul3A_12 = vector.broadcast %get3A_4 : vector<256x1xf32> to vector<256x1024xf32>
    %mul3A_13 = arith.mulf %get3A_11, %mul3A_12 : vector<256x1024xf32>
    %add3A = arith.addf %mul3A_8, %mul3A_13 : vector<256x1024xf32>
    %get3A_14 = arith.constant 0 : index
    %get3A_15 = arith.constant 0 : index
    %get3A_16 = vector.load %arg1[%get3A_14, %get3A_15] : memref<256x1024xf32, #tpu.memory_space<vmem>>, vector<256x1024xf32>
    %add3A_17 = arith.addf %get3A_16, %add3A : vector<256x1024xf32>
    %get3A_18 = arith.constant 0 : index
    %get3A_19 = arith.constant 0 : index
    %get3A_20 = vector.load %arg5[%get3A_18, %get3A_19] : memref<256x1024xf32, #tpu.memory_space<vmem>>, vector<256x1024xf32>
    %add3A_21 = arith.addf %add3A_17, %get3A_20 : vector<256x1024xf32>
    %swap3A = arith.constant 0 : index
    %swap3A_22 = arith.constant 0 : index
    %swap3A_23 = vector.load %arg6[%swap3A, %swap3A_22] : memref<256x1024xf32, #tpu.memory_space<vmem>>, vector<256x1024xf32>
    tpu.vector_store %arg6[%swap3A, %swap3A_22], %add3A_21 {strides = array<i32>} : memref<256x1024xf32, #tpu.memory_space<vmem>>, vector<256x1024xf32>,
    return
  }
  func.func @transform_0(%arg0: i32) -> (i32, i32) {
    %c0_i32 = arith.constant 0 : i32
    %c0_i32_0 = arith.constant 0 : i32
    return %arg0, %c0_i32 : i32, i32
  }
  func.func @transform_1(%arg0: i32) -> (i32, i32) {
    %c0_i32 = arith.constant 0 : i32
    %c0_i32_0 = arith.constant 0 : i32
    return %arg0, %c0_i32 : i32, i32
  }
  func.func @transform_2(%arg0: i32) -> (i32, i32) {
    %c0_i32 = arith.constant 0 : i32
    %c0_i32_0 = arith.constant 0 : i32
    return %arg0, %c0_i32 : i32, i32
  }
  func.func @transform_3(%arg0: i32) -> (i32, i32) {
    %c0_i32 = arith.constant 0 : i32
    %c0_i32_0 = arith.constant 0 : i32
    return %arg0, %c0_i32 : i32, i32
  }
  func.func @transform_4(%arg0: i32) -> (i32, i32) {
    %c0_i32 = arith.constant 0 : i32
    %c0_i32_0 = arith.constant 0 : i32
    return %arg0, %c0_i32 : i32, i32
  }
  func.func @transform_5(%arg0: i32) -> (i32, i32) {
    %c0_i32 = arith.constant 0 : i32
    %c0_i32_0 = arith.constant 0 : i32
    return %arg0, %c0_i32 : i32, i32
  }
}

</mosaic_0001>

<sc_bundles>
// kernel: kernel.12.cloned.1.call-start
scs
__scs_entry_jumppad:
0x0: {  	(pc) =	sbr.rel $0x88, $3  }
0x1: {  	(tag) =	ssettag $0x0;
	lr =	simm.s32 $0x1  }
0x2: {  	[smem:$0x3F96] =	sst lr;
	_ =	strace $0xD0000000  }
0x3: {  	_ = 	snop  }
0x4: {  	_ = 	snop  }
0x5: {  	_ = 	snop  }
0x6: {  	_ = 	snop  }
0x7: {  	_ = 	snop  }
__scs_overlays_trampoline_lowered:
0x8: {  	[smem:$0x3FA5] =	sst s0  }
0x9: {  	[smem:$0x3FA6] =	sst s1  }
0xa: {  	[smem:$0x3FA7] =	sst s2  }
0xb: {  	[smem:$0x3FA8] =	sst s3  }
0xc: {  	[smem:$0x3FA9] =	sst s4  }
0xd: {  	[smem:$0x3FAA] =	sst s5  }
0xe: {  	[smem:$0x3FAB] =	sst s6  }
0xf: {  	[smem:$0x3FAC] =	sst s7  }
0x10: {  	[smem:$0x3FAD] =	sst s8  }
0x11: {  	[smem:$0x3FAE] =	sst s9;
	s0 =	simm.s32 @!p0 $0x0  }
0x12: {  	s1 =	sld [smem:$0x3F94];
	s0 =	simm.s32 @p0 $0x1  }
0x13: {  	[smem:$0x3FAF] =	sst s0;
	s0 =	simm.s32 @!p1 $0x0  }
0x14: {  	s2 =	sld [smem:$0x3F93];
	s0 =	simm.s32 @p1 $0x1  }
0x15: {  	[smem:$0x3FB0] =	sst s0;
	s0 =	simm.s32 @!p2 $0x0  }
0x16: {  	s3 =	sld [smem:$0x3FDB];
	s0 =	simm.s32 @p2 $0x1  }
0x17: {  	s4 =	simm.s32 $0x1BF5;
	[smem:$0x3FB2] =	sst s0  }
0x18: {  	s0 =	sld [smem:$0x3F95];
	_ =	swait.ge [sflag:s4], $0x0  }
0x19: {  	s7 =	sld [smem:$0x3F96]  }
0x1a: {  	s8 =	sadd.s32 $0xFFFFE003, lr  }
0x1b: {  	s9 =	sadd.s32 $0xFFFFFEF7, lr;
	s5 =	simm.s32 $0xFFFFFFFF;
	p2 =	slt.u32 s8, $0xFFFFF086  }
0x1c: {  	p1 =	slt.u32 s9, $0xF7A;
	s5 =	simm.s32 @!p2 $0x0  }
0x1d: {  	s5 =	simm.s32 @p1 $0x1;
	p0 =	seq.s32 s7, s2  }
0x1e: {  	s7 =	smul.u32 @!p0 $0xF7A, s2;
	p2 =	seq.s32 @!p0 s5, $0x0  }
0x1f: {  	s9 =	smul.u32 $0xF7A, s1;
	s8 =	simm.s32 @!p0 $0x1BF5;
	p2 =	por !p2, p0  }
0x20: {  	[sflag:s8] =	ssyncset.s32 @!p0 $0xFFFFF086;
	s6 =	sadd.s32 @!p0 s3, s7;
	s7 =	simm.s32 @!p0 $0x108  }
0x21: {  	s3 =	sadd.s32 s3, s9;
	s6 =	sadd.s32 @!p0 $0x88, s6;
	s7 =	simm.s32 @p2 $0x1082  }
0x22: {  	[simem:s7], [sflag:s8] =	dma.local @!p0 [hbm:s6], $0xF7A  }
0x23: {  	s9 =	sor.u32 $0xD0000000, s2;
	s6 =	simm.s32 $0x108;
	_ =	swait.ge @!p0 [sflag:s8], $0x0  }
0x24: {  	s3 =	sadd.s32 $0x88, s3;
	s6 =	simm.s32 @!p1 $0x1082;
	[sflag:s4] =	ssyncset.s32 $0xFFFFF086  }
0x25: {  	[simem:s6], [sflag:s4] =	dma.local [hbm:s3], $0xF7A  }
0x26: {  	[smem:$0x3F96] =	sst s1;
	(tag) =	ssettag s2;
	_ =	strace s9  }
0x27: {  	s1 =	sld [smem:$0x3FA6]  }
0x28: {  	s2 =	sld [smem:$0x3FA7]  }
0x29: {  	s4 =	sld [smem:$0x3FA9]  }
0x2a: {  	p0 =	seq.s32 s5, $0x0;
	s5 =	sld [smem:$0x3FAA]  }
0x2b: {  	s6 =	sld [smem:$0x3FAB]  }
0x2c: {  	s7 =	sld [smem:$0x3FAC]  }
0x2d: {  	s3 =	simm.s32 $0x108;
	s8 =	sld [smem:$0x3FAD]  }
0x2e: {  	s3 =	simm.s32 @!p0 $0x1082;
	s9 =	sld [smem:$0x3FAE]  }
0x2f: {  	lr =	sadd.s32 s0, s3;
	s0 =	sld [smem:$0x3FA5]  }
0x30: {  	s3 =	sld [smem:$0x3FA8]  }
0x31: {  	[smem:$0x3FB1] =	sst s10  }
0x32: {  	s10 =	sld [smem:$0x3FAF];
	_ =	sdelay $0x3  }
0x33: {  	p0 =	seq.s32 s10, $0x1;
	s10 =	sld [smem:$0x3FB1];
	_ =	sdelay $0x3  }
0x34: {  	[smem:$0x3FB1] =	sst s10  }
0x35: {  	s10 =	sld [smem:$0x3FB0];
	_ =	sdelay $0x3  }
0x36: {  	p1 =	seq.s32 s10, $0x1;
	s10 =	sld [smem:$0x3FB1];
	_ =	sdelay $0x3  }
0x37: {  	[smem:$0x3FB1] =	sst s10  }
0x38: {  	s10 =	sld [smem:$0x3FB2]  }
0x39: {  	_ = 	snop;
	(pc) =	sbr.ind lr, $3  }
0x3a: {  	_ = 	snop  }
0x3b: {  	_ = 	snop  }
0x3c: {  	p2 =	seq.s32 s10, $0x1;
	s10 =	sld [smem:$0x3FB1]  }
0x3d: {  	_ =	shalt  }
0x3e: {  	_ =	shalt  }
0x3f: {  	_ =	shalt  }
0x40: {  	_ =	shalt  }
0x41: {  	_ =	shalt  }
0x42: {  	_ =	shalt  }
0x43: {  	_ =	shalt  }
0x44: {  	_ =	shalt  }
0x45: {  	_ =	shalt  }
0x46: {  	_ =	shalt  }
0x47: {  	_ =	shalt  }
0x48: {  	_ =	shalt  }
0x49: {  	_ =	shalt  }
0x4a: {  	_ =	shalt  }
0x4b: {  	_ =	shalt  }
0x4c: {  	_ =	shalt  }
0x4d: {  	_ =	shalt  }
0x4e: {  	_ =	shalt  }
0x4f: {  	_ =	shalt  }
0x50: {  	_ =	shalt  }
0x51: {  	_ =	shalt  }
0x52: {  	_ =	shalt  }
0x53: {  	_ =	shalt  }
0x54: {  	_ =	shalt  }
0x55: {  	_ =	shalt  }
0x56: {  	_ =	shalt  }
0x57: {  	_ =	shalt  }
0x58: {  	_ =	shalt  }
0x59: {  	_ =	shalt  }
0x5a: {  	_ =	shalt  }
0x5b: {  	_ =	shalt  }
0x5c: {  	_ =	shalt  }
0x5d: {  	_ =	shalt  }
0x5e: {  	_ =	shalt  }
0x5f: {  	_ =	shalt  }
0x60: {  	_ =	shalt  }
0x61: {  	_ =	shalt  }
0x62: {  	_ =	shalt  }
0x63: {  	_ =	shalt  }
0x64: {  	_ =	shalt  }
0x65: {  	_ =	shalt  }
0x66: {  	_ =	shalt  }
0x67: {  	_ =	shalt  }
0x68: {  	_ =	shalt  }
0x69: {  	_ =	shalt  }
0x6a: {  	_ =	shalt  }
0x6b: {  	_ =	shalt  }
0x6c: {  	_ =	shalt  }
0x6d: {  	_ =	shalt  }
0x6e: {  	_ =	shalt  }
0x6f: {  	_ =	shalt  }
0x70: {  	_ =	shalt  }
0x71: {  	_ =	shalt  }
0x72: {  	_ =	shalt  }
0x73: {  	_ =	shalt  }
0x74: {  	_ =	shalt  }
0x75: {  	_ =	shalt  }
0x76: {  	_ =	shalt  }
0x77: {  	_ =	shalt  }
0x78: {  	_ =	shalt  }
0x79: {  	_ =	shalt  }
0x7a: {  	_ =	shalt  }
0x7b: {  	_ =	shalt  }
0x7c: {  	_ =	shalt  }
0x7d: {  	_ =	shalt  }
0x7e: {  	_ =	shalt  }
0x7f: {  	_ =	shalt  }
0x80: {  	_ =	shalt  }
0x81: {  	_ =	shalt  }
0x82: {  	_ =	shalt  }
0x83: {  	_ =	shalt  }
0x84: {  	_ =	shalt  }
0x85: {  	_ =	shalt  }
0x86: {  	_ =	shalt  }
0x87: {  	_ =	shalt  }
.Lfunc_end0:
.L_simem_size_0:
called_computation_lowered:
.L_overlay_start_0:
0x88: {  	s2 =	sld [smem:$0x3FD9]  }
0x89: {  	s3 =	sld [smem:$0x3FFE];
	_ =	sdelay $0x1  }
0x8a: {  	s1 =	srdreg.scid  }
0x8b: {  	s0 =	sand.u32 $0x1, s1  }
0x8c: {  	s17 =	sshll.u32 s0, $0xA;
	s2 =	sadd.s32 s3, s2  }
0x8d: {  	s2 =	sadd.s32 s2, s17  }
0x8e: {  	[smem:$0x3FBD] =	sst s2  }
0x8f: {  	_ = 	snop  }
0x90: {  	s2 =	sld [smem:$0x3FD0];
	(tm) =	ssettm $0x1  }
0x91: {  	s18 =	sld [smem:$0x3FFB];
	_ =	sdelay $0x3  }
0x92: {  	_ =	strace s18  }
0x93: {  	s3 =	sld [smem:$0x3FFC];
	_ =	sdelay $0x3  }
0x94: {  	_ =	strace s3  }
0x95: {  	s3 =	sld [smem:$0x3FFD];
	_ =	sdelay $0x3  }
0x96: {  	_ =	strace s3  }
0x97: {  	_ =	strace $0x8FFFFFFF  }
0x98: {  	s19 =	sld [smem:$0x3FDB];
	_ =	sdelay $0x1  }
0x99: {  	s4 =	simm.s32 $_scs_section_size  }
0x9a: {  	s5 =	simm.s32 $_size__tile_overlayer_lowered;
	s6 =	simm.s32 $_tile_overlayer_lowered  }
0x9b: {  	s22 =	simm.s32 $0x1BFF;
	s21 =	sshll.u32 s6, $0x1;
	s3 =	sadd.s32 s4, s19  }
0x9c: {  	s7 =	simm.s32 $0x0;
	s20 =	sshll.u32 s5, $0x1;
	s5 =	sadd.s32 s21, s3  }
0x9d: {  	[timem:s7], [sflag:s22] =	dma.local [hbm:s5], s20  }
0x9e: {  	_ =	swait.ge [sflag:s22], s20  }
0x9f: {  	s4 =	ssub.s32 $0x0, s20;
	[sflag:s22] =	ssyncset.done $0x0  }
0xa0: {  	[sflag:s22] =	ssyncadd.s32 s4;
	_ =	sdelay $0x1  }
0xa1: {  	s23 =	simm.s32 $0x1B8B  }
0xa2: {  	_ =	swait.ge [sflag:s23], $0x1  }
0xa3: {  	[sflag:s23] =	ssyncset.done $0x0  }
0xa4: {  	s25 =	simm.s32 $0x1B8E;
	s24 =	sld [smem:$0x3FFE];
	[sflag:s23] =	ssyncadd.s32 $0xFFFFFFFF  }
0xa5: {  	s26 =	simm.s32 $execute0_lowered;
	[smem:$0x3FD2] =	sst s25  }
0xa6: {  	s5 =	sshll.u32 s26, $0x1;
	_ =	strace $0x80000046;
	[dreg:$0x1] =	wrdreg $0xFFFFFFFF  }
0xa7: {  	s28 =	simm.s32 $_size_execute0_lowered;
	s3 =	sadd.s32 s3, s5;
	[dreg:$0x0] =	wrdreg $0x0  }
0xa8: {  	s5 =	sshll.u32 s28, $0x1;
	[dreg:$0x2] =	wrdreg s3  }
0xa9: {  	[dreg:$0x3] =	wrdreg s5  }
0xaa: {  	[dreg:$0x4] =	wrdreg $0xC0  }
0xab: {  	_ =	task [dreg:s7], $0x5FFFF  }
0xac: {  	[dreg:$0x1] =	wrdreg $0xFFFFFFFF  }
0xad: {  	[dreg:$0x0] =	wrdreg $0x60  }
0xae: {  	[dreg:$0x2] =	wrdreg s24  }
0xaf: {  	[dreg:$0x3] =	wrdreg s2  }
0xb0: {  	[dreg:$0x4] =	wrdreg $0x9  }
0xb1: {  	_ =	task.clear_ibuf [dreg:s7], $0x5FFFF;
	_ =	strace $0x90000046  }
0xb2: {  	s29 =	simm.s32 $0x9;
	_ =	strace $0x80000048  }
0xb3: {  	_ =	swait.ge [sflag:s29], $0x1  }
0xb4: {  	[sflag:s29] =	ssyncadd.s32 $0xFFFFFFFF  }
0xb5: {  	_ =	strace $0x90000048  }
0xb6: {  	_ =	sfence  }
0xb7: {  	s30 =	sld [smem:$0x0];
	_ =	sdelay $0x2  }
0xb8: {  	s31 =	sshll.u32 s1, $0xD;
	s1 =	sshrl.u32 s1, $0x2  }
0xb9: {  	s3 =	sand.u32 $0x4000, s31;
	s1 =	sadd.s32 s1, s30  }
0xba: {  	s0 =	sor.u32 s3, s0;
	s1 =	sshll.u32 s1, $0x11  }
0xbb: {  	s0 =	sor.u32 s1, s0  }
0xbc: {  	s0 =	sadd.s32 $0x8F2B, s0  }
0xbd: {  	[sflag:s0] =	ssyncadd.remote.s32 $0x1  }
0xbe: {  	_ =	sfence.sel $0xFFFF  }
0xbf: {  	[dreg:$0x0] =	wrdreg $0xFFFFFFFF;
	(pc) =	sbr.abs _section_cstart, $3  }
0xc0: {  	[dreg:$0x1] =	wrdreg $0xFFFFFFFF  }
0xc1: {  	_ =	task.clear_ibuf [dreg:s7], $0x2FFFF;
	_ =	strace $0x9FFFFFFF  }
0xc2: {  	(tm) =	ssettm $0x7FFFFFFF  }
0xc3: {  	_ =	shalt  }
tec
execute0_lowered:
.L_overlay_start_1:
0x0: {  	(tag) =	ssettag $0x1  }
0x1: {  	s0 =	rddreg [dreg:$0x0];
	s1 =	srdreg.scid  }
0x2: {  	s2 =	stileid.u32;
	s4 =	rddreg [dreg:$0x1];
	s26 =	simm.s32 $0x80  }
0x3: {  	s8 =	simm.s32 $0x2;
	s18 =	simm.s32 $0x100;
	s21 =	simm.s32 $0x1900  }
0x4: {  	s22 =	simm.s32 $0x2100;
	s23 =	simm.s32 $0x2900;
	s24 =	simm.s32 $0x3100  }
0x5: {  	s28 =	simm.s32 $0x4900;
	s29 =	simm.s32 $0x5100;
	s30 =	simm.s32 $0x5900  }
0x6: {  	s31 =	simm.s32 $0x6100;
	s10 =	simm.s32 $0x7900;
	s11 =	simm.s32 $0x8100  }
0x7: {  	s12 =	simm.s32 $0x8900;
	s13 =	simm.s32 $0x9100;
	s14 =	simm.s32 $0x9900  }
0x8: {  	s15 =	simm.s32 $0xA100;
	s16 =	simm.s32 $0xA900;
	s17 =	simm.s32 $0xB100  }
0x9: {  	s1 =	sand.u32 $0x1, s1;
	s3 =	sshll.u32 s2, $0x1;
	s2 =	simm.s32 $0x0  }
0xa: {  	s9 =	simm.s32 $0xB900;
	s5 =	sor.u32 s1, s3;
	[smem:$0x7FF] =	sst s2  }
0xb: {  	s1 =	ssub.s32 $0x2, s1;
	s3 =	sshll.u32 s5, $0x4;
	_ =	strace $0x80000047  }
0xc: {  	s5 =	sshll.u32 s5, $0xD;
	s25 =	sshrl.u32 s1, $0x1;
	[dreg:$0x6] =	wrdreg s26  }
0xd: {  	s26 =	simm.s32 $0x4100;
	s6 =	sadd.s32 s3, s0;
	s3 =	sadd.s32 $0x43800, s0  }
0xe: {  	s4 =	sadd.s32 s4, s5;
	s1 =	ssub.s32 s1, s25;
	s5 =	sadd.s32 $0x43A00, s0  }
0xf: {  	v2 =	vlaneseq.u32;
	s25 =	simm.s32 $0x3900;
	s7 =	sadd.s32 $0x3400, s6;
	[dreg:$0x5] =	wrdreg s4  }
0x10: {  	vm0 =	vmmov $0xffff;
	v1 =	vshrl.u32 v2, $0x3;
	s6 =	sadd.s32 $0x3600, s6;
	s4 =	sadd.s32 $0x43900, s0;
	[dreg:$0x3] =	wrdreg s7  }
0x11: {  	v0 =	vand.u32 $0x7, v2;
	v2 =	vor.u32 $0x8, v2;
	v1 =	vmul.u32 $0x8, v1;
	[dreg:$0x4] =	wrdreg s6;
	s6 =	sadd.s32 $0x43B00, s0;
	s7 =	smax.u32 s1, $0x1  }
.LBB2_1:
0x12: {  	s19 =	rddreg [dreg:$0x3]  }
0x13: {  	[tilespmem:s2], [sflag:$0x2] =	stream.linear.gather [hbm4b:s19+s2], $0x80, $0x38;
	[tilespmem:$0x10100] =	vst v63  }
0x14: {  	_ =	swait.ge [sflag:s8], $0x80  }
0x15: {  	s0 =	rddreg [dreg:$0x4];
	[sflag:s8] =	ssyncset.done $0x0  }
0x16: {  	s20 =	rddreg [dreg:$0x6];
	[sflag:s8] =	ssyncadd.s32 $0xFFFFFF80  }
0x17: {  	[tilespmem:s20], [sflag:$0x2] =	stream.linear.gather [hbm4b:s0+s2], $0x80, $0x38;
	[tilespmem:$0x10100] =	vst v63  }
0x18: {  	_ =	swait.ge [sflag:s8], $0x80  }
0x19: {  	[sflag:s8] =	ssyncset.done $0x0  }
0x1a: {  	s1 =	rddreg [dreg:$0x5];
	[sflag:s8] =	ssyncadd.s32 $0xFFFFFF80  }
0x1b: {  	[tilespmem:s18], [sflag:$0x2] =	stream.linear.gather [hbm4b:s1+s2], $0x10000, $0x38;
	[tilespmem:$0x10100] =	vst v63  }
0x1c: {  	_ =	swait.ge [sflag:s8], $0x10000  }
0x1d: {  	[sflag:s8] =	ssyncset.done $0x0  }
0x1e: {  	[sflag:s8] =	ssyncadd.s32 $0xFFFF0000  }
0x1f: {  	v3 =	vld [tilespmem:$0x0];
	_ =	sdelay $0x4  }
0x20: {  	v4 =	vshll.u32 v3, $0x3  }
0x21: {  	v3 =	vand.u32 $0x7, v3;
	v4 =	vand.u32 $0xFFFFFFC0, v4  }
0x22: {  	v3 =	vor.u32 v3, v4  }
0x23: {  	v4 =	vperm.xlane v3, v0;
	_ =	sdelay $0x1  }
0x24: {  	v4 =	vadd.s32 v1, v4;
	_ =	sdelay $0x4  }
0x25: {  	[hbm4b:s3+s2] =	stream.indirect_vreg.scatter [tilespmem:s18], [sflag:$0x1], $0x80, v4, vm0, $0xb8;
	[tilespmem:$0x10100] =	vst v63  }
0x26: {  	s19 =	simm.s32 $0x900;
	v3 =	vperm.xlane v3, v2  }
0x27: {  	[hbm4b:s4+s2] =	stream.indirect_vreg.scatter [tilespmem:s19], [sflag:$0x1], $0x80, v4, vm0, $0xb8;
	[tilespmem:$0x10100] =	vst v63  }
0x28: {  	s20 =	simm.s32 $0x1100;
	v3 =	vadd.s32 v1, v3  }
0x29: {  	[hbm4b:s5+s2] =	stream.indirect_vreg.scatter [tilespmem:s20], [sflag:$0x1], $0x80, v4, vm0, $0xb8;
	[tilespmem:$0x10100] =	vst v63  }
0x2a: {  	_ = 	snop  }
0x2b: {  	[hbm4b:s6+s2] =	stream.indirect_vreg.scatter [tilespmem:s21], [sflag:$0x1], $0x80, v4, vm0, $0xb8;
	[tilespmem:$0x10100] =	vst v63  }
0x2c: {  	_ = 	snop  }
0x2d: {  	[hbm4b:s3+s2] =	stream.indirect_vreg.scatter [tilespmem:s22], [sflag:$0x1], $0x80, v3, vm0, $0xb8;
	[tilespmem:$0x10100] =	vst v63  }
0x2e: {  	_ = 	snop  }
0x2f: {  	[hbm4b:s4+s2] =	stream.indirect_vreg.scatter [tilespmem:s23], [sflag:$0x1], $0x80, v3, vm0, $0xb8;
	[tilespmem:$0x10100] =	vst v63  }
0x30: {  	_ = 	snop  }
0x31: {  	[hbm4b:s5+s2] =	stream.indirect_vreg.scatter [tilespmem:s24], [sflag:$0x1], $0x80, v3, vm0, $0xb8;
	[tilespmem:$0x10100] =	vst v63  }
0x32: {  	_ = 	snop  }
0x33: {  	[hbm4b:s6+s2] =	stream.indirect_vreg.scatter [tilespmem:s25], [sflag:$0x1], $0x80, v3, vm0, $0xb8;
	[tilespmem:$0x10100] =	vst v63  }
0x34: {  	v3 =	vld [tilespmem:$0x10];
	_ =	sdelay $0x4  }
0x35: {  	v57 =	vshll.u32 v3, $0x3  }
0x36: {  	v3 =	vand.u32 $0x7, v3;
	v4 =	vand.u32 $0xFFFFFFC0, v57  }
0x37: {  	v3 =	vor.u32 v3, v4  }
0x38: {  	v4 =	vperm.xlane v3, v0;
	_ =	sdelay $0x1  }
0x39: {  	v4 =	vadd.s32 v1, v4;
	_ =	sdelay $0x4  }
0x3a: {  	[hbm4b:s3+s2] =	stream.indirect_vreg.scatter [tilespmem:s26], [sflag:$0x1], $0x80, v4, vm0, $0xb8;
	[tilespmem:$0x10100] =	vst v63  }
0x3b: {  	v3 =	vperm.xlane v3, v2  }
0x3c: {  	[hbm4b:s4+s2] =	stream.indirect_vreg.scatter [tilespmem:s28], [sflag:$0x1], $0x80, v4, vm0, $0xb8;
	[tilespmem:$0x10100] =	vst v63  }
0x3d: {  	v3 =	vadd.s32 v1, v3  }
0x3e: {  	[hbm4b:s5+s2] =	stream.indirect_vreg.scatter [tilespmem:s29], [sflag:$0x1], $0x80, v4, vm0, $0xb8;
	[tilespmem:$0x10100] =	vst v63  }
0x3f: {  	_ = 	snop  }
0x40: {  	[hbm4b:s6+s2] =	stream.indirect_vreg.scatter [tilespmem:s30], [sflag:$0x1], $0x80, v4, vm0, $0xb8;
	[tilespmem:$0x10100] =	vst v63  }
0x41: {  	_ = 	snop  }
0x42: {  	[hbm4b:s3+s2] =	stream.indirect_vreg.scatter [tilespmem:s31], [sflag:$0x1], $0x80, v3, vm0, $0xb8;
	[tilespmem:$0x10100] =	vst v63  }
0x43: {  	s1 =	simm.s32 $0x6900  }
0x44: {  	[hbm4b:s4+s2] =	stream.indirect_vreg.scatter [tilespmem:s1], [sflag:$0x1], $0x80, v3, vm0, $0xb8;
	[tilespmem:$0x10100] =	vst v63  }
0x45: {  	s0 =	simm.s32 $0x7100  }
0x46: {  	[hbm4b:s5+s2] =	stream.indirect_vreg.scatter [tilespmem:s0], [sflag:$0x1], $0x80, v3, vm0, $0xb8;
	[tilespmem:$0x10100] =	vst v63  }
0x47: {  	_ = 	snop  }
0x48: {  	[hbm4b:s6+s2] =	stream.indirect_vreg.scatter [tilespmem:s10], [sflag:$0x1], $0x80, v3, vm0, $0xb8;
	[tilespmem:$0x10100] =	vst v63  }
0x49: {  	v3 =	vld [tilespmem:$0x20];
	_ =	sdelay $0x4  }
0x4a: {  	v58 =	vshll.u32 v3, $0x3  }
0x4b: {  	v3 =	vand.u32 $0x7, v3;
	v4 =	vand.u32 $0xFFFFFFC0, v58  }
0x4c: {  	v3 =	vor.u32 v3, v4  }
0x4d: {  	v4 =	vperm.xlane v3, v0;
	_ =	sdelay $0x1  }
0x4e: {  	v4 =	vadd.s32 v1, v4;
	_ =	sdelay $0x4  }
0x4f: {  	[hbm4b:s3+s2] =	stream.indirect_vreg.scatter [tilespmem:s11], [sflag:$0x1], $0x80, v4, vm0, $0xb8;
	[tilespmem:$0x10100] =	vst v63  }
0x50: {  	v3 =	vperm.xlane v3, v2  }
0x51: {  	[hbm4b:s4+s2] =	stream.indirect_vreg.scatter [tilespmem:s12], [sflag:$0x1], $0x80, v4, vm0, $0xb8;
	[tilespmem:$0x10100] =	vst v63  }
0x52: {  	v3 =	vadd.s32 v1, v3  }
0x53: {  	[hbm4b:s5+s2] =	stream.indirect_vreg.scatter [tilespmem:s13], [sflag:$0x1], $0x80, v4, vm0, $0xb8;
	[tilespmem:$0x10100] =	vst v63  }
0x54: {  	_ = 	snop  }
0x55: {  	[hbm4b:s6+s2] =	stream.indirect_vreg.scatter [tilespmem:s14], [sflag:$0x1], $0x80, v4, vm0, $0xb8;
	[tilespmem:$0x10100] =	vst v63  }
0x56: {  	_ = 	snop  }
0x57: {  	[hbm4b:s3+s2] =	stream.indirect_vreg.scatter [tilespmem:s15], [sflag:$0x1], $0x80, v3, vm0, $0xb8;
	[tilespmem:$0x10100] =	vst v63  }
0x58: {  	_ = 	snop  }
0x59: {  	[hbm4b:s4+s2] =	stream.indirect_vreg.scatter [tilespmem:s16], [sflag:$0x1], $0x80, v3, vm0, $0xb8;
	[tilespmem:$0x10100] =	vst v63  }
0x5a: {  	_ = 	snop  }
0x5b: {  	[hbm4b:s5+s2] =	stream.indirect_vreg.scatter [tilespmem:s17], [sflag:$0x1], $0x80, v3, vm0, $0xb8;
	[tilespmem:$0x10100] =	vst v63  }
0x5c: {  	_ = 	snop  }
0x5d: {  	[hbm4b:s6+s2] =	stream.indirect_vreg.scatter [tilespmem:s9], [sflag:$0x1], $0x80, v3, vm0, $0xb8;
	[tilespmem:$0x10100] =	vst v63  }
0x5e: {  	v3 =	vld [tilespmem:$0x30];
	_ =	sdelay $0x4  }
0x5f: {  	v59 =	vshll.u32 v3, $0x3  }
0x60: {  	v3 =	vand.u32 $0x7, v3;
	v4 =	vand.u32 $0xFFFFFFC0, v59  }
0x61: {  	v3 =	vor.u32 v3, v4  }
0x62: {  	v4 =	vperm.xlane v3, v0;
	_ =	sdelay $0x1  }
0x63: {  	v4 =	vadd.s32 v1, v4;
	_ =	sdelay $0x3  }
0x64: {  	s0 =	simm.s32 $0xC100  }
0x65: {  	[hbm4b:s3+s2] =	stream.indirect_vreg.scatter [tilespmem:s0], [sflag:$0x1], $0x80, v4, vm0, $0xb8;
	[tilespmem:$0x10100] =	vst v63  }
0x66: {  	v3 =	vperm.xlane v3, v2;
	s0 =	simm.s32 $0xC900  }
0x67: {  	[hbm4b:s4+s2] =	stream.indirect_vreg.scatter [tilespmem:s0], [sflag:$0x1], $0x80, v4, vm0, $0xb8;
	[tilespmem:$0x10100] =	vst v63  }
0x68: {  	v3 =	vadd.s32 v1, v3;
	s0 =	simm.s32 $0xD100  }
0x69: {  	[hbm4b:s5+s2] =	stream.indirect_vreg.scatter [tilespmem:s0], [sflag:$0x1], $0x80, v4, vm0, $0xb8;
	[tilespmem:$0x10100] =	vst v63  }
0x6a: {  	s0 =	simm.s32 $0xD900  }
0x6b: {  	[hbm4b:s6+s2] =	stream.indirect_vreg.scatter [tilespmem:s0], [sflag:$0x1], $0x80, v4, vm0, $0xb8;
	[tilespmem:$0x10100] =	vst v63  }
0x6c: {  	s0 =	simm.s32 $0xE100  }
0x6d: {  	[hbm4b:s3+s2] =	stream.indirect_vreg.scatter [tilespmem:s0], [sflag:$0x1], $0x80, v3, vm0, $0xb8;
	[tilespmem:$0x10100] =	vst v63  }
0x6e: {  	s0 =	simm.s32 $0xE900  }
0x6f: {  	[hbm4b:s4+s2] =	stream.indirect_vreg.scatter [tilespmem:s0], [sflag:$0x1], $0x80, v3, vm0, $0xb8;
	[tilespmem:$0x10100] =	vst v63  }
0x70: {  	s0 =	simm.s32 $0xF100  }
0x71: {  	[hbm4b:s5+s2] =	stream.indirect_vreg.scatter [tilespmem:s0], [sflag:$0x1], $0x80, v3, vm0, $0xb8;
	[tilespmem:$0x10100] =	vst v63  }
0x72: {  	s0 =	simm.s32 $0xF900  }
0x73: {  	[hbm4b:s6+s2] =	stream.indirect_vreg.scatter [tilespmem:s0], [sflag:$0x1], $0x80, v3, vm0, $0xb8;
	[tilespmem:$0x10100] =	vst v63  }
0x74: {  	v3 =	vld [tilespmem:$0x80];
	_ =	sdelay $0x4  }
0x75: {  	v60 =	vshll.u32 v3, $0x3  }
0x76: {  	v3 =	vand.u32 $0x7, v3;
	v4 =	vand.u32 $0xFFFFFFC0, v60  }
0x77: {  	v3 =	vor.u32 v3, v4  }
0x78: {  	v4 =	vperm.xlane v3, v0;
	_ =	sdelay $0x1  }
0x79: {  	v4 =	vadd.s32 v1, v4;
	_ =	sdelay $0x4  }
0x7a: {  	[hbm4b:s3+s2] =	stream.indirect_vreg.scatter [tilespmem:s18], [sflag:$0x1], $0x80, v4, vm0, $0xb8;
	[tilespmem:$0x10100] =	vst v63  }
0x7b: {  	v3 =	vperm.xlane v3, v2  }
0x7c: {  	[hbm4b:s4+s2] =	stream.indirect_vreg.scatter [tilespmem:s19], [sflag:$0x1], $0x80, v4, vm0, $0xb8;
	[tilespmem:$0x10100] =	vst v63  }
0x7d: {  	v3 =	vadd.s32 v1, v3  }
0x7e: {  	[hbm4b:s5+s2] =	stream.indirect_vreg.scatter [tilespmem:s20], [sflag:$0x1], $0x80, v4, vm0, $0xb8;
	[tilespmem:$0x10100] =	vst v63  }
0x7f: {  	_ = 	snop  }
0x80: {  	[hbm4b:s6+s2] =	stream.indirect_vreg.scatter [tilespmem:s21], [sflag:$0x1], $0x80, v4, vm0, $0xb8;
	[tilespmem:$0x10100] =	vst v63  }
0x81: {  	_ = 	snop  }
0x82: {  	[hbm4b:s3+s2] =	stream.indirect_vreg.scatter [tilespmem:s22], [sflag:$0x1], $0x80, v3, vm0, $0xb8;
	[tilespmem:$0x10100] =	vst v63  }
0x83: {  	_ = 	snop  }
0x84: {  	[hbm4b:s4+s2] =	stream.indirect_vreg.scatter [tilespmem:s23], [sflag:$0x1], $0x80, v3, vm0, $0xb8;
	[tilespmem:$0x10100] =	vst v63  }
0x85: {  	_ = 	snop  }
0x86: {  	[hbm4b:s5+s2] =	stream.indirect_vreg.scatter [tilespmem:s24], [sflag:$0x1], $0x80, v3, vm0, $0xb8;
	[tilespmem:$0x10100] =	vst v63  }
0x87: {  	_ = 	snop  }
0x88: {  	[hbm4b:s6+s2] =	stream.indirect_vreg.scatter [tilespmem:s25], [sflag:$0x1], $0x80, v3, vm0, $0xb8;
	[tilespmem:$0x10100] =	vst v63  }
0x89: {  	v3 =	vld [tilespmem:$0x90];
	_ =	sdelay $0x4  }
0x8a: {  	v61 =	vshll.u32 v3, $0x3  }
0x8b: {  	v3 =	vand.u32 $0x7, v3;
	v4 =	vand.u32 $0xFFFFFFC0, v61  }
0x8c: {  	v3 =	vor.u32 v3, v4  }
0x8d: {  	v4 =	vperm.xlane v3, v0;
	_ =	sdelay $0x1  }
0x8e: {  	v4 =	vadd.s32 v1, v4;
	_ =	sdelay $0x4  }
0x8f: {  	[hbm4b:s3+s2] =	stream.indirect_vreg.scatter [tilespmem:s26], [sflag:$0x1], $0x80, v4, vm0, $0xb8;
	[tilespmem:$0x10100] =	vst v63  }
0x90: {  	v3 =	vperm.xlane v3, v2  }
0x91: {  	[hbm4b:s4+s2] =	stream.indirect_vreg.scatter [tilespmem:s28], [sflag:$0x1], $0x80, v4, vm0, $0xb8;
	[tilespmem:$0x10100] =	vst v63  }
0x92: {  	v3 =	vadd.s32 v1, v3  }
0x93: {  	[hbm4b:s5+s2] =	stream.indirect_vreg.scatter [tilespmem:s29], [sflag:$0x1], $0x80, v4, vm0, $0xb8;
	[tilespmem:$0x10100] =	vst v63  }
0x94: {  	_ = 	snop  }
0x95: {  	[hbm4b:s6+s2] =	stream.indirect_vreg.scatter [tilespmem:s30], [sflag:$0x1], $0x80, v4, vm0, $0xb8;
	[tilespmem:$0x10100] =	vst v63  }
0x96: {  	_ = 	snop  }
0x97: {  	[hbm4b:s3+s2] =	stream.indirect_vreg.scatter [tilespmem:s31], [sflag:$0x1], $0x80, v3, vm0, $0xb8;
	[tilespmem:$0x10100] =	vst v63  }
0x98: {  	_ = 	snop  }
0x99: {  	[hbm4b:s4+s2] =	stream.indirect_vreg.scatter [tilespmem:s1], [sflag:$0x1], $0x80, v3, vm0, $0xb8;
	[tilespmem:$0x10100] =	vst v63  }
0x9a: {  	s20 =	simm.s32 $0x7100  }
0x9b: {  	[hbm4b:s5+s2] =	stream.indirect_vreg.scatter [tilespmem:s20], [sflag:$0x1], $0x80, v3, vm0, $0xb8;
	[tilespmem:$0x10100] =	vst v63  }
0x9c: {  	_ = 	snop  }
0x9d: {  	[hbm4b:s6+s2] =	stream.indirect_vreg.scatter [tilespmem:s10], [sflag:$0x1], $0x80, v3, vm0, $0xb8;
	[tilespmem:$0x10100] =	vst v63  }
0x9e: {  	v3 =	vld [tilespmem:$0xA0];
	_ =	sdelay $0x4  }
0x9f: {  	v62 =	vshll.u32 v3, $0x3  }
0xa0: {  	v3 =	vand.u32 $0x7, v3;
	v4 =	vand.u32 $0xFFFFFFC0, v62  }
0xa1: {  	v3 =	vor.u32 v3, v4  }
0xa2: {  	v4 =	vperm.xlane v3, v0;
	_ =	sdelay $0x1  }
0xa3: {  	v4 =	vadd.s32 v1, v4;
	_ =	sdelay $0x4  }
0xa4: {  	[hbm4b:s3+s2] =	stream.indirect_vreg.scatter [tilespmem:s11], [sflag:$0x1], $0x80, v4, vm0, $0xb8;
	[tilespmem:$0x10100] =	vst v63  }
0xa5: {  	v3 =	vperm.xlane v3, v2  }
0xa6: {  	[hbm4b:s4+s2] =	stream.indirect_vreg.scatter [tilespmem:s12], [sflag:$0x1], $0x80, v4, vm0, $0xb8;
	[tilespmem:$0x10100] =	vst v63  }
0xa7: {  	v3 =	vadd.s32 v1, v3  }
0xa8: {  	[hbm4b:s5+s2] =	stream.indirect_vreg.scatter [tilespmem:s13], [sflag:$0x1], $0x80, v4, vm0, $0xb8;
	[tilespmem:$0x10100] =	vst v63  }
0xa9: {  	_ = 	snop  }
0xaa: {  	[hbm4b:s6+s2] =	stream.indirect_vreg.scatter [tilespmem:s14], [sflag:$0x1], $0x80, v4, vm0, $0xb8;
	[tilespmem:$0x10100] =	vst v63  }
0xab: {  	_ = 	snop  }
0xac: {  	[hbm4b:s3+s2] =	stream.indirect_vreg.scatter [tilespmem:s15], [sflag:$0x1], $0x80, v3, vm0, $0xb8;
	[tilespmem:$0x10100] =	vst v63  }
0xad: {  	_ = 	snop  }
0xae: {  	[hbm4b:s4+s2] =	stream.indirect_vreg.scatter [tilespmem:s16], [sflag:$0x1], $0x80, v3, vm0, $0xb8;
	[tilespmem:$0x10100] =	vst v63  }
0xaf: {  	_ = 	snop  }
0xb0: {  	[hbm4b:s5+s2] =	stream.indirect_vreg.scatter [tilespmem:s17], [sflag:$0x1], $0x80, v3, vm0, $0xb8;
	[tilespmem:$0x10100] =	vst v63  }
0xb1: {  	_ = 	snop  }
0xb2: {  	[hbm4b:s6+s2] =	stream.indirect_vreg.scatter [tilespmem:s9], [sflag:$0x1], $0x80, v3, vm0, $0xb8;
	[tilespmem:$0x10100] =	vst v63  }
0xb3: {  	v3 =	vld [tilespmem:$0xB0];
	_ =	sdelay $0x4  }
0xb4: {  	v63 =	vshll.u32 v3, $0x3  }
0xb5: {  	v3 =	vand.u32 $0x7, v3;
	v4 =	vand.u32 $0xFFFFFFC0, v63  }
0xb6: {  	v3 =	vor.u32 v3, v4  }
0xb7: {  	v4 =	vperm.xlane v3, v0;
	_ =	sdelay $0x1  }
0xb8: {  	v4 =	vadd.s32 v1, v4;
	_ =	sdelay $0x3  }
0xb9: {  	s19 =	simm.s32 $0xC100  }
0xba: {  	[hbm4b:s3+s2] =	stream.indirect_vreg.scatter [tilespmem:s19], [sflag:$0x1], $0x80, v4, vm0, $0xb8;
	[tilespmem:$0x10100] =	vst v63  }
0xbb: {  	s20 =	simm.s32 $0xC900;
	v3 =	vperm.xlane v3, v2  }
0xbc: {  	[hbm4b:s4+s2] =	stream.indirect_vreg.scatter [tilespmem:s20], [sflag:$0x1], $0x80, v4, vm0, $0xb8;
	[tilespmem:$0x10100] =	vst v63  }
0xbd: {  	v3 =	vadd.s32 v1, v3;
	s19 =	simm.s32 $0xD100  }
0xbe: {  	[hbm4b:s5+s2] =	stream.indirect_vreg.scatter [tilespmem:s19], [sflag:$0x1], $0x80, v4, vm0, $0xb8;
	[tilespmem:$0x10100] =	vst v63  }
0xbf: {  	s20 =	simm.s32 $0xD900  }
0xc0: {  	[hbm4b:s6+s2] =	stream.indirect_vreg.scatter [tilespmem:s20], [sflag:$0x1], $0x80, v4, vm0, $0xb8;
	[tilespmem:$0x10100] =	vst v63  }
0xc1: {  	s19 =	simm.s32 $0xE100  }
0xc2: {  	[hbm4b:s3+s2] =	stream.indirect_vreg.scatter [tilespmem:s19], [sflag:$0x1], $0x80, v3, vm0, $0xb8;
	[tilespmem:$0x10100] =	vst v63  }
0xc3: {  	s20 =	simm.s32 $0xE900  }
0xc4: {  	[hbm4b:s4+s2] =	stream.indirect_vreg.scatter [tilespmem:s20], [sflag:$0x1], $0x80, v3, vm0, $0xb8;
	[tilespmem:$0x10100] =	vst v63  }
0xc5: {  	s19 =	simm.s32 $0xF100  }
0xc6: {  	[hbm4b:s5+s2] =	stream.indirect_vreg.scatter [tilespmem:s19], [sflag:$0x1], $0x80, v3, vm0, $0xb8;
	[tilespmem:$0x10100] =	vst v63  }
0xc7: {  	s20 =	simm.s32 $0x1  }
0xc8: {  	[hbm4b:s6+s2] =	stream.indirect_vreg.scatter [tilespmem:s0], [sflag:$0x1], $0x80, v3, vm0, $0xb8;
	[tilespmem:$0x10100] =	vst v63  }
0xc9: {  	p0 =	sne.s32 s7, $0x1;
	_ =	swait.ge [sflag:s20], $0x10000  }
.Ltmp0:
0xca: {  	[sflag:s20] =	ssyncset.done $0x0;
	(pc) =	sbr.rel @p0 .LBB2_1-.Ltmp0, $4  }
0xcb: {  	[sflag:s20] =	ssyncadd.s32 $0xFFFF0000  }
0xcc: {  	_ =	swait.ge [sflag:s20], $0x10000  }
0xcd: {  	[sflag:s20] =	ssyncset.done $0x0  }
0xce: {  	s7 =	sadd.s32 $0xFFFFFFFF, s7;
	[sflag:s20] =	ssyncadd.s32 $0xFFFF0000  }
0xcf: {  	_ =	sfence.sel $0x180000  }
0xd0: {  	[bflag:$0x0] =	sbarrier.arrive $0xFFFF  }
0xd1: {  	_ =	strace $0x90000047  }
0xd2: {  	s0 =	stileid.u32;
	[bflag:$0x2] =	sbarrier.arrive $0xFFFF  }
0xd3: {  	p0 =	sne.s32 s0, $0x0;
	s0 =	rddreg [dreg:$0x2]  }
0xd4: {  	s0 =	sadd.s32 @!p0 $0x100000, s0  }
0xd5: {  	[sflag:s0] =	ssyncadd.tile.s32 @!p0 $0x1;
	_ =	shalt  }
.Lfunc_end2:
_tile_overlayer_lowered:
.L_overlay_start_2:
0xd6: {  	(tag) =	ssettag $0x2  }
0xd7: {  	s0 =	rddreg [dreg:$0x0];
	s2 =	stileid.u32  }
0xd8: {  	s1 =	rddreg [dreg:$0x1];
	p0 =	sne.s32 s2, $0x0  }
0xd9: {  	s3 =	rddreg [dreg:$0x2];
	[bflag:$0x3] =	sbarrier.arrive $0xFFFF;
	s2 =	simm.s32 @!p0 $0x1C02  }
0xda: {  	[timem:s3], [sflag:s2] =	dma.local @!p0 [hbm:s0], s1  }
0xdb: {  	s0 =	simm.s32 @!p0 $0x2  }
0xdc: {  	_ =	swait.ge @!p0 [sflag:s0], s1  }
0xdd: {  	s1 =	ssub.s32 @!p0 $0x0, s1;
	[sflag:s0] =	ssyncset.done @!p0 $0x0  }
0xde: {  	[sflag:s0] =	ssyncadd.s32 @!p0 s1  }
0xdf: {  	[bflag:$0x3] =	sbarrier.arrive $0xFFFF  }
0xe0: {  	_ =	shalt  }

// kernel: kernel.15.cloned.1.call-start
scs
__scs_entry_jumppad:
0x0: {  	(pc) =	sbr.rel $0x88, $3  }
0x1: {  	(tag) =	ssettag $0x0;
	lr =	simm.s32 $0x1  }
0x2: {  	[smem:$0x3F96] =	sst lr;
	_ =	strace $0xD0000000  }
0x3: {  	_ = 	snop  }
0x4: {  	_ = 	snop  }
0x5: {  	_ = 	snop  }
0x6: {  	_ = 	snop  }
0x7: {  	_ = 	snop  }
__scs_overlays_trampoline_lowered:
0x8: {  	[smem:$0x3FA5] =	sst s0  }
0x9: {  	[smem:$0x3FA6] =	sst s1  }
0xa: {  	[smem:$0x3FA7] =	sst s2  }
0xb: {  	[smem:$0x3FA8] =	sst s3  }
0xc: {  	[smem:$0x3FA9] =	sst s4  }
0xd: {  	[smem:$0x3FAA] =	sst s5  }
0xe: {  	[smem:$0x3FAB] =	sst s6  }
0xf: {  	[smem:$0x3FAC] =	sst s7  }
0x10: {  	[smem:$0x3FAD] =	sst s8  }
0x11: {  	[smem:$0x3FAE] =	sst s9;
	s0 =	simm.s32 @!p0 $0x0  }
0x12: {  	s1 =	sld [smem:$0x3F94];
	s0 =	simm.s32 @p0 $0x1  }
0x13: {  	[smem:$0x3FAF] =	sst s0;
	s0 =	simm.s32 @!p1 $0x0  }
0x14: {  	s2 =	sld [smem:$0x3F93];
	s0 =	simm.s32 @p1 $0x1  }
0x15: {  	[smem:$0x3FB0] =	sst s0;
	s0 =	simm.s32 @!p2 $0x0  }
0x16: {  	s3 =	sld [smem:$0x3FDB];
	s0 =	simm.s32 @p2 $0x1  }
0x17: {  	s4 =	simm.s32 $0x1BF5;
	[smem:$0x3FB2] =	sst s0  }
0x18: {  	s0 =	sld [smem:$0x3F95];
	_ =	swait.ge [sflag:s4], $0x0  }
0x19: {  	s7 =	sld [smem:$0x3F96]  }
0x1a: {  	s8 =	sadd.s32 $0xFFFFE003, lr  }
0x1b: {  	s9 =	sadd.s32 $0xFFFFFEF7, lr;
	s5 =	simm.s32 $0xFFFFFFFF;
	p2 =	slt.u32 s8, $0xFFFFF086  }
0x1c: {  	p1 =	slt.u32 s9, $0xF7A;
	s5 =	simm.s32 @!p2 $0x0  }
0x1d: {  	s5 =	simm.s32 @p1 $0x1;
	p0 =	seq.s32 s7, s2  }
0x1e: {  	s7 =	smul.u32 @!p0 $0xF7A, s2;
	p2 =	seq.s32 @!p0 s5, $0x0  }
0x1f: {  	s9 =	smul.u32 $0xF7A, s1;
	s8 =	simm.s32 @!p0 $0x1BF5;
	p2 =	por !p2, p0  }
0x20: {  	[sflag:s8] =	ssyncset.s32 @!p0 $0xFFFFF086;
	s6 =	sadd.s32 @!p0 s3, s7;
	s7 =	simm.s32 @!p0 $0x108  }
0x21: {  	s3 =	sadd.s32 s3, s9;
	s6 =	sadd.s32 @!p0 $0x88, s6;
	s7 =	simm.s32 @p2 $0x1082  }
0x22: {  	[simem:s7], [sflag:s8] =	dma.local @!p0 [hbm:s6], $0xF7A  }
0x23: {  	s9 =	sor.u32 $0xD0000000, s2;
	s6 =	simm.s32 $0x108;
	_ =	swait.ge @!p0 [sflag:s8], $0x0  }
0x24: {  	s3 =	sadd.s32 $0x88, s3;
	s6 =	simm.s32 @!p1 $0x1082;
	[sflag:s4] =	ssyncset.s32 $0xFFFFF086  }
0x25: {  	[simem:s6], [sflag:s4] =	dma.local [hbm:s3], $0xF7A  }
0x26: {  	[smem:$0x3F96] =	sst s1;
	(tag) =	ssettag s2;
	_ =	strace s9  }
0x27: {  	s1 =	sld [smem:$0x3FA6]  }
0x28: {  	s2 =	sld [smem:$0x3FA7]  }
0x29: {  	s4 =	sld [smem:$0x3FA9]  }
0x2a: {  	p0 =	seq.s32 s5, $0x0;
	s5 =	sld [smem:$0x3FAA]  }
0x2b: {  	s6 =	sld [smem:$0x3FAB]  }
0x2c: {  	s7 =	sld [smem:$0x3FAC]  }
0x2d: {  	s3 =	simm.s32 $0x108;
	s8 =	sld [smem:$0x3FAD]  }
0x2e: {  	s3 =	simm.s32 @!p0 $0x1082;
	s9 =	sld [smem:$0x3FAE]  }
0x2f: {  	lr =	sadd.s32 s0, s3;
	s0 =	sld [smem:$0x3FA5]  }
0x30: {  	s3 =	sld [smem:$0x3FA8]  }
0x31: {  	[smem:$0x3FB1] =	sst s10  }
0x32: {  	s10 =	sld [smem:$0x3FAF];
	_ =	sdelay $0x3  }
0x33: {  	p0 =	seq.s32 s10, $0x1;
	s10 =	sld [smem:$0x3FB1];
	_ =	sdelay $0x3  }
0x34: {  	[smem:$0x3FB1] =	sst s10  }
0x35: {  	s10 =	sld [smem:$0x3FB0];
	_ =	sdelay $0x3  }
0x36: {  	p1 =	seq.s32 s10, $0x1;
	s10 =	sld [smem:$0x3FB1];
	_ =	sdelay $0x3  }
0x37: {  	[smem:$0x3FB1] =	sst s10  }
0x38: {  	s10 =	sld [smem:$0x3FB2]  }
0x39: {  	_ = 	snop;
	(pc) =	sbr.ind lr, $3  }
0x3a: {  	_ = 	snop  }
0x3b: {  	_ = 	snop  }
0x3c: {  	p2 =	seq.s32 s10, $0x1;
	s10 =	sld [smem:$0x3FB1]  }
0x3d: {  	_ =	shalt  }
0x3e: {  	_ =	shalt  }
0x3f: {  	_ =	shalt  }
0x40: {  	_ =	shalt  }
0x41: {  	_ =	shalt  }
0x42: {  	_ =	shalt  }
0x43: {  	_ =	shalt  }
0x44: {  	_ =	shalt  }
0x45: {  	_ =	shalt  }
0x46: {  	_ =	shalt  }
0x47: {  	_ =	shalt  }
0x48: {  	_ =	shalt  }
0x49: {  	_ =	shalt  }
0x4a: {  	_ =	shalt  }
0x4b: {  	_ =	shalt  }
0x4c: {  	_ =	shalt  }
0x4d: {  	_ =	shalt  }
0x4e: {  	_ =	shalt  }
0x4f: {  	_ =	shalt  }
0x50: {  	_ =	shalt  }
0x51: {  	_ =	shalt  }
0x52: {  	_ =	shalt  }
0x53: {  	_ =	shalt  }
0x54: {  	_ =	shalt  }
0x55: {  	_ =	shalt  }
0x56: {  	_ =	shalt  }
0x57: {  	_ =	shalt  }
0x58: {  	_ =	shalt  }
0x59: {  	_ =	shalt  }
0x5a: {  	_ =	shalt  }
0x5b: {  	_ =	shalt  }
0x5c: {  	_ =	shalt  }
0x5d: {  	_ =	shalt  }
0x5e: {  	_ =	shalt  }
0x5f: {  	_ =	shalt  }
0x60: {  	_ =	shalt  }
0x61: {  	_ =	shalt  }
0x62: {  	_ =	shalt  }
0x63: {  	_ =	shalt  }
0x64: {  	_ =	shalt  }
0x65: {  	_ =	shalt  }
0x66: {  	_ =	shalt  }
0x67: {  	_ =	shalt  }
0x68: {  	_ =	shalt  }
0x69: {  	_ =	shalt  }
0x6a: {  	_ =	shalt  }
0x6b: {  	_ =	shalt  }
0x6c: {  	_ =	shalt  }
0x6d: {  	_ =	shalt  }
0x6e: {  	_ =	shalt  }
0x6f: {  	_ =	shalt  }
0x70: {  	_ =	shalt  }
0x71: {  	_ =	shalt  }
0x72: {  	_ =	shalt  }
0x73: {  	_ =	shalt  }
0x74: {  	_ =	shalt  }
0x75: {  	_ =	shalt  }
0x76: {  	_ =	shalt  }
0x77: {  	_ =	shalt  }
0x78: {  	_ =	shalt  }
0x79: {  	_ =	shalt  }
0x7a: {  	_ =	shalt  }
0x7b: {  	_ =	shalt  }
0x7c: {  	_ =	shalt  }
0x7d: {  	_ =	shalt  }
0x7e: {  	_ =	shalt  }
0x7f: {  	_ =	shalt  }
0x80: {  	_ =	shalt  }
0x81: {  	_ =	shalt  }
0x82: {  	_ =	shalt  }
0x83: {  	_ =	shalt  }
0x84: {  	_ =	shalt  }
0x85: {  	_ =	shalt  }
0x86: {  	_ =	shalt  }
0x87: {  	_ =	shalt  }
.Lfunc_end0:
.L_simem_size_0:
called_computation.1_lowered:
.L_overlay_start_0:
0x88: {  	s2 =	sld [smem:$0x3FD9]  }
0x89: {  	s3 =	sld [smem:$0x3FFE];
	_ =	sdelay $0x1  }
0x8a: {  	s1 =	srdreg.scid  }
0x8b: {  	s0 =	sand.u32 $0x1, s1  }
0x8c: {  	s17 =	sshll.u32 s0, $0xA;
	s2 =	sadd.s32 s3, s2  }
0x8d: {  	s2 =	sadd.s32 s2, s17  }
0x8e: {  	[smem:$0x3FBD] =	sst s2  }
0x8f: {  	_ = 	snop  }
0x90: {  	s2 =	sld [smem:$0x3FD0];
	(tm) =	ssettm $0x1  }
0x91: {  	s18 =	sld [smem:$0x3FFB];
	_ =	sdelay $0x3  }
0x92: {  	_ =	strace s18  }
0x93: {  	s3 =	sld [smem:$0x3FFC];
	_ =	sdelay $0x3  }
0x94: {  	_ =	strace s3  }
0x95: {  	s3 =	sld [smem:$0x3FFD];
	_ =	sdelay $0x3  }
0x96: {  	_ =	strace s3  }
0x97: {  	_ =	strace $0x8FFFFFFF  }
0x98: {  	s19 =	sld [smem:$0x3FDB];
	_ =	sdelay $0x1  }
0x99: {  	s4 =	simm.s32 $_scs_section_size  }
0x9a: {  	s5 =	simm.s32 $_size__tile_overlayer_lowered;
	s6 =	simm.s32 $_tile_overlayer_lowered  }
0x9b: {  	s22 =	simm.s32 $0x1BFF;
	s21 =	sshll.u32 s6, $0x1;
	s3 =	sadd.s32 s4, s19  }
0x9c: {  	s7 =	simm.s32 $0x0;
	s20 =	sshll.u32 s5, $0x1;
	s5 =	sadd.s32 s21, s3  }
0x9d: {  	[timem:s7], [sflag:s22] =	dma.local [hbm:s5], s20  }
0x9e: {  	_ =	swait.ge [sflag:s22], s20  }
0x9f: {  	s4 =	ssub.s32 $0x0, s20;
	[sflag:s22] =	ssyncset.done $0x0  }
0xa0: {  	[sflag:s22] =	ssyncadd.s32 s4;
	_ =	sdelay $0x1  }
0xa1: {  	s23 =	simm.s32 $0x1B8B  }
0xa2: {  	_ =	swait.ge [sflag:s23], $0x1  }
0xa3: {  	[sflag:s23] =	ssyncset.done $0x0  }
0xa4: {  	s25 =	simm.s32 $0x1B8E;
	s24 =	sld [smem:$0x3FFE];
	[sflag:s23] =	ssyncadd.s32 $0xFFFFFFFF  }
0xa5: {  	s26 =	simm.s32 $execute0_lowered;
	[smem:$0x3FD2] =	sst s25  }
0xa6: {  	s5 =	sshll.u32 s26, $0x1;
	_ =	strace $0x80000049;
	[dreg:$0x1] =	wrdreg $0xFFFFFFFF  }
0xa7: {  	s28 =	simm.s32 $_size_execute0_lowered;
	s3 =	sadd.s32 s3, s5;
	[dreg:$0x0] =	wrdreg $0x0  }
0xa8: {  	s5 =	sshll.u32 s28, $0x1;
	[dreg:$0x2] =	wrdreg s3  }
0xa9: {  	[dreg:$0x3] =	wrdreg s5  }
0xaa: {  	[dreg:$0x4] =	wrdreg $0xC0  }
0xab: {  	_ =	task [dreg:s7], $0x5FFFF  }
0xac: {  	[dreg:$0x1] =	wrdreg $0xFFFFFFFF  }
0xad: {  	[dreg:$0x0] =	wrdreg $0x60  }
0xae: {  	[dreg:$0x2] =	wrdreg s24  }
0xaf: {  	[dreg:$0x3] =	wrdreg s2  }
0xb0: {  	[dreg:$0x4] =	wrdreg $0x9  }
0xb1: {  	_ =	task.clear_ibuf [dreg:s7], $0x5FFFF;
	_ =	strace $0x90000049  }
0xb2: {  	s29 =	simm.s32 $0x9;
	_ =	strace $0x8000004B  }
0xb3: {  	_ =	swait.ge [sflag:s29], $0x1  }
0xb4: {  	[sflag:s29] =	ssyncadd.s32 $0xFFFFFFFF  }
0xb5: {  	_ =	strace $0x9000004B  }
0xb6: {  	_ =	sfence  }
0xb7: {  	s30 =	sld [smem:$0x0];
	_ =	sdelay $0x2  }
0xb8: {  	s31 =	sshll.u32 s1, $0xD;
	s1 =	sshrl.u32 s1, $0x2  }
0xb9: {  	s3 =	sand.u32 $0x4000, s31;
	s1 =	sadd.s32 s1, s30  }
0xba: {  	s0 =	sor.u32 s3, s0;
	s1 =	sshll.u32 s1, $0x11  }
0xbb: {  	s0 =	sor.u32 s1, s0  }
0xbc: {  	s0 =	sadd.s32 $0x8F2B, s0  }
0xbd: {  	[sflag:s0] =	ssyncadd.remote.s32 $0x1  }
0xbe: {  	_ =	sfence.sel $0xFFFF  }
0xbf: {  	[dreg:$0x0] =	wrdreg $0xFFFFFFFF;
	(pc) =	sbr.abs _section_cstart, $3  }
0xc0: {  	[dreg:$0x1] =	wrdreg $0xFFFFFFFF  }
0xc1: {  	_ =	task.clear_ibuf [dreg:s7], $0x2FFFF;
	_ =	strace $0x9FFFFFFF  }
0xc2: {  	(tm) =	ssettm $0x7FFFFFFF  }
0xc3: {  	_ =	shalt  }
tec
execute0_lowered:
.L_overlay_start_1:
0x0: {  	(tag) =	ssettag $0x1  }
0x1: {  	s0 =	rddreg [dreg:$0x0]  }
0x2: {  	s1 =	rddreg [dreg:$0x1]  }
0x3: {  	s3 =	srdreg.scid;
	s5 =	stileid.u32  }
0x4: {  	s2 =	simm.s32 $0x0;
	s26 =	simm.s32 $0x80;
	s18 =	simm.s32 $0x1  }
0x5: {  	s28 =	simm.s32 $0x3900;
	s29 =	simm.s32 $0x4100;
	s30 =	simm.s32 $0x4900  }
0x6: {  	s31 =	simm.s32 $0x5100;
	s10 =	simm.s32 $0x6900;
	s11 =	simm.s32 $0x7100  }
0x7: {  	s12 =	simm.s32 $0x7900;
	s13 =	simm.s32 $0x8900;
	s14 =	simm.s32 $0x9100  }
0x8: {  	s15 =	simm.s32 $0x9900;
	s16 =	simm.s32 $0xA100;
	s17 =	simm.s32 $0xA900  }
0x9: {  	s4 =	sand.u32 $0x1, s3;
	s21 =	sshll.u32 s5, $0x1;
	[smem:$0x7FF] =	sst s2  }
0xa: {  	s7 =	sadd.s32 $0x43800, s0;
	s5 =	sor.u32 s4, s21;
	_ =	strace $0x8000004A  }
0xb: {  	s4 =	ssub.s32 $0x2, s4;
	[dreg:$0x9] =	wrdreg s26;
	s21 =	simm.s32 $0x1100  }
0xc: {  	s26 =	simm.s32 $0x3100;
	s3 =	sshll.u32 s5, $0x4;
	s8 =	sshrl.u32 s4, $0x1  }
0xd: {  	s5 =	sshll.u32 s5, $0xD;
	s6 =	sadd.s32 s3, s0;
	s3 =	sadd.s32 $0x203800, s0  }
0xe: {  	s8 =	ssub.s32 s4, s8;
	s22 =	sadd.s32 s1, s5;
	s24 =	sor.u32 $0x1000, s5  }
0xf: {  	s23 =	sadd.s32 s7, s5;
	s4 =	sadd.s32 $0x203900, s0;
	s5 =	sadd.s32 $0x203A00, s0  }
0x10: {  	s9 =	sadd.s32 $0x3400, s6;
	s6 =	sadd.s32 $0x3600, s6;
	[dreg:$0x5] =	wrdreg s22  }
0x11: {  	[dreg:$0x6] =	wrdreg s23;
	s1 =	sadd.s32 s1, s24;
	s25 =	sadd.s32 s7, s24  }
0x12: {  	s7 =	smax.u32 s8, $0x1;
	s8 =	simm.s32 $0x2;
	[dreg:$0x3] =	wrdreg s9  }
0x13: {  	v2 =	vlaneseq.u32;
	s22 =	simm.s32 $0x1900;
	s23 =	simm.s32 $0x2100;
	[dreg:$0x4] =	wrdreg s6  }
0x14: {  	vm0 =	vmmov $0xffff;
	v1 =	vshrl.u32 v2, $0x3;
	s24 =	simm.s32 $0x2900;
	[dreg:$0x7] =	wrdreg s1;
	s6 =	sadd.s32 $0x203B00, s0  }
0x15: {  	v0 =	vand.u32 $0x7, v2;
	v2 =	vor.u32 $0x8, v2;
	v1 =	vmul.u32 $0x8, v1;
	[dreg:$0x8] =	wrdreg s25;
	s25 =	simm.s32 $0x100;
	s9 =	simm.s32 $0xB100  }
.LBB2_1:
0x16: {  	s19 =	rddreg [dreg:$0x3]  }
0x17: {  	[tilespmem:s2], [sflag:$0x2] =	stream.linear.gather [hbm4b:s19+s2], $0x80, $0x38;
	[tilespmem:$0x10100] =	vst v63  }
0x18: {  	_ =	swait.ge [sflag:s8], $0x80  }
0x19: {  	s1 =	rddreg [dreg:$0x4];
	[sflag:s8] =	ssyncset.done $0x0  }
0x1a: {  	s20 =	rddreg [dreg:$0x9];
	[sflag:s8] =	ssyncadd.s32 $0xFFFFFF80  }
0x1b: {  	[tilespmem:s20], [sflag:$0x2] =	stream.linear.gather [hbm4b:s1+s2], $0x80, $0x38;
	[tilespmem:$0x10100] =	vst v63  }
0x1c: {  	_ =	swait.ge [sflag:s8], $0x80  }
0x1d: {  	[sflag:s8] =	ssyncset.done $0x0  }
0x1e: {  	[sflag:s8] =	ssyncadd.s32 $0xFFFFFF80  }
0x1f: {  	v3 =	vld [tilespmem:$0x0];
	_ =	sdelay $0x4  }
0x20: {  	v4 =	vshll.u32 v3, $0x3  }
0x21: {  	v3 =	vand.u32 $0x7, v3;
	v4 =	vand.u32 $0xFFFFFFC0, v4  }
0x22: {  	v3 =	vor.u32 v3, v4  }
0x23: {  	v4 =	vperm.xlane v3, v0;
	_ =	sdelay $0x1  }
0x24: {  	v4 =	vadd.s32 v1, v4;
	_ =	sdelay $0x4  }
0x25: {  	[tilespmem:s25], [sflag:$0x1] =	stream.indirect_vreg.gather [hbm4b:s3+s2], $0x80, v4, vm0, $0xb8;
	[tilespmem:$0x10100] =	vst v63  }
0x26: {  	s20 =	simm.s32 $0x900;
	v3 =	vperm.xlane v3, v2  }
0x27: {  	[tilespmem:s20], [sflag:$0x1] =	stream.indirect_vreg.gather [hbm4b:s4+s2], $0x80, v4, vm0, $0xb8;
	[tilespmem:$0x10100] =	vst v63  }
0x28: {  	v3 =	vadd.s32 v1, v3  }
0x29: {  	[tilespmem:s21], [sflag:$0x1] =	stream.indirect_vreg.gather [hbm4b:s5+s2], $0x80, v4, vm0, $0xb8;
	[tilespmem:$0x10100] =	vst v63  }
0x2a: {  	_ = 	snop  }
0x2b: {  	[tilespmem:s22], [sflag:$0x1] =	stream.indirect_vreg.gather [hbm4b:s6+s2], $0x80, v4, vm0, $0xb8;
	[tilespmem:$0x10100] =	vst v63  }
0x2c: {  	_ = 	snop  }
0x2d: {  	[tilespmem:s23], [sflag:$0x1] =	stream.indirect_vreg.gather [hbm4b:s3+s2], $0x80, v3, vm0, $0xb8;
	[tilespmem:$0x10100] =	vst v63  }
0x2e: {  	_ = 	snop  }
0x2f: {  	[tilespmem:s24], [sflag:$0x1] =	stream.indirect_vreg.gather [hbm4b:s4+s2], $0x80, v3, vm0, $0xb8;
	[tilespmem:$0x10100] =	vst v63  }
0x30: {  	_ = 	snop  }
0x31: {  	[tilespmem:s26], [sflag:$0x1] =	stream.indirect_vreg.gather [hbm4b:s5+s2], $0x80, v3, vm0, $0xb8;
	[tilespmem:$0x10100] =	vst v63  }
0x32: {  	_ = 	snop  }
0x33: {  	[tilespmem:s28], [sflag:$0x1] =	stream.indirect_vreg.gather [hbm4b:s6+s2], $0x80, v3, vm0, $0xb8;
	[tilespmem:$0x10100] =	vst v63  }
0x34: {  	v3 =	vld [tilespmem:$0x10];
	_ =	sdelay $0x4  }
0x35: {  	v57 =	vshll.u32 v3, $0x3  }
0x36: {  	v3 =	vand.u32 $0x7, v3;
	v4 =	vand.u32 $0xFFFFFFC0, v57  }
0x37: {  	v3 =	vor.u32 v3, v4  }
0x38: {  	v4 =	vperm.xlane v3, v0;
	_ =	sdelay $0x1  }
0x39: {  	v4 =	vadd.s32 v1, v4;
	_ =	sdelay $0x4  }
0x3a: {  	[tilespmem:s29], [sflag:$0x1] =	stream.indirect_vreg.gather [hbm4b:s3+s2], $0x80, v4, vm0, $0xb8;
	[tilespmem:$0x10100] =	vst v63  }
0x3b: {  	v3 =	vperm.xlane v3, v2  }
0x3c: {  	[tilespmem:s30], [sflag:$0x1] =	stream.indirect_vreg.gather [hbm4b:s4+s2], $0x80, v4, vm0, $0xb8;
	[tilespmem:$0x10100] =	vst v63  }
0x3d: {  	v3 =	vadd.s32 v1, v3  }
0x3e: {  	[tilespmem:s31], [sflag:$0x1] =	stream.indirect_vreg.gather [hbm4b:s5+s2], $0x80, v4, vm0, $0xb8;
	[tilespmem:$0x10100] =	vst v63  }
0x3f: {  	s0 =	simm.s32 $0x5900  }
0x40: {  	[tilespmem:s0], [sflag:$0x1] =	stream.indirect_vreg.gather [hbm4b:s6+s2], $0x80, v4, vm0, $0xb8;
	[tilespmem:$0x10100] =	vst v63  }
0x41: {  	s1 =	simm.s32 $0x6100  }
0x42: {  	[tilespmem:s1], [sflag:$0x1] =	stream.indirect_vreg.gather [hbm4b:s3+s2], $0x80, v3, vm0, $0xb8;
	[tilespmem:$0x10100] =	vst v63  }
0x43: {  	_ = 	snop  }
0x44: {  	[tilespmem:s10], [sflag:$0x1] =	stream.indirect_vreg.gather [hbm4b:s4+s2], $0x80, v3, vm0, $0xb8;
	[tilespmem:$0x10100] =	vst v63  }
0x45: {  	_ = 	snop  }
0x46: {  	[tilespmem:s11], [sflag:$0x1] =	stream.indirect_vreg.gather [hbm4b:s5+s2], $0x80, v3, vm0, $0xb8;
	[tilespmem:$0x10100] =	vst v63  }
0x47: {  	_ = 	snop  }
0x48: {  	[tilespmem:s12], [sflag:$0x1] =	stream.indirect_vreg.gather [hbm4b:s6+s2], $0x80, v3, vm0, $0xb8;
	[tilespmem:$0x10100] =	vst v63  }
0x49: {  	v3 =	vld [tilespmem:$0x80];
	_ =	sdelay $0x4  }
0x4a: {  	v58 =	vshll.u32 v3, $0x3  }
0x4b: {  	v3 =	vand.u32 $0x7, v3;
	v4 =	vand.u32 $0xFFFFFFC0, v58  }
0x4c: {  	v3 =	vor.u32 v3, v4  }
0x4d: {  	v4 =	vperm.xlane v3, v0;
	_ =	sdelay $0x1  }
0x4e: {  	v4 =	vadd.s32 v1, v4;
	_ =	sdelay $0x3  }
0x4f: {  	s0 =	simm.s32 $0x8100  }
0x50: {  	[tilespmem:s0], [sflag:$0x1] =	stream.indirect_vreg.gather [hbm4b:s3+s2], $0x80, v4, vm0, $0xb8;
	[tilespmem:$0x10100] =	vst v63  }
0x51: {  	v3 =	vperm.xlane v3, v2  }
0x52: {  	[tilespmem:s13], [sflag:$0x1] =	stream.indirect_vreg.gather [hbm4b:s4+s2], $0x80, v4, vm0, $0xb8;
	[tilespmem:$0x10100] =	vst v63  }
0x53: {  	v3 =	vadd.s32 v1, v3  }
0x54: {  	[tilespmem:s14], [sflag:$0x1] =	stream.indirect_vreg.gather [hbm4b:s5+s2], $0x80, v4, vm0, $0xb8;
	[tilespmem:$0x10100] =	vst v63  }
0x55: {  	_ = 	snop  }
0x56: {  	[tilespmem:s15], [sflag:$0x1] =	stream.indirect_vreg.gather [hbm4b:s6+s2], $0x80, v4, vm0, $0xb8;
	[tilespmem:$0x10100] =	vst v63  }
0x57: {  	_ = 	snop  }
0x58: {  	[tilespmem:s16], [sflag:$0x1] =	stream.indirect_vreg.gather [hbm4b:s3+s2], $0x80, v3, vm0, $0xb8;
	[tilespmem:$0x10100] =	vst v63  }
0x59: {  	_ = 	snop  }
0x5a: {  	[tilespmem:s17], [sflag:$0x1] =	stream.indirect_vreg.gather [hbm4b:s4+s2], $0x80, v3, vm0, $0xb8;
	[tilespmem:$0x10100] =	vst v63  }
0x5b: {  	_ = 	snop  }
0x5c: {  	[tilespmem:s9], [sflag:$0x1] =	stream.indirect_vreg.gather [hbm4b:s5+s2], $0x80, v3, vm0, $0xb8;
	[tilespmem:$0x10100] =	vst v63  }
0x5d: {  	s19 =	simm.s32 $0xB900  }
0x5e: {  	[tilespmem:s19], [sflag:$0x1] =	stream.indirect_vreg.gather [hbm4b:s6+s2], $0x80, v3, vm0, $0xb8;
	[tilespmem:$0x10100] =	vst v63  }
0x5f: {  	v3 =	vld [tilespmem:$0x90];
	_ =	sdelay $0x4  }
0x60: {  	v59 =	vshll.u32 v3, $0x3  }
0x61: {  	v3 =	vand.u32 $0x7, v3;
	v4 =	vand.u32 $0xFFFFFFC0, v59  }
0x62: {  	v3 =	vor.u32 v3, v4  }
0x63: {  	v4 =	vperm.xlane v3, v0;
	_ =	sdelay $0x1  }
0x64: {  	v4 =	vadd.s32 v1, v4;
	_ =	sdelay $0x3  }
0x65: {  	s19 =	simm.s32 $0xC100  }
0x66: {  	[tilespmem:s19], [sflag:$0x1] =	stream.indirect_vreg.gather [hbm4b:s3+s2], $0x80, v4, vm0, $0xb8;
	[tilespmem:$0x10100] =	vst v63  }
0x67: {  	v3 =	vperm.xlane v3, v2;
	s19 =	simm.s32 $0xC900  }
0x68: {  	[tilespmem:s19], [sflag:$0x1] =	stream.indirect_vreg.gather [hbm4b:s4+s2], $0x80, v4, vm0, $0xb8;
	[tilespmem:$0x10100] =	vst v63  }
0x69: {  	v3 =	vadd.s32 v1, v3;
	s19 =	simm.s32 $0xD100  }
0x6a: {  	[tilespmem:s19], [sflag:$0x1] =	stream.indirect_vreg.gather [hbm4b:s5+s2], $0x80, v4, vm0, $0xb8;
	[tilespmem:$0x10100] =	vst v63  }
0x6b: {  	s19 =	simm.s32 $0xD900  }
0x6c: {  	[tilespmem:s19], [sflag:$0x1] =	stream.indirect_vreg.gather [hbm4b:s6+s2], $0x80, v4, vm0, $0xb8;
	[tilespmem:$0x10100] =	vst v63  }
0x6d: {  	s19 =	simm.s32 $0xE100  }
0x6e: {  	[tilespmem:s19], [sflag:$0x1] =	stream.indirect_vreg.gather [hbm4b:s3+s2], $0x80, v3, vm0, $0xb8;
	[tilespmem:$0x10100] =	vst v63  }
0x6f: {  	s19 =	simm.s32 $0xE900  }
0x70: {  	[tilespmem:s19], [sflag:$0x1] =	stream.indirect_vreg.gather [hbm4b:s4+s2], $0x80, v3, vm0, $0xb8;
	[tilespmem:$0x10100] =	vst v63  }
0x71: {  	s19 =	simm.s32 $0xF100  }
0x72: {  	[tilespmem:s19], [sflag:$0x1] =	stream.indirect_vreg.gather [hbm4b:s5+s2], $0x80, v3, vm0, $0xb8;
	[tilespmem:$0x10100] =	vst v63  }
0x73: {  	s19 =	simm.s32 $0xF900  }
0x74: {  	[tilespmem:s19], [sflag:$0x1] =	stream.indirect_vreg.gather [hbm4b:s6+s2], $0x80, v3, vm0, $0xb8;
	[tilespmem:$0x10100] =	vst v63  }
0x75: {  	_ =	swait.ge [sflag:s18], $0x8000  }
0x76: {  	[sflag:s18] =	ssyncset.done $0x0  }
0x77: {  	[sflag:s18] =	ssyncadd.s32 $0xFFFF8000  }
0x78: {  	_ =	swait.ge [sflag:s18], $0x8000  }
0x79: {  	[sflag:s18] =	ssyncset.done $0x0  }
0x7a: {  	s19 =	rddreg [dreg:$0x5];
	[sflag:s18] =	ssyncadd.s32 $0xFFFF8000  }
0x7b: {  	[hbm4b:s19+s2] =	stream.linear.scatter [tilespmem:s25], [sflag:$0x2], $0x8000, $0x38;
	[tilespmem:$0x10100] =	vst v63  }
0x7c: {  	_ =	swait.ge [sflag:s8], $0x8000  }
0x7d: {  	[sflag:s8] =	ssyncset.done $0x0  }
0x7e: {  	s19 =	rddreg [dreg:$0x6];
	[sflag:s8] =	ssyncadd.s32 $0xFFFF8000  }
0x7f: {  	[hbm4b:s19+s2] =	stream.linear.scatter [tilespmem:s0], [sflag:$0x2], $0x8000, $0x38;
	[tilespmem:$0x10100] =	vst v63  }
0x80: {  	_ =	swait.ge [sflag:s8], $0x8000  }
0x81: {  	[sflag:s8] =	ssyncset.done $0x0  }
0x82: {  	[sflag:s8] =	ssyncadd.s32 $0xFFFF8000  }
0x83: {  	v3 =	vld [tilespmem:$0x20];
	_ =	sdelay $0x4  }
0x84: {  	v60 =	vshll.u32 v3, $0x3  }
0x85: {  	v3 =	vand.u32 $0x7, v3;
	v4 =	vand.u32 $0xFFFFFFC0, v60  }
0x86: {  	v3 =	vor.u32 v3, v4  }
0x87: {  	v4 =	vperm.xlane v3, v0;
	_ =	sdelay $0x1  }
0x88: {  	v4 =	vadd.s32 v1, v4;
	_ =	sdelay $0x4  }
0x89: {  	[tilespmem:s25], [sflag:$0x1] =	stream.indirect_vreg.gather [hbm4b:s3+s2], $0x80, v4, vm0, $0xb8;
	[tilespmem:$0x10100] =	vst v63  }
0x8a: {  	v3 =	vperm.xlane v3, v2  }
0x8b: {  	[tilespmem:s20], [sflag:$0x1] =	stream.indirect_vreg.gather [hbm4b:s4+s2], $0x80, v4, vm0, $0xb8;
	[tilespmem:$0x10100] =	vst v63  }
0x8c: {  	v3 =	vadd.s32 v1, v3  }
0x8d: {  	[tilespmem:s21], [sflag:$0x1] =	stream.indirect_vreg.gather [hbm4b:s5+s2], $0x80, v4, vm0, $0xb8;
	[tilespmem:$0x10100] =	vst v63  }
0x8e: {  	_ = 	snop  }
0x8f: {  	[tilespmem:s22], [sflag:$0x1] =	stream.indirect_vreg.gather [hbm4b:s6+s2], $0x80, v4, vm0, $0xb8;
	[tilespmem:$0x10100] =	vst v63  }
0x90: {  	_ = 	snop  }
0x91: {  	[tilespmem:s23], [sflag:$0x1] =	stream.indirect_vreg.gather [hbm4b:s3+s2], $0x80, v3, vm0, $0xb8;
	[tilespmem:$0x10100] =	vst v63  }
0x92: {  	_ = 	snop  }
0x93: {  	[tilespmem:s24], [sflag:$0x1] =	stream.indirect_vreg.gather [hbm4b:s4+s2], $0x80, v3, vm0, $0xb8;
	[tilespmem:$0x10100] =	vst v63  }
0x94: {  	_ = 	snop  }
0x95: {  	[tilespmem:s26], [sflag:$0x1] =	stream.indirect_vreg.gather [hbm4b:s5+s2], $0x80, v3, vm0, $0xb8;
	[tilespmem:$0x10100] =	vst v63  }
0x96: {  	_ = 	snop  }
0x97: {  	[tilespmem:s28], [sflag:$0x1] =	stream.indirect_vreg.gather [hbm4b:s6+s2], $0x80, v3, vm0, $0xb8;
	[tilespmem:$0x10100] =	vst v63  }
0x98: {  	v3 =	vld [tilespmem:$0x30];
	_ =	sdelay $0x4  }
0x99: {  	v61 =	vshll.u32 v3, $0x3  }
0x9a: {  	v3 =	vand.u32 $0x7, v3;
	v4 =	vand.u32 $0xFFFFFFC0, v61  }
0x9b: {  	v3 =	vor.u32 v3, v4  }
0x9c: {  	v4 =	vperm.xlane v3, v0;
	_ =	sdelay $0x1  }
0x9d: {  	v4 =	vadd.s32 v1, v4;
	_ =	sdelay $0x4  }
0x9e: {  	[tilespmem:s29], [sflag:$0x1] =	stream.indirect_vreg.gather [hbm4b:s3+s2], $0x80, v4, vm0, $0xb8;
	[tilespmem:$0x10100] =	vst v63  }
0x9f: {  	v3 =	vperm.xlane v3, v2  }
0xa0: {  	[tilespmem:s30], [sflag:$0x1] =	stream.indirect_vreg.gather [hbm4b:s4+s2], $0x80, v4, vm0, $0xb8;
	[tilespmem:$0x10100] =	vst v63  }
0xa1: {  	v3 =	vadd.s32 v1, v3  }
0xa2: {  	[tilespmem:s31], [sflag:$0x1] =	stream.indirect_vreg.gather [hbm4b:s5+s2], $0x80, v4, vm0, $0xb8;
	[tilespmem:$0x10100] =	vst v63  }
0xa3: {  	s20 =	simm.s32 $0x5900  }
0xa4: {  	[tilespmem:s20], [sflag:$0x1] =	stream.indirect_vreg.gather [hbm4b:s6+s2], $0x80, v4, vm0, $0xb8;
	[tilespmem:$0x10100] =	vst v63  }
0xa5: {  	_ = 	snop  }
0xa6: {  	[tilespmem:s1], [sflag:$0x1] =	stream.indirect_vreg.gather [hbm4b:s3+s2], $0x80, v3, vm0, $0xb8;
	[tilespmem:$0x10100] =	vst v63  }
0xa7: {  	_ = 	snop  }
0xa8: {  	[tilespmem:s10], [sflag:$0x1] =	stream.indirect_vreg.gather [hbm4b:s4+s2], $0x80, v3, vm0, $0xb8;
	[tilespmem:$0x10100] =	vst v63  }
0xa9: {  	_ = 	snop  }
0xaa: {  	[tilespmem:s11], [sflag:$0x1] =	stream.indirect_vreg.gather [hbm4b:s5+s2], $0x80, v3, vm0, $0xb8;
	[tilespmem:$0x10100] =	vst v63  }
0xab: {  	_ = 	snop  }
0xac: {  	[tilespmem:s12], [sflag:$0x1] =	stream.indirect_vreg.gather [hbm4b:s6+s2], $0x80, v3, vm0, $0xb8;
	[tilespmem:$0x10100] =	vst v63  }
0xad: {  	v3 =	vld [tilespmem:$0xA0];
	_ =	sdelay $0x4  }
0xae: {  	v62 =	vshll.u32 v3, $0x3  }
0xaf: {  	v3 =	vand.u32 $0x7, v3;
	v4 =	vand.u32 $0xFFFFFFC0, v62  }
0xb0: {  	v3 =	vor.u32 v3, v4  }
0xb1: {  	v4 =	vperm.xlane v3, v0;
	_ =	sdelay $0x1  }
0xb2: {  	v4 =	vadd.s32 v1, v4;
	_ =	sdelay $0x4  }
0xb3: {  	[tilespmem:s0], [sflag:$0x1] =	stream.indirect_vreg.gather [hbm4b:s3+s2], $0x80, v4, vm0, $0xb8;
	[tilespmem:$0x10100] =	vst v63  }
0xb4: {  	v3 =	vperm.xlane v3, v2  }
0xb5: {  	[tilespmem:s13], [sflag:$0x1] =	stream.indirect_vreg.gather [hbm4b:s4+s2], $0x80, v4, vm0, $0xb8;
	[tilespmem:$0x10100] =	vst v63  }
0xb6: {  	v3 =	vadd.s32 v1, v3  }
0xb7: {  	[tilespmem:s14], [sflag:$0x1] =	stream.indirect_vreg.gather [hbm4b:s5+s2], $0x80, v4, vm0, $0xb8;
	[tilespmem:$0x10100] =	vst v63  }
0xb8: {  	_ = 	snop  }
0xb9: {  	[tilespmem:s15], [sflag:$0x1] =	stream.indirect_vreg.gather [hbm4b:s6+s2], $0x80, v4, vm0, $0xb8;
	[tilespmem:$0x10100] =	vst v63  }
0xba: {  	_ = 	snop  }
0xbb: {  	[tilespmem:s16], [sflag:$0x1] =	stream.indirect_vreg.gather [hbm4b:s3+s2], $0x80, v3, vm0, $0xb8;
	[tilespmem:$0x10100] =	vst v63  }
0xbc: {  	_ = 	snop  }
0xbd: {  	[tilespmem:s17], [sflag:$0x1] =	stream.indirect_vreg.gather [hbm4b:s4+s2], $0x80, v3, vm0, $0xb8;
	[tilespmem:$0x10100] =	vst v63  }
0xbe: {  	_ = 	snop  }
0xbf: {  	[tilespmem:s9], [sflag:$0x1] =	stream.indirect_vreg.gather [hbm4b:s5+s2], $0x80, v3, vm0, $0xb8;
	[tilespmem:$0x10100] =	vst v63  }
0xc0: {  	s20 =	simm.s32 $0xB900  }
0xc1: {  	[tilespmem:s20], [sflag:$0x1] =	stream.indirect_vreg.gather [hbm4b:s6+s2], $0x80, v3, vm0, $0xb8;
	[tilespmem:$0x10100] =	vst v63  }
0xc2: {  	v3 =	vld [tilespmem:$0xB0];
	_ =	sdelay $0x4  }
0xc3: {  	v63 =	vshll.u32 v3, $0x3  }
0xc4: {  	v3 =	vand.u32 $0x7, v3;
	v4 =	vand.u32 $0xFFFFFFC0, v63  }
0xc5: {  	v3 =	vor.u32 v3, v4  }
0xc6: {  	v4 =	vperm.xlane v3, v0;
	_ =	sdelay $0x1  }
0xc7: {  	v4 =	vadd.s32 v1, v4;
	_ =	sdelay $0x3  }
0xc8: {  	s19 =	simm.s32 $0xC100  }
0xc9: {  	[tilespmem:s19], [sflag:$0x1] =	stream.indirect_vreg.gather [hbm4b:s3+s2], $0x80, v4, vm0, $0xb8;
	[tilespmem:$0x10100] =	vst v63  }
0xca: {  	s20 =	simm.s32 $0xC900;
	v3 =	vperm.xlane v3, v2  }
0xcb: {  	[tilespmem:s20], [sflag:$0x1] =	stream.indirect_vreg.gather [hbm4b:s4+s2], $0x80, v4, vm0, $0xb8;
	[tilespmem:$0x10100] =	vst v63  }
0xcc: {  	v3 =	vadd.s32 v1, v3;
	s19 =	simm.s32 $0xD100  }
0xcd: {  	[tilespmem:s19], [sflag:$0x1] =	stream.indirect_vreg.gather [hbm4b:s5+s2], $0x80, v4, vm0, $0xb8;
	[tilespmem:$0x10100] =	vst v63  }
0xce: {  	s20 =	simm.s32 $0xD900  }
0xcf: {  	[tilespmem:s20], [sflag:$0x1] =	stream.indirect_vreg.gather [hbm4b:s6+s2], $0x80, v4, vm0, $0xb8;
	[tilespmem:$0x10100] =	vst v63  }
0xd0: {  	s19 =	simm.s32 $0xE100  }
0xd1: {  	[tilespmem:s19], [sflag:$0x1] =	stream.indirect_vreg.gather [hbm4b:s3+s2], $0x80, v3, vm0, $0xb8;
	[tilespmem:$0x10100] =	vst v63  }
0xd2: {  	s20 =	simm.s32 $0xE900  }
0xd3: {  	[tilespmem:s20], [sflag:$0x1] =	stream.indirect_vreg.gather [hbm4b:s4+s2], $0x80, v3, vm0, $0xb8;
	[tilespmem:$0x10100] =	vst v63  }
0xd4: {  	s19 =	simm.s32 $0xF100  }
0xd5: {  	[tilespmem:s19], [sflag:$0x1] =	stream.indirect_vreg.gather [hbm4b:s5+s2], $0x80, v3, vm0, $0xb8;
	[tilespmem:$0x10100] =	vst v63  }
0xd6: {  	s20 =	simm.s32 $0xF900  }
0xd7: {  	[tilespmem:s20], [sflag:$0x1] =	stream.indirect_vreg.gather [hbm4b:s6+s2], $0x80, v3, vm0, $0xb8;
	[tilespmem:$0x10100] =	vst v63  }
0xd8: {  	_ =	swait.ge [sflag:s18], $0x8000  }
0xd9: {  	[sflag:s18] =	ssyncset.done $0x0  }
0xda: {  	[sflag:s18] =	ssyncadd.s32 $0xFFFF8000  }
0xdb: {  	_ =	swait.ge [sflag:s18], $0x8000  }
0xdc: {  	[sflag:s18] =	ssyncset.done $0x0  }
0xdd: {  	s1 =	rddreg [dreg:$0x7];
	[sflag:s18] =	ssyncadd.s32 $0xFFFF8000  }
0xde: {  	[hbm4b:s1+s2] =	stream.linear.scatter [tilespmem:s25], [sflag:$0x2], $0x8000, $0x38;
	[tilespmem:$0x10100] =	vst v63  }
0xdf: {  	_ =	swait.ge [sflag:s8], $0x8000  }
0xe0: {  	p0 =	sne.s32 s7, $0x1;
	[sflag:s8] =	ssyncset.done $0x0  }
.Ltmp0:
0xe1: {  	s20 =	rddreg [dreg:$0x8];
	[sflag:s8] =	ssyncadd.s32 $0xFFFF8000;
	(pc) =	sbr.rel @p0 .LBB2_1-.Ltmp0, $4  }
0xe2: {  	[hbm4b:s20+s2] =	stream.linear.scatter [tilespmem:s0], [sflag:$0x2], $0x8000, $0x38;
	[tilespmem:$0x10100] =	vst v63  }
0xe3: {  	_ =	swait.ge [sflag:s8], $0x8000  }
0xe4: {  	[sflag:s8] =	ssyncset.done $0x0  }
0xe5: {  	s7 =	sadd.s32 $0xFFFFFFFF, s7;
	[sflag:s8] =	ssyncadd.s32 $0xFFFF8000  }
0xe6: {  	_ =	sfence.sel $0x180000  }
0xe7: {  	[bflag:$0x0] =	sbarrier.arrive $0xFFFF  }
0xe8: {  	_ =	strace $0x9000004A  }
0xe9: {  	s0 =	stileid.u32;
	[bflag:$0x2] =	sbarrier.arrive $0xFFFF  }
0xea: {  	p0 =	sne.s32 s0, $0x0;
	s0 =	rddreg [dreg:$0x2]  }
0xeb: {  	s0 =	sadd.s32 @!p0 $0x100000, s0  }
0xec: {  	[sflag:s0] =	ssyncadd.tile.s32 @!p0 $0x1;
	_ =	shalt  }
.Lfunc_end2:
_tile_overlayer_lowered:
.L_overlay_start_2:
0xed: {  	(tag) =	ssettag $0x2  }
0xee: {  	s0 =	rddreg [dreg:$0x0];
	s2 =	stileid.u32  }
0xef: {  	s1 =	rddreg [dreg:$0x1];
	p0 =	sne.s32 s2, $0x0  }
0xf0: {  	s3 =	rddreg [dreg:$0x2];
	[bflag:$0x3] =	sbarrier.arrive $0xFFFF;
	s2 =	simm.s32 @!p0 $0x1C02  }
0xf1: {  	[timem:s3], [sflag:s2] =	dma.local @!p0 [hbm:s0], s1  }
0xf2: {  	s0 =	simm.s32 @!p0 $0x2  }
0xf3: {  	_ =	swait.ge @!p0 [sflag:s0], s1  }
0xf4: {  	s1 =	ssub.s32 @!p0 $0x0, s1;
	[sflag:s0] =	ssyncset.done @!p0 $0x0  }
0xf5: {  	[sflag:s0] =	ssyncadd.s32 @!p0 s1  }
0xf6: {  	[bflag:$0x3] =	sbarrier.arrive $0xFFFF  }
0xf7: {  	_ =	shalt  }

</sc_bundles>
